<compile_context>
chip_gen: v7x
topology: tpu7x:2x2x1
jax: 0.10.2.dev20260603
libtpu: 0.0.44.dev20260713+nightly
codegen_flags: <defaults>
</compile_context>

<pallas_src>
import functools

import jax
import jax.numpy as jnp
from jax import lax
from jax.experimental import pallas as pl
from jax.experimental.pallas import tpu as pltpu
from jax.experimental.pallas import tpu_sc as plsc

N = 10000
E = 320000
NC = 2
NS = 16
NW = NC * NS
EPT = E // NW
K = 100
NCHUNK = 100
SP = N // NS

_mesh = plsc.VectorSubcoreMesh(
    core_axis_name="c", subcore_axis_name="s", num_cores=NC, num_subcores=NS
)
_params = pltpu.CompilerParams(use_tc_tiling_on_sc=False, needs_layout_passes=False)


def _fill_rows(buf, nrows, width, value):
    v = jnp.full((16,), value, jnp.float32)

    def body(i, _):
        for j in range(width // 16):
            buf[i, pl.ds(j * 16, 16)] = v
        return 0

    lax.fori_loop(0, nrows, body, 0)


@functools.partial(
    pl.kernel,
    out_type=jax.ShapeDtypeStruct((NW, N), jnp.float32),
    mesh=_mesh,
    scratch_types=[
        pltpu.VMEM((N,), jnp.float32),
        pltpu.VMEM((EPT,), jnp.int32),
    ],
    compiler_params=_params,
)
def _deg_kernel(dst_hbm, out_hbm, acc, idx):
    cid = lax.axis_index("c")
    sid = lax.axis_index("s")
    wid = cid * NS + sid

    pltpu.sync_copy(dst_hbm.at[pl.ds(wid * EPT, EPT)], idx)
    zeros = jnp.zeros((16,), jnp.float32)

    def zbody(i, _):
        acc[pl.ds(i * 16, 16)] = zeros
        return 0

    lax.fori_loop(0, N // 16, zbody, 0)
    ones = jnp.ones((16,), jnp.float32)

    def body(i, _):
        iv = idx[pl.ds(i * 16, 16)]
        plsc.addupdate_scatter(acc, [iv], ones)
        return 0

    lax.fori_loop(0, EPT // 16, body, 0)
    pltpu.sync_copy(acc, out_hbm.at[wid])


def _make_agg(d):
    @functools.partial(
        pl.kernel,
        out_type=jax.ShapeDtypeStruct((NC, N, d), jnp.float32),
        mesh=_mesh,
        scratch_types=[
            pltpu.VMEM_SHARED((N + 8, d), jnp.float32),
            pltpu.VMEM((2, K, d), jnp.float32),
            pltpu.VMEM((NCHUNK, K), jnp.int32),
            pltpu.VMEM((NCHUNK, K), jnp.int32),
            pltpu.SemaphoreType.DMA,
            pltpu.SemaphoreType.DMA,
        ],
        compiler_params=_params,
    )
    def _agg(h_hbm, edges_hbm, out_hbm,
             acc, rows, sidx, didx, sem0, sem1):
        cid = lax.axis_index("c")
        sid = lax.axis_index("s")
        wid = cid * NS + sid
        sems = (sem0, sem1)

        pltpu.sync_copy(edges_hbm.at[0, pl.ds(wid * NCHUNK, NCHUNK)], sidx)
        pltpu.sync_copy(edges_hbm.at[1, pl.ds(wid * NCHUNK, NCHUNK)], didx)
        _fill_rows(rows.at[0], K, d, 0.0)
        for t in range(SP // K):
            pltpu.sync_copy(rows.at[0], acc.at[pl.ds(sid * SP + t * K, K)])
        rem = SP - (SP // K) * K
        pltpu.sync_copy(
            rows.at[0, pl.ds(0, rem)],
            acc.at[pl.ds(sid * SP + (SP // K) * K, rem)],
        )
        plsc.subcore_barrier()

        def gather(c, b):
            pltpu.async_copy(h_hbm.at[sidx.at[c]], rows.at[b], sems[b])

        def wait_scatter(c, b):
            pltpu.make_async_copy(
                h_hbm.at[sidx.at[c]], rows.at[b], sems[b]
            ).wait()
            pltpu.sync_copy(rows.at[b], acc.at[didx.at[c]], add=True)

        gather(0, 0)
        gather(1, 1)

        def body(i, _):
            c = 2 * i
            wait_scatter(c, 0)
            gather(c + 2, 0)
            wait_scatter(c + 1, 1)
            gather(c + 3, 1)
            return 0

        lax.fori_loop(0, NCHUNK // 2 - 1, body, 0)
        if NCHUNK % 2:
            wait_scatter(NCHUNK - 3, 0)
            gather(NCHUNK - 1, 0)
            wait_scatter(NCHUNK - 2, 1)
            wait_scatter(NCHUNK - 1, 0)
        else:
            wait_scatter(NCHUNK - 2, 0)
            wait_scatter(NCHUNK - 1, 1)

        plsc.subcore_barrier()
        pltpu.sync_copy(
            acc.at[pl.ds(sid * SP, SP)], out_hbm.at[cid, pl.ds(sid * SP, SP)]
        )

    return _agg


_agg128 = _make_agg(128)
_agg64 = _make_agg(64)


BM = 1000


def _scale_body(dp_ref, x_ref, w_ref, dinv_ref, hp_ref):
    deg = jnp.sum(dp_ref[...], axis=0)[:, None] + 1.0
    dinv = lax.rsqrt(jnp.maximum(deg, 1e-12))
    dinv_ref[...] = dinv
    hp_ref[...] = jnp.dot(
        x_ref[...], w_ref[...], preferred_element_type=jnp.float32
    ) * dinv


def _mid_body(p_ref, hp_ref, dinv_ref, b1_ref, w2_ref, out_ref):
    dinv = dinv_ref[...]
    pp = p_ref[...]
    a = dinv * (pp[0] + pp[1] + hp_ref[...]) + b1_ref[...]
    z = jnp.maximum(a, 0.0)
    out_ref[...] = jnp.dot(
        z, w2_ref[...], preferred_element_type=jnp.float32
    ) * dinv


def _final_body(q_ref, hp_ref, dinv_ref, b2_ref, out_ref):
    dinv = dinv_ref[...]
    qq = q_ref[...]
    s = dinv * (qq[0] + qq[1] + hp_ref[...]) + b2_ref[...]
    m = jnp.max(s, axis=1, keepdims=True)
    e = jnp.exp(s - m)
    out_ref[...] = e / jnp.sum(e, axis=1, keepdims=True)


def _row_spec(w):
    return pl.BlockSpec((BM, w), lambda i: (i, 0))


def _dinv_spec():
    return pl.BlockSpec((BM, 1), lambda i: (i, 0))


def kernel(x, edge_index, W1, b1, W2, b2):
    e3 = edge_index.astype(jnp.int32).reshape(2, NW * NCHUNK, K)

    deg_parts = _deg_kernel(e3[1].reshape(E))

    grid = (N // BM,)

    dinv, h1p = pl.pallas_call(
        _scale_body,
        out_shape=[
            jax.ShapeDtypeStruct((N, 1), jnp.float32),
            jax.ShapeDtypeStruct((N, 128), jnp.float32),
        ],
    )(deg_parts, x, W1)

    p = _agg128(h1p, e3)

    h2p = pl.pallas_call(
        _mid_body,
        grid=grid,
        in_specs=[
            pl.BlockSpec((2, BM, 128), lambda i: (0, i, 0)),
            _row_spec(128),
            _dinv_spec(),
            pl.BlockSpec((128,), lambda i: (0,)),
            pl.BlockSpec((128, 64), lambda i: (0, 0)),
        ],
        out_specs=_row_spec(64),
        out_shape=jax.ShapeDtypeStruct((N, 64), jnp.float32),
    )(p, h1p, dinv, b1, W2)

    q = _agg64(h2p, e3)

    out = pl.pallas_call(
        _final_body,
        grid=grid,
        in_specs=[
            pl.BlockSpec((2, BM, 64), lambda i: (0, i, 0)),
            _row_spec(64),
            _dinv_spec(),
            pl.BlockSpec((64,), lambda i: (0,)),
        ],
        out_specs=_row_spec(64),
        out_shape=jax.ShapeDtypeStruct((N, 64), jnp.float32),
    )(q, h2p, dinv, b2)

    return out

# --- scband reference (transcript-rebuilt; emitter-appended) ---
"""Pipeline reference for scband-gcn-50208167690258 (READ-ONLY COPY).

The authoritative reference and input builder live on the scoring server;
editing this copy changes nothing except your own understanding.
"""

import jax, jax.numpy as jnp
import numpy as np

N_NODES = 10000
N_EDGES = 320000
D_IN = 128
D_HID = 128
D_OUT = 64


def setup_inputs(seed: int = 0) -> dict:
    key = jax.random.key(seed)
    k1, k2, k3, k4, k5, k6 = jax.random.split(key, 6)
    x = jax.random.normal(k1, (N_NODES, D_IN), dtype=jnp.float32)
    edge_index = jax.random.randint(k2, (2, N_EDGES), 0, N_NODES, dtype=jnp.int64)
    W1 = jax.random.normal(k3, (D_IN, D_HID), dtype=jnp.float32) * (1.0 / np.sqrt(D_IN))
    b1 = jnp.zeros((D_HID,), dtype=jnp.float32)
    W2 = jax.random.normal(k4, (D_HID, D_OUT), dtype=jnp.float32) * (1.0 / np.sqrt(D_HID))
    b2 = jnp.zeros((D_OUT,), dtype=jnp.float32)
    return {"x": x, "edge_index": edge_index, "W1": W1, "b1": b1, "W2": W2, "b2": b2}


def _gcn_conv(x, edge_index, W, b):
    # Standard GCN convolution: D^{-1/2} (A + I) D^{-1/2} X W + b
    n = x.shape[0]
    loop = jnp.arange(n, dtype=edge_index.dtype)
    src = jnp.concatenate([edge_index[0], loop])
    dst = jnp.concatenate([edge_index[1], loop])
    ones = jnp.ones(src.shape[0], dtype=x.dtype)
    deg = jax.ops.segment_sum(ones, dst, num_segments=n)
    dinv = jax.lax.rsqrt(jnp.maximum(deg, 1e-12))
    norm = dinv[src] * dinv[dst]
    h = x @ W  # transform first (d_out <= d_in)
    msg = h[src] * norm[:, None]  # gather (memory bound)
    out = jnp.zeros((n, h.shape[1]), dtype=h.dtype).at[dst].add(msg)  # scatter-add
    return out + b


def reference(x, edge_index, W1, b1, W2, b2):
    h = _gcn_conv(x, edge_index, W1, b1)
    h = jax.nn.relu(h)
    # nn.Dropout in eval mode -> identity
    h = _gcn_conv(h, edge_index, W2, b2)
    # nn.Softmax() with dim=None on 2D input -> softmax over dim=1
    return jax.nn.softmax(h, axis=1)

if __name__ == "__main__":
    import jax
    _d = setup_inputs()
    print(jax.jit(kernel)(*tuple(_d.values())))

</pallas_src>

<mosaic_0001>
#map = affine_map<(d0, d1) -> (0)>
#map1 = affine_map<(d0, d1) -> (0, 0)>
module attributes {stable_mosaic.version = 14 : i64} {
  func.func @_deg_kernel(%arg0: i32, %arg1: i32, %arg2: memref<320000xi32, #tpu.memory_space<hbm>>, %arg3: memref<32x10000xf32, #tpu.memory_space<hbm>>, %arg4: memref<10000xf32, #tpu.memory_space<vmem>>, %arg5: memref<10000xi32, #tpu.memory_space<vmem>>) attributes {dimension_semantics = [#tpu.dimension_semantics<core_parallel>, #tpu.dimension_semantics<subcore_parallel>], iteration_bounds = array<i64: 2, 16>, scalar_prefetch = 0 : i64, scratch_operands = 2 : i64, tpu.core_type = #tpu.core_type<sc_vector_subcore>, window_params = [{transform_indices = #map}, {transform_indices = #map1}]} {
    %mul3A = arith.constant 16 : i32
    %mul3A_0 = arith.muli %arg0, %mul3A : i32
    %add3A = arith.addi %mul3A_0, %arg1 : i32
    %mul3A_1 = arith.constant 10000 : i32
    %mul3A_2 = arith.muli %add3A, %mul3A_1 : i32
    "tpu.region"() ({
      %run_scoped3A = tpu.sem_alloc : memref<!tpu.dma_semaphore, #tpu.memory_space<semaphore_mem>>
      %dma_start3A = tpu.memref_slice %arg2[%mul3A_2] : memref<320000xi32, #tpu.memory_space<hbm>> -> memref<10000xi32, #tpu.memory_space<hbm>>
      %dma_start3A_19 = tpu.memref_slice %arg2[%mul3A_2] : memref<320000xi32, #tpu.memory_space<hbm>> -> memref<10000xi32, #tpu.memory_space<hbm>>
      tpu.enqueue_dma source(%dma_start3A_19 : memref<10000xi32, #tpu.memory_space<hbm>>) target(%arg5 : memref<10000xi32, #tpu.memory_space<vmem>>) target_semaphore(%run_scoped3A : memref<!tpu.dma_semaphore, #tpu.memory_space<semaphore_mem>>)
      %dma_wait3A = tpu.memref_slice %arg2[%mul3A_2] : memref<320000xi32, #tpu.memory_space<hbm>> -> memref<10000xi32, #tpu.memory_space<hbm>>
      %dma_wait3A_20 = tpu.memref_slice %arg2[%mul3A_2] : memref<320000xi32, #tpu.memory_space<hbm>> -> memref<10000xi32, #tpu.memory_space<hbm>>
      tpu.wait_dma2 semaphore(%run_scoped3A : memref<!tpu.dma_semaphore, #tpu.memory_space<semaphore_mem>>) src(%dma_wait3A_20 : memref<10000xi32, #tpu.memory_space<hbm>>) dst(%arg5 : memref<10000xi32, #tpu.memory_space<vmem>>)
      tpu.yield
    }) : () -> ()
    %broadcast_in_dim3A = arith.constant 0.000000e+00 : f32
    %broadcast_in_dim3A_3 = vector.broadcast %broadcast_in_dim3A : f32 to vector<16xf32>
    %scan3A = arith.constant 0 : i32
    %scan3A_4 = arith.constant 0 : i32
    %scan3A_5 = arith.constant 625 : i32
    %scan3A_6 = arith.addi %scan3A_4, %scan3A_5 : i32
    %scan3A_7 = arith.constant 1 : i32
    %scan3A_8 = scf.for %scan3A_19 = %scan3A_4 to %scan3A_6 step %scan3A_7 iter_args(%scan3A_20 = %scan3A) -> (i32)  : i32 {
      %mul3A_21 = arith.constant 16 : i32
      %mul3A_22 = arith.muli %scan3A_19, %mul3A_21 : i32
      %swap3A = arith.index_cast %mul3A_22 : i32 to index
      %swap3A_23 = tpu.vector_load %arg4[%swap3A] {strides = array<i32>} : memref<10000xf32, #tpu.memory_space<vmem>>, vector<16xf32>,
      tpu.vector_store %arg4[%swap3A], %broadcast_in_dim3A_3 {strides = array<i32>} : memref<10000xf32, #tpu.memory_space<vmem>>, vector<16xf32>,
      %scan3A_24 = arith.constant 0 : i32
      scf.yield %scan3A_24 : i32
    }
    %scan3A_9 = arith.constant 625 : i32
    %broadcast_in_dim3A_10 = arith.constant 1.000000e+00 : f32
    %broadcast_in_dim3A_11 = vector.broadcast %broadcast_in_dim3A_10 : f32 to vector<16xf32>
    %scan3A_12 = arith.constant 0 : i32
    %scan3A_13 = arith.constant 0 : i32
    %scan3A_14 = arith.constant 625 : i32
    %scan3A_15 = arith.addi %scan3A_13, %scan3A_14 : i32
    %scan3A_16 = arith.constant 1 : i32
    %scan3A_17 = scf.for %scan3A_19 = %scan3A_13 to %scan3A_15 step %scan3A_16 iter_args(%scan3A_20 = %scan3A_12) -> (i32)  : i32 {
      %mul3A_21 = arith.constant 16 : i32
      %mul3A_22 = arith.muli %scan3A_19, %mul3A_21 : i32
      %get3A = arith.index_cast %mul3A_22 : i32 to index
      %get3A_23 = tpu.vector_load %arg5[%get3A] {strides = array<i32>} : memref<10000xi32, #tpu.memory_space<vmem>>, vector<16xi32>,
      tpu.vector_store_idx %arg4[%get3A_23], %broadcast_in_dim3A_11 {add = true} : memref<10000xf32, #tpu.memory_space<vmem>>[vector<16xi32>], vector<16xf32>,
      %scan3A_24 = arith.constant 0 : i32
      scf.yield %scan3A_24 : i32
    }
    %scan3A_18 = arith.constant 625 : i32
    "tpu.region"() ({
      %run_scoped3A = tpu.sem_alloc : memref<!tpu.dma_semaphore, #tpu.memory_space<semaphore_mem>>
      %dma_start3A = arith.constant 0 : i32
      %dma_start3A_19 = tpu.memref_slice %arg3[%add3A, %dma_start3A] : memref<32x10000xf32, #tpu.memory_space<hbm>> -> memref<1x10000xf32, #tpu.memory_space<hbm>>
      %dma_start3A_20 = tpu.memref_squeeze %dma_start3A_19 : memref<1x10000xf32, #tpu.memory_space<hbm>> -> memref<10000xf32, #tpu.memory_space<hbm>>
      %dma_start3A_21 = arith.constant 0 : i32
      %dma_start3A_22 = tpu.memref_slice %arg3[%add3A, %dma_start3A_21] : memref<32x10000xf32, #tpu.memory_space<hbm>> -> memref<1x10000xf32, #tpu.memory_space<hbm>>
      %dma_start3A_23 = tpu.memref_squeeze %dma_start3A_22 : memref<1x10000xf32, #tpu.memory_space<hbm>> -> memref<10000xf32, #tpu.memory_space<hbm>>
      tpu.enqueue_dma source(%arg4 : memref<10000xf32, #tpu.memory_space<vmem>>) target(%dma_start3A_23 : memref<10000xf32, #tpu.memory_space<hbm>>) target_semaphore(%run_scoped3A : memref<!tpu.dma_semaphore, #tpu.memory_space<semaphore_mem>>)
      %dma_wait3A = arith.constant 0 : i32
      %dma_wait3A_24 = tpu.memref_slice %arg3[%add3A, %dma_wait3A] : memref<32x10000xf32, #tpu.memory_space<hbm>> -> memref<1x10000xf32, #tpu.memory_space<hbm>>
      %dma_wait3A_25 = tpu.memref_squeeze %dma_wait3A_24 : memref<1x10000xf32, #tpu.memory_space<hbm>> -> memref<10000xf32, #tpu.memory_space<hbm>>
      %dma_wait3A_26 = arith.constant 0 : i32
      %dma_wait3A_27 = tpu.memref_slice %arg3[%add3A, %dma_wait3A_26] : memref<32x10000xf32, #tpu.memory_space<hbm>> -> memref<1x10000xf32, #tpu.memory_space<hbm>>
      %dma_wait3A_28 = tpu.memref_squeeze %dma_wait3A_27 : memref<1x10000xf32, #tpu.memory_space<hbm>> -> memref<10000xf32, #tpu.memory_space<hbm>>
      tpu.wait_dma2 semaphore(%run_scoped3A : memref<!tpu.dma_semaphore, #tpu.memory_space<semaphore_mem>>) src(%arg4 : memref<10000xf32, #tpu.memory_space<vmem>>) dst(%dma_wait3A_28 : memref<10000xf32, #tpu.memory_space<hbm>>)
      tpu.yield
    }) : () -> ()
    return
  }
}

#map = affine_map<(d0, d1) -> (0, 0)>
#map1 = affine_map<(d0, d1) -> (0, 0, 0)>
module attributes {stable_mosaic.version = 14 : i64} {
  func.func @_agg(%arg0: i32, %arg1: i32, %arg2: memref<10000x64xf32, #tpu.memory_space<hbm>>, %arg3: memref<2x3200x100xi32, #tpu.memory_space<hbm>>, %arg4: memref<2x10000x64xf32, #tpu.memory_space<hbm>>, %arg5: memref<10008x64xf32, #tpu.memory_space<vmem_shared>>, %arg6: memref<2x100x64xf32, #tpu.memory_space<vmem>>, %arg7: memref<100x100xi32, #tpu.memory_space<vmem>>, %arg8: memref<100x100xi32, #tpu.memory_space<vmem>>, %arg9: memref<!tpu.dma_semaphore, #tpu.memory_space<semaphore_mem>>, %arg10: memref<!tpu.dma_semaphore, #tpu.memory_space<semaphore_mem>>) attributes {dimension_semantics = [#tpu.dimension_semantics<core_parallel>, #tpu.dimension_semantics<subcore_parallel>], iteration_bounds = array<i64: 2, 16>, scalar_prefetch = 0 : i64, scratch_operands = 6 : i64, tpu.core_type = #tpu.core_type<sc_vector_subcore>, window_params = [{transform_indices = #map}, {transform_indices = #map1}, {transform_indices = #map1}]} {
    %mul3A = arith.constant 16 : i32
    %mul3A_0 = arith.muli %arg0, %mul3A : i32
    %add3A = arith.addi %mul3A_0, %arg1 : i32
    %mul3A_1 = arith.constant 100 : i32
    %mul3A_2 = arith.muli %add3A, %mul3A_1 : i32
    %run_scoped3A = arith.constant 0 : i32
    "tpu.region"() ({
      %run_scoped3A_111 = tpu.sem_alloc : memref<!tpu.dma_semaphore, #tpu.memory_space<semaphore_mem>>
      %dma_start3A_112 = arith.constant 0 : i32
      %dma_start3A_113 = tpu.memref_slice %arg3[%run_scoped3A, %mul3A_2, %dma_start3A_112] : memref<2x3200x100xi32, #tpu.memory_space<hbm>> -> memref<1x100x100xi32, #tpu.memory_space<hbm>>
      %dma_start3A_114 = tpu.memref_squeeze %dma_start3A_113 : memref<1x100x100xi32, #tpu.memory_space<hbm>> -> memref<100x100xi32, #tpu.memory_space<hbm>>
      %dma_start3A_115 = arith.constant 0 : i32
      %dma_start3A_116 = tpu.memref_slice %arg3[%run_scoped3A, %mul3A_2, %dma_start3A_115] : memref<2x3200x100xi32, #tpu.memory_space<hbm>> -> memref<1x100x100xi32, #tpu.memory_space<hbm>>
      %dma_start3A_117 = tpu.memref_squeeze %dma_start3A_116 : memref<1x100x100xi32, #tpu.memory_space<hbm>> -> memref<100x100xi32, #tpu.memory_space<hbm>>
      tpu.enqueue_dma source(%dma_start3A_117 : memref<100x100xi32, #tpu.memory_space<hbm>>) target(%arg7 : memref<100x100xi32, #tpu.memory_space<vmem>>) target_semaphore(%run_scoped3A_111 : memref<!tpu.dma_semaphore, #tpu.memory_space<semaphore_mem>>)
      %dma_wait3A_118 = arith.constant 0 : i32
      %dma_wait3A_119 = tpu.memref_slice %arg3[%run_scoped3A, %mul3A_2, %dma_wait3A_118] : memref<2x3200x100xi32, #tpu.memory_space<hbm>> -> memref<1x100x100xi32, #tpu.memory_space<hbm>>
      %dma_wait3A_120 = tpu.memref_squeeze %dma_wait3A_119 : memref<1x100x100xi32, #tpu.memory_space<hbm>> -> memref<100x100xi32, #tpu.memory_space<hbm>>
      %dma_wait3A_121 = arith.constant 0 : i32
      %dma_wait3A_122 = tpu.memref_slice %arg3[%run_scoped3A, %mul3A_2, %dma_wait3A_121] : memref<2x3200x100xi32, #tpu.memory_space<hbm>> -> memref<1x100x100xi32, #tpu.memory_space<hbm>>
      %dma_wait3A_123 = tpu.memref_squeeze %dma_wait3A_122 : memref<1x100x100xi32, #tpu.memory_space<hbm>> -> memref<100x100xi32, #tpu.memory_space<hbm>>
      tpu.wait_dma2 semaphore(%run_scoped3A_111 : memref<!tpu.dma_semaphore, #tpu.memory_space<semaphore_mem>>) src(%dma_wait3A_123 : memref<100x100xi32, #tpu.memory_space<hbm>>) dst(%arg7 : memref<100x100xi32, #tpu.memory_space<vmem>>)
      tpu.yield
    }) : () -> ()
    %mul3A_3 = arith.constant 100 : i32
    %mul3A_4 = arith.muli %add3A, %mul3A_3 : i32
    %run_scoped3A_5 = arith.constant 1 : i32
    "tpu.region"() ({
      %run_scoped3A_111 = tpu.sem_alloc : memref<!tpu.dma_semaphore, #tpu.memory_space<semaphore_mem>>
      %dma_start3A_112 = arith.constant 0 : i32
      %dma_start3A_113 = tpu.memref_slice %arg3[%run_scoped3A_5, %mul3A_4, %dma_start3A_112] : memref<2x3200x100xi32, #tpu.memory_space<hbm>> -> memref<1x100x100xi32, #tpu.memory_space<hbm>>
      %dma_start3A_114 = tpu.memref_squeeze %dma_start3A_113 : memref<1x100x100xi32, #tpu.memory_space<hbm>> -> memref<100x100xi32, #tpu.memory_space<hbm>>
      %dma_start3A_115 = arith.constant 0 : i32
      %dma_start3A_116 = tpu.memref_slice %arg3[%run_scoped3A_5, %mul3A_4, %dma_start3A_115] : memref<2x3200x100xi32, #tpu.memory_space<hbm>> -> memref<1x100x100xi32, #tpu.memory_space<hbm>>
      %dma_start3A_117 = tpu.memref_squeeze %dma_start3A_116 : memref<1x100x100xi32, #tpu.memory_space<hbm>> -> memref<100x100xi32, #tpu.memory_space<hbm>>
      tpu.enqueue_dma source(%dma_start3A_117 : memref<100x100xi32, #tpu.memory_space<hbm>>) target(%arg8 : memref<100x100xi32, #tpu.memory_space<vmem>>) target_semaphore(%run_scoped3A_111 : memref<!tpu.dma_semaphore, #tpu.memory_space<semaphore_mem>>)
      %dma_wait3A_118 = arith.constant 0 : i32
      %dma_wait3A_119 = tpu.memref_slice %arg3[%run_scoped3A_5, %mul3A_4, %dma_wait3A_118] : memref<2x3200x100xi32, #tpu.memory_space<hbm>> -> memref<1x100x100xi32, #tpu.memory_space<hbm>>
      %dma_wait3A_120 = tpu.memref_squeeze %dma_wait3A_119 : memref<1x100x100xi32, #tpu.memory_space<hbm>> -> memref<100x100xi32, #tpu.memory_space<hbm>>
      %dma_wait3A_121 = arith.constant 0 : i32
      %dma_wait3A_122 = tpu.memref_slice %arg3[%run_scoped3A_5, %mul3A_4, %dma_wait3A_121] : memref<2x3200x100xi32, #tpu.memory_space<hbm>> -> memref<1x100x100xi32, #tpu.memory_space<hbm>>
      %dma_wait3A_123 = tpu.memref_squeeze %dma_wait3A_122 : memref<1x100x100xi32, #tpu.memory_space<hbm>> -> memref<100x100xi32, #tpu.memory_space<hbm>>
      tpu.wait_dma2 semaphore(%run_scoped3A_111 : memref<!tpu.dma_semaphore, #tpu.memory_space<semaphore_mem>>) src(%dma_wait3A_123 : memref<100x100xi32, #tpu.memory_space<hbm>>) dst(%arg8 : memref<100x100xi32, #tpu.memory_space<vmem>>)
      tpu.yield
    }) : () -> ()
    %broadcast_in_dim3A = arith.constant 0.000000e+00 : f32
    %broadcast_in_dim3A_6 = vector.broadcast %broadcast_in_dim3A : f32 to vector<16xf32>
    %scan3A = arith.constant 0 : i32
    %scan3A_7 = arith.constant 0 : i32
    %scan3A_8 = arith.constant 0 : i32
    %scan3A_9 = arith.constant 100 : i32
    %scan3A_10 = arith.addi %scan3A_8, %scan3A_9 : i32
    %scan3A_11 = arith.constant 1 : i32
    %scan3A_12 = scf.for %scan3A_111 = %scan3A_8 to %scan3A_10 step %scan3A_11 iter_args(%scan3A_112 = %scan3A_7) -> (i32)  : i32 {
      %swap3A = arith.constant 0 : i32
      %swap3A_113 = arith.constant 0 : i32
      %swap3A_114 = tpu.memref_slice %arg6[%scan3A, %swap3A, %swap3A_113] : memref<2x100x64xf32, #tpu.memory_space<vmem>> -> memref<1x100x64xf32, #tpu.memory_space<vmem>>
      %swap3A_115 = tpu.memref_squeeze %swap3A_114 : memref<1x100x64xf32, #tpu.memory_space<vmem>> -> memref<100x64xf32, #tpu.memory_space<vmem>>
      %swap3A_116 = arith.index_cast %scan3A_111 : i32 to index
      %swap3A_117 = arith.constant 0 : index
      %swap3A_118 = tpu.vector_load %swap3A_115[%swap3A_116, %swap3A_117] {strides = array<i32>} : memref<100x64xf32, #tpu.memory_space<vmem>>, vector<16xf32>,
      tpu.vector_store %swap3A_115[%swap3A_116, %swap3A_117], %broadcast_in_dim3A_6 {strides = array<i32>} : memref<100x64xf32, #tpu.memory_space<vmem>>, vector<16xf32>,
      %swap3A_119 = arith.constant 0 : i32
      %swap3A_120 = arith.constant 0 : i32
      %swap3A_121 = tpu.memref_slice %arg6[%scan3A, %swap3A_119, %swap3A_120] : memref<2x100x64xf32, #tpu.memory_space<vmem>> -> memref<1x100x64xf32, #tpu.memory_space<vmem>>
      %swap3A_122 = tpu.memref_squeeze %swap3A_121 : memref<1x100x64xf32, #tpu.memory_space<vmem>> -> memref<100x64xf32, #tpu.memory_space<vmem>>
      %swap3A_123 = arith.index_cast %scan3A_111 : i32 to index
      %swap3A_124 = arith.constant 16 : index
      %swap3A_125 = tpu.vector_load %swap3A_122[%swap3A_123, %swap3A_124] {strides = array<i32>} : memref<100x64xf32, #tpu.memory_space<vmem>>, vector<16xf32>,
      tpu.vector_store %swap3A_122[%swap3A_123, %swap3A_124], %broadcast_in_dim3A_6 {strides = array<i32>} : memref<100x64xf32, #tpu.memory_space<vmem>>, vector<16xf32>,
      %swap3A_126 = arith.constant 0 : i32
      %swap3A_127 = arith.constant 0 : i32
      %swap3A_128 = tpu.memref_slice %arg6[%scan3A, %swap3A_126, %swap3A_127] : memref<2x100x64xf32, #tpu.memory_space<vmem>> -> memref<1x100x64xf32, #tpu.memory_space<vmem>>
      %swap3A_129 = tpu.memref_squeeze %swap3A_128 : memref<1x100x64xf32, #tpu.memory_space<vmem>> -> memref<100x64xf32, #tpu.memory_space<vmem>>
      %swap3A_130 = arith.index_cast %scan3A_111 : i32 to index
      %swap3A_131 = arith.constant 32 : index
      %swap3A_132 = tpu.vector_load %swap3A_129[%swap3A_130, %swap3A_131] {strides = array<i32>} : memref<100x64xf32, #tpu.memory_space<vmem>>, vector<16xf32>,
      tpu.vector_store %swap3A_129[%swap3A_130, %swap3A_131], %broadcast_in_dim3A_6 {strides = array<i32>} : memref<100x64xf32, #tpu.memory_space<vmem>>, vector<16xf32>,
      %swap3A_133 = arith.constant 0 : i32
      %swap3A_134 = arith.constant 0 : i32
      %swap3A_135 = tpu.memref_slice %arg6[%scan3A, %swap3A_133, %swap3A_134] : memref<2x100x64xf32, #tpu.memory_space<vmem>> -> memref<1x100x64xf32, #tpu.memory_space<vmem>>
      %swap3A_136 = tpu.memref_squeeze %swap3A_135 : memref<1x100x64xf32, #tpu.memory_space<vmem>> -> memref<100x64xf32, #tpu.memory_space<vmem>>
      %swap3A_137 = arith.index_cast %scan3A_111 : i32 to index
      %swap3A_138 = arith.constant 48 : index
      %swap3A_139 = tpu.vector_load %swap3A_136[%swap3A_137, %swap3A_138] {strides = array<i32>} : memref<100x64xf32, #tpu.memory_space<vmem>>, vector<16xf32>,
      tpu.vector_store %swap3A_136[%swap3A_137, %swap3A_138], %broadcast_in_dim3A_6 {strides = array<i32>} : memref<100x64xf32, #tpu.memory_space<vmem>>, vector<16xf32>,
      %scan3A_140 = arith.constant 0 : i32
      scf.yield %scan3A_140 : i32
    }
    %scan3A_13 = arith.constant 100 : i32
    %mul3A_14 = arith.constant 625 : i32
    %mul3A_15 = arith.muli %arg1, %mul3A_14 : i32
    %add3A_16 = arith.constant 0 : i32
    %add3A_17 = arith.addi %mul3A_15, %add3A_16 : i32
    %run_scoped3A_18 = arith.constant 0 : i32
    "tpu.region"() ({
      %run_scoped3A_111 = tpu.sem_alloc : memref<!tpu.dma_semaphore, #tpu.memory_space<semaphore_mem>>
      %dma_start3A_112 = arith.constant 0 : i32
      %dma_start3A_113 = arith.constant 0 : i32
      %dma_start3A_114 = tpu.memref_slice %arg6[%run_scoped3A_18, %dma_start3A_112, %dma_start3A_113] : memref<2x100x64xf32, #tpu.memory_space<vmem>> -> memref<1x100x64xf32, #tpu.memory_space<vmem>>
      %dma_start3A_115 = tpu.memref_squeeze %dma_start3A_114 : memref<1x100x64xf32, #tpu.memory_space<vmem>> -> memref<100x64xf32, #tpu.memory_space<vmem>>
      %dma_start3A_116 = arith.constant 0 : i32
      %dma_start3A_117 = tpu.memref_slice %arg5[%add3A_17, %dma_start3A_116] : memref<10008x64xf32, #tpu.memory_space<vmem_shared>> -> memref<100x64xf32, #tpu.memory_space<vmem_shared>>
      %dma_start3A_118 = arith.constant 0 : i32
      %dma_start3A_119 = tpu.memref_slice %arg5[%add3A_17, %dma_start3A_118] : memref<10008x64xf32, #tpu.memory_space<vmem_shared>> -> memref<100x64xf32, #tpu.memory_space<vmem_shared>>
      %dma_start3A_120 = arith.constant 0 : i32
      %dma_start3A_121 = arith.constant 0 : i32
      %dma_start3A_122 = tpu.memref_slice %arg6[%run_scoped3A_18, %dma_start3A_120, %dma_start3A_121] : memref<2x100x64xf32, #tpu.memory_space<vmem>> -> memref<1x100x64xf32, #tpu.memory_space<vmem>>
      %dma_start3A_123 = tpu.memref_squeeze %dma_start3A_122 : memref<1x100x64xf32, #tpu.memory_space<vmem>> -> memref<100x64xf32, #tpu.memory_space<vmem>>
      tpu.enqueue_dma source(%dma_start3A_123 : memref<100x64xf32, #tpu.memory_space<vmem>>) target(%dma_start3A_119 : memref<100x64xf32, #tpu.memory_space<vmem_shared>>) target_semaphore(%run_scoped3A_111 : memref<!tpu.dma_semaphore, #tpu.memory_space<semaphore_mem>>)
      %dma_wait3A_124 = arith.constant 0 : i32
      %dma_wait3A_125 = arith.constant 0 : i32
      %dma_wait3A_126 = tpu.memref_slice %arg6[%run_scoped3A_18, %dma_wait3A_124, %dma_wait3A_125] : memref<2x100x64xf32, #tpu.memory_space<vmem>> -> memref<1x100x64xf32, #tpu.memory_space<vmem>>
      %dma_wait3A_127 = tpu.memref_squeeze %dma_wait3A_126 : memref<1x100x64xf32, #tpu.memory_space<vmem>> -> memref<100x64xf32, #tpu.memory_space<vmem>>
      %dma_wait3A_128 = arith.constant 0 : i32
      %dma_wait3A_129 = tpu.memref_slice %arg5[%add3A_17, %dma_wait3A_128] : memref<10008x64xf32, #tpu.memory_space<vmem_shared>> -> memref<100x64xf32, #tpu.memory_space<vmem_shared>>
      %dma_wait3A_130 = arith.constant 0 : i32
      %dma_wait3A_131 = tpu.memref_slice %arg5[%add3A_17, %dma_wait3A_130] : memref<10008x64xf32, #tpu.memory_space<vmem_shared>> -> memref<100x64xf32, #tpu.memory_space<vmem_shared>>
      %dma_wait3A_132 = arith.constant 0 : i32
      %dma_wait3A_133 = arith.constant 0 : i32
      %dma_wait3A_134 = tpu.memref_slice %arg6[%run_scoped3A_18, %dma_wait3A_132, %dma_wait3A_133] : memref<2x100x64xf32, #tpu.memory_space<vmem>> -> memref<1x100x64xf32, #tpu.memory_space<vmem>>
      %dma_wait3A_135 = tpu.memref_squeeze %dma_wait3A_134 : memref<1x100x64xf32, #tpu.memory_space<vmem>> -> memref<100x64xf32, #tpu.memory_space<vmem>>
      tpu.wait_dma2 semaphore(%run_scoped3A_111 : memref<!tpu.dma_semaphore, #tpu.memory_space<semaphore_mem>>) src(%dma_wait3A_135 : memref<100x64xf32, #tpu.memory_space<vmem>>) dst(%dma_wait3A_131 : memref<100x64xf32, #tpu.memory_space<vmem_shared>>)
      tpu.yield
    }) : () -> ()
    %mul3A_19 = arith.constant 625 : i32
    %mul3A_20 = arith.muli %arg1, %mul3A_19 : i32
    %add3A_21 = arith.constant 100 : i32
    %add3A_22 = arith.addi %mul3A_20, %add3A_21 : i32
    %run_scoped3A_23 = arith.constant 0 : i32
    "tpu.region"() ({
      %run_scoped3A_111 = tpu.sem_alloc : memref<!tpu.dma_semaphore, #tpu.memory_space<semaphore_mem>>
      %dma_start3A_112 = arith.constant 0 : i32
      %dma_start3A_113 = arith.constant 0 : i32
      %dma_start3A_114 = tpu.memref_slice %arg6[%run_scoped3A_23, %dma_start3A_112, %dma_start3A_113] : memref<2x100x64xf32, #tpu.memory_space<vmem>> -> memref<1x100x64xf32, #tpu.memory_space<vmem>>
      %dma_start3A_115 = tpu.memref_squeeze %dma_start3A_114 : memref<1x100x64xf32, #tpu.memory_space<vmem>> -> memref<100x64xf32, #tpu.memory_space<vmem>>
      %dma_start3A_116 = arith.constant 0 : i32
      %dma_start3A_117 = tpu.memref_slice %arg5[%add3A_22, %dma_start3A_116] : memref<10008x64xf32, #tpu.memory_space<vmem_shared>> -> memref<100x64xf32, #tpu.memory_space<vmem_shared>>
      %dma_start3A_118 = arith.constant 0 : i32
      %dma_start3A_119 = tpu.memref_slice %arg5[%add3A_22, %dma_start3A_118] : memref<10008x64xf32, #tpu.memory_space<vmem_shared>> -> memref<100x64xf32, #tpu.memory_space<vmem_shared>>
      %dma_start3A_120 = arith.constant 0 : i32
      %dma_start3A_121 = arith.constant 0 : i32
      %dma_start3A_122 = tpu.memref_slice %arg6[%run_scoped3A_23, %dma_start3A_120, %dma_start3A_121] : memref<2x100x64xf32, #tpu.memory_space<vmem>> -> memref<1x100x64xf32, #tpu.memory_space<vmem>>
      %dma_start3A_123 = tpu.memref_squeeze %dma_start3A_122 : memref<1x100x64xf32, #tpu.memory_space<vmem>> -> memref<100x64xf32, #tpu.memory_space<vmem>>
      tpu.enqueue_dma source(%dma_start3A_123 : memref<100x64xf32, #tpu.memory_space<vmem>>) target(%dma_start3A_119 : memref<100x64xf32, #tpu.memory_space<vmem_shared>>) target_semaphore(%run_scoped3A_111 : memref<!tpu.dma_semaphore, #tpu.memory_space<semaphore_mem>>)
      %dma_wait3A_124 = arith.constant 0 : i32
      %dma_wait3A_125 = arith.constant 0 : i32
      %dma_wait3A_126 = tpu.memref_slice %arg6[%run_scoped3A_23, %dma_wait3A_124, %dma_wait3A_125] : memref<2x100x64xf32, #tpu.memory_space<vmem>> -> memref<1x100x64xf32, #tpu.memory_space<vmem>>
      %dma_wait3A_127 = tpu.memref_squeeze %dma_wait3A_126 : memref<1x100x64xf32, #tpu.memory_space<vmem>> -> memref<100x64xf32, #tpu.memory_space<vmem>>
      %dma_wait3A_128 = arith.constant 0 : i32
      %dma_wait3A_129 = tpu.memref_slice %arg5[%add3A_22, %dma_wait3A_128] : memref<10008x64xf32, #tpu.memory_space<vmem_shared>> -> memref<100x64xf32, #tpu.memory_space<vmem_shared>>
      %dma_wait3A_130 = arith.constant 0 : i32
      %dma_wait3A_131 = tpu.memref_slice %arg5[%add3A_22, %dma_wait3A_130] : memref<10008x64xf32, #tpu.memory_space<vmem_shared>> -> memref<100x64xf32, #tpu.memory_space<vmem_shared>>
      %dma_wait3A_132 = arith.constant 0 : i32
      %dma_wait3A_133 = arith.constant 0 : i32
      %dma_wait3A_134 = tpu.memref_slice %arg6[%run_scoped3A_23, %dma_wait3A_132, %dma_wait3A_133] : memref<2x100x64xf32, #tpu.memory_space<vmem>> -> memref<1x100x64xf32, #tpu.memory_space<vmem>>
      %dma_wait3A_135 = tpu.memref_squeeze %dma_wait3A_134 : memref<1x100x64xf32, #tpu.memory_space<vmem>> -> memref<100x64xf32, #tpu.memory_space<vmem>>
      tpu.wait_dma2 semaphore(%run_scoped3A_111 : memref<!tpu.dma_semaphore, #tpu.memory_space<semaphore_mem>>) src(%dma_wait3A_135 : memref<100x64xf32, #tpu.memory_space<vmem>>) dst(%dma_wait3A_131 : memref<100x64xf32, #tpu.memory_space<vmem_shared>>)
      tpu.yield
    }) : () -> ()
    %mul3A_24 = arith.constant 625 : i32
    %mul3A_25 = arith.muli %arg1, %mul3A_24 : i32
    %add3A_26 = arith.constant 200 : i32
    %add3A_27 = arith.addi %mul3A_25, %add3A_26 : i32
    %run_scoped3A_28 = arith.constant 0 : i32
    "tpu.region"() ({
      %run_scoped3A_111 = tpu.sem_alloc : memref<!tpu.dma_semaphore, #tpu.memory_space<semaphore_mem>>
      %dma_start3A_112 = arith.constant 0 : i32
      %dma_start3A_113 = arith.constant 0 : i32
      %dma_start3A_114 = tpu.memref_slice %arg6[%run_scoped3A_28, %dma_start3A_112, %dma_start3A_113] : memref<2x100x64xf32, #tpu.memory_space<vmem>> -> memref<1x100x64xf32, #tpu.memory_space<vmem>>
      %dma_start3A_115 = tpu.memref_squeeze %dma_start3A_114 : memref<1x100x64xf32, #tpu.memory_space<vmem>> -> memref<100x64xf32, #tpu.memory_space<vmem>>
      %dma_start3A_116 = arith.constant 0 : i32
      %dma_start3A_117 = tpu.memref_slice %arg5[%add3A_27, %dma_start3A_116] : memref<10008x64xf32, #tpu.memory_space<vmem_shared>> -> memref<100x64xf32, #tpu.memory_space<vmem_shared>>
      %dma_start3A_118 = arith.constant 0 : i32
      %dma_start3A_119 = tpu.memref_slice %arg5[%add3A_27, %dma_start3A_118] : memref<10008x64xf32, #tpu.memory_space<vmem_shared>> -> memref<100x64xf32, #tpu.memory_space<vmem_shared>>
      %dma_start3A_120 = arith.constant 0 : i32
      %dma_start3A_121 = arith.constant 0 : i32
      %dma_start3A_122 = tpu.memref_slice %arg6[%run_scoped3A_28, %dma_start3A_120, %dma_start3A_121] : memref<2x100x64xf32, #tpu.memory_space<vmem>> -> memref<1x100x64xf32, #tpu.memory_space<vmem>>
      %dma_start3A_123 = tpu.memref_squeeze %dma_start3A_122 : memref<1x100x64xf32, #tpu.memory_space<vmem>> -> memref<100x64xf32, #tpu.memory_space<vmem>>
      tpu.enqueue_dma source(%dma_start3A_123 : memref<100x64xf32, #tpu.memory_space<vmem>>) target(%dma_start3A_119 : memref<100x64xf32, #tpu.memory_space<vmem_shared>>) target_semaphore(%run_scoped3A_111 : memref<!tpu.dma_semaphore, #tpu.memory_space<semaphore_mem>>)
      %dma_wait3A_124 = arith.constant 0 : i32
      %dma_wait3A_125 = arith.constant 0 : i32
      %dma_wait3A_126 = tpu.memref_slice %arg6[%run_scoped3A_28, %dma_wait3A_124, %dma_wait3A_125] : memref<2x100x64xf32, #tpu.memory_space<vmem>> -> memref<1x100x64xf32, #tpu.memory_space<vmem>>
      %dma_wait3A_127 = tpu.memref_squeeze %dma_wait3A_126 : memref<1x100x64xf32, #tpu.memory_space<vmem>> -> memref<100x64xf32, #tpu.memory_space<vmem>>
      %dma_wait3A_128 = arith.constant 0 : i32
      %dma_wait3A_129 = tpu.memref_slice %arg5[%add3A_27, %dma_wait3A_128] : memref<10008x64xf32, #tpu.memory_space<vmem_shared>> -> memref<100x64xf32, #tpu.memory_space<vmem_shared>>
      %dma_wait3A_130 = arith.constant 0 : i32
      %dma_wait3A_131 = tpu.memref_slice %arg5[%add3A_27, %dma_wait3A_130] : memref<10008x64xf32, #tpu.memory_space<vmem_shared>> -> memref<100x64xf32, #tpu.memory_space<vmem_shared>>
      %dma_wait3A_132 = arith.constant 0 : i32
      %dma_wait3A_133 = arith.constant 0 : i32
      %dma_wait3A_134 = tpu.memref_slice %arg6[%run_scoped3A_28, %dma_wait3A_132, %dma_wait3A_133] : memref<2x100x64xf32, #tpu.memory_space<vmem>> -> memref<1x100x64xf32, #tpu.memory_space<vmem>>
      %dma_wait3A_135 = tpu.memref_squeeze %dma_wait3A_134 : memref<1x100x64xf32, #tpu.memory_space<vmem>> -> memref<100x64xf32, #tpu.memory_space<vmem>>
      tpu.wait_dma2 semaphore(%run_scoped3A_111 : memref<!tpu.dma_semaphore, #tpu.memory_space<semaphore_mem>>) src(%dma_wait3A_135 : memref<100x64xf32, #tpu.memory_space<vmem>>) dst(%dma_wait3A_131 : memref<100x64xf32, #tpu.memory_space<vmem_shared>>)
      tpu.yield
    }) : () -> ()
    %mul3A_29 = arith.constant 625 : i32
    %mul3A_30 = arith.muli %arg1, %mul3A_29 : i32
    %add3A_31 = arith.constant 300 : i32
    %add3A_32 = arith.addi %mul3A_30, %add3A_31 : i32
    %run_scoped3A_33 = arith.constant 0 : i32
    "tpu.region"() ({
      %run_scoped3A_111 = tpu.sem_alloc : memref<!tpu.dma_semaphore, #tpu.memory_space<semaphore_mem>>
      %dma_start3A_112 = arith.constant 0 : i32
      %dma_start3A_113 = arith.constant 0 : i32
      %dma_start3A_114 = tpu.memref_slice %arg6[%run_scoped3A_33, %dma_start3A_112, %dma_start3A_113] : memref<2x100x64xf32, #tpu.memory_space<vmem>> -> memref<1x100x64xf32, #tpu.memory_space<vmem>>
      %dma_start3A_115 = tpu.memref_squeeze %dma_start3A_114 : memref<1x100x64xf32, #tpu.memory_space<vmem>> -> memref<100x64xf32, #tpu.memory_space<vmem>>
      %dma_start3A_116 = arith.constant 0 : i32
      %dma_start3A_117 = tpu.memref_slice %arg5[%add3A_32, %dma_start3A_116] : memref<10008x64xf32, #tpu.memory_space<vmem_shared>> -> memref<100x64xf32, #tpu.memory_space<vmem_shared>>
      %dma_start3A_118 = arith.constant 0 : i32
      %dma_start3A_119 = tpu.memref_slice %arg5[%add3A_32, %dma_start3A_118] : memref<10008x64xf32, #tpu.memory_space<vmem_shared>> -> memref<100x64xf32, #tpu.memory_space<vmem_shared>>
      %dma_start3A_120 = arith.constant 0 : i32
      %dma_start3A_121 = arith.constant 0 : i32
      %dma_start3A_122 = tpu.memref_slice %arg6[%run_scoped3A_33, %dma_start3A_120, %dma_start3A_121] : memref<2x100x64xf32, #tpu.memory_space<vmem>> -> memref<1x100x64xf32, #tpu.memory_space<vmem>>
      %dma_start3A_123 = tpu.memref_squeeze %dma_start3A_122 : memref<1x100x64xf32, #tpu.memory_space<vmem>> -> memref<100x64xf32, #tpu.memory_space<vmem>>
      tpu.enqueue_dma source(%dma_start3A_123 : memref<100x64xf32, #tpu.memory_space<vmem>>) target(%dma_start3A_119 : memref<100x64xf32, #tpu.memory_space<vmem_shared>>) target_semaphore(%run_scoped3A_111 : memref<!tpu.dma_semaphore, #tpu.memory_space<semaphore_mem>>)
      %dma_wait3A_124 = arith.constant 0 : i32
      %dma_wait3A_125 = arith.constant 0 : i32
      %dma_wait3A_126 = tpu.memref_slice %arg6[%run_scoped3A_33, %dma_wait3A_124, %dma_wait3A_125] : memref<2x100x64xf32, #tpu.memory_space<vmem>> -> memref<1x100x64xf32, #tpu.memory_space<vmem>>
      %dma_wait3A_127 = tpu.memref_squeeze %dma_wait3A_126 : memref<1x100x64xf32, #tpu.memory_space<vmem>> -> memref<100x64xf32, #tpu.memory_space<vmem>>
      %dma_wait3A_128 = arith.constant 0 : i32
      %dma_wait3A_129 = tpu.memref_slice %arg5[%add3A_32, %dma_wait3A_128] : memref<10008x64xf32, #tpu.memory_space<vmem_shared>> -> memref<100x64xf32, #tpu.memory_space<vmem_shared>>
      %dma_wait3A_130 = arith.constant 0 : i32
      %dma_wait3A_131 = tpu.memref_slice %arg5[%add3A_32, %dma_wait3A_130] : memref<10008x64xf32, #tpu.memory_space<vmem_shared>> -> memref<100x64xf32, #tpu.memory_space<vmem_shared>>
      %dma_wait3A_132 = arith.constant 0 : i32
      %dma_wait3A_133 = arith.constant 0 : i32
      %dma_wait3A_134 = tpu.memref_slice %arg6[%run_scoped3A_33, %dma_wait3A_132, %dma_wait3A_133] : memref<2x100x64xf32, #tpu.memory_space<vmem>> -> memref<1x100x64xf32, #tpu.memory_space<vmem>>
      %dma_wait3A_135 = tpu.memref_squeeze %dma_wait3A_134 : memref<1x100x64xf32, #tpu.memory_space<vmem>> -> memref<100x64xf32, #tpu.memory_space<vmem>>
      tpu.wait_dma2 semaphore(%run_scoped3A_111 : memref<!tpu.dma_semaphore, #tpu.memory_space<semaphore_mem>>) src(%dma_wait3A_135 : memref<100x64xf32, #tpu.memory_space<vmem>>) dst(%dma_wait3A_131 : memref<100x64xf32, #tpu.memory_space<vmem_shared>>)
      tpu.yield
    }) : () -> ()
    %mul3A_34 = arith.constant 625 : i32
    %mul3A_35 = arith.muli %arg1, %mul3A_34 : i32
    %add3A_36 = arith.constant 400 : i32
    %add3A_37 = arith.addi %mul3A_35, %add3A_36 : i32
    %run_scoped3A_38 = arith.constant 0 : i32
    "tpu.region"() ({
      %run_scoped3A_111 = tpu.sem_alloc : memref<!tpu.dma_semaphore, #tpu.memory_space<semaphore_mem>>
      %dma_start3A_112 = arith.constant 0 : i32
      %dma_start3A_113 = arith.constant 0 : i32
      %dma_start3A_114 = tpu.memref_slice %arg6[%run_scoped3A_38, %dma_start3A_112, %dma_start3A_113] : memref<2x100x64xf32, #tpu.memory_space<vmem>> -> memref<1x100x64xf32, #tpu.memory_space<vmem>>
      %dma_start3A_115 = tpu.memref_squeeze %dma_start3A_114 : memref<1x100x64xf32, #tpu.memory_space<vmem>> -> memref<100x64xf32, #tpu.memory_space<vmem>>
      %dma_start3A_116 = arith.constant 0 : i32
      %dma_start3A_117 = tpu.memref_slice %arg5[%add3A_37, %dma_start3A_116] : memref<10008x64xf32, #tpu.memory_space<vmem_shared>> -> memref<100x64xf32, #tpu.memory_space<vmem_shared>>
      %dma_start3A_118 = arith.constant 0 : i32
      %dma_start3A_119 = tpu.memref_slice %arg5[%add3A_37, %dma_start3A_118] : memref<10008x64xf32, #tpu.memory_space<vmem_shared>> -> memref<100x64xf32, #tpu.memory_space<vmem_shared>>
      %dma_start3A_120 = arith.constant 0 : i32
      %dma_start3A_121 = arith.constant 0 : i32
      %dma_start3A_122 = tpu.memref_slice %arg6[%run_scoped3A_38, %dma_start3A_120, %dma_start3A_121] : memref<2x100x64xf32, #tpu.memory_space<vmem>> -> memref<1x100x64xf32, #tpu.memory_space<vmem>>
      %dma_start3A_123 = tpu.memref_squeeze %dma_start3A_122 : memref<1x100x64xf32, #tpu.memory_space<vmem>> -> memref<100x64xf32, #tpu.memory_space<vmem>>
      tpu.enqueue_dma source(%dma_start3A_123 : memref<100x64xf32, #tpu.memory_space<vmem>>) target(%dma_start3A_119 : memref<100x64xf32, #tpu.memory_space<vmem_shared>>) target_semaphore(%run_scoped3A_111 : memref<!tpu.dma_semaphore, #tpu.memory_space<semaphore_mem>>)
      %dma_wait3A_124 = arith.constant 0 : i32
      %dma_wait3A_125 = arith.constant 0 : i32
      %dma_wait3A_126 = tpu.memref_slice %arg6[%run_scoped3A_38, %dma_wait3A_124, %dma_wait3A_125] : memref<2x100x64xf32, #tpu.memory_space<vmem>> -> memref<1x100x64xf32, #tpu.memory_space<vmem>>
      %dma_wait3A_127 = tpu.memref_squeeze %dma_wait3A_126 : memref<1x100x64xf32, #tpu.memory_space<vmem>> -> memref<100x64xf32, #tpu.memory_space<vmem>>
      %dma_wait3A_128 = arith.constant 0 : i32
      %dma_wait3A_129 = tpu.memref_slice %arg5[%add3A_37, %dma_wait3A_128] : memref<10008x64xf32, #tpu.memory_space<vmem_shared>> -> memref<100x64xf32, #tpu.memory_space<vmem_shared>>
      %dma_wait3A_130 = arith.constant 0 : i32
      %dma_wait3A_131 = tpu.memref_slice %arg5[%add3A_37, %dma_wait3A_130] : memref<10008x64xf32, #tpu.memory_space<vmem_shared>> -> memref<100x64xf32, #tpu.memory_space<vmem_shared>>
      %dma_wait3A_132 = arith.constant 0 : i32
      %dma_wait3A_133 = arith.constant 0 : i32
      %dma_wait3A_134 = tpu.memref_slice %arg6[%run_scoped3A_38, %dma_wait3A_132, %dma_wait3A_133] : memref<2x100x64xf32, #tpu.memory_space<vmem>> -> memref<1x100x64xf32, #tpu.memory_space<vmem>>
      %dma_wait3A_135 = tpu.memref_squeeze %dma_wait3A_134 : memref<1x100x64xf32, #tpu.memory_space<vmem>> -> memref<100x64xf32, #tpu.memory_space<vmem>>
      tpu.wait_dma2 semaphore(%run_scoped3A_111 : memref<!tpu.dma_semaphore, #tpu.memory_space<semaphore_mem>>) src(%dma_wait3A_135 : memref<100x64xf32, #tpu.memory_space<vmem>>) dst(%dma_wait3A_131 : memref<100x64xf32, #tpu.memory_space<vmem_shared>>)
      tpu.yield
    }) : () -> ()
    %mul3A_39 = arith.constant 625 : i32
    %mul3A_40 = arith.muli %arg1, %mul3A_39 : i32
    %add3A_41 = arith.constant 500 : i32
    %add3A_42 = arith.addi %mul3A_40, %add3A_41 : i32
    %run_scoped3A_43 = arith.constant 0 : i32
    "tpu.region"() ({
      %run_scoped3A_111 = tpu.sem_alloc : memref<!tpu.dma_semaphore, #tpu.memory_space<semaphore_mem>>
      %dma_start3A_112 = arith.constant 0 : i32
      %dma_start3A_113 = arith.constant 0 : i32
      %dma_start3A_114 = tpu.memref_slice %arg6[%run_scoped3A_43, %dma_start3A_112, %dma_start3A_113] : memref<2x100x64xf32, #tpu.memory_space<vmem>> -> memref<1x100x64xf32, #tpu.memory_space<vmem>>
      %dma_start3A_115 = tpu.memref_squeeze %dma_start3A_114 : memref<1x100x64xf32, #tpu.memory_space<vmem>> -> memref<100x64xf32, #tpu.memory_space<vmem>>
      %dma_start3A_116 = arith.constant 0 : i32
      %dma_start3A_117 = tpu.memref_slice %arg5[%add3A_42, %dma_start3A_116] : memref<10008x64xf32, #tpu.memory_space<vmem_shared>> -> memref<100x64xf32, #tpu.memory_space<vmem_shared>>
      %dma_start3A_118 = arith.constant 0 : i32
      %dma_start3A_119 = tpu.memref_slice %arg5[%add3A_42, %dma_start3A_118] : memref<10008x64xf32, #tpu.memory_space<vmem_shared>> -> memref<100x64xf32, #tpu.memory_space<vmem_shared>>
      %dma_start3A_120 = arith.constant 0 : i32
      %dma_start3A_121 = arith.constant 0 : i32
      %dma_start3A_122 = tpu.memref_slice %arg6[%run_scoped3A_43, %dma_start3A_120, %dma_start3A_121] : memref<2x100x64xf32, #tpu.memory_space<vmem>> -> memref<1x100x64xf32, #tpu.memory_space<vmem>>
      %dma_start3A_123 = tpu.memref_squeeze %dma_start3A_122 : memref<1x100x64xf32, #tpu.memory_space<vmem>> -> memref<100x64xf32, #tpu.memory_space<vmem>>
      tpu.enqueue_dma source(%dma_start3A_123 : memref<100x64xf32, #tpu.memory_space<vmem>>) target(%dma_start3A_119 : memref<100x64xf32, #tpu.memory_space<vmem_shared>>) target_semaphore(%run_scoped3A_111 : memref<!tpu.dma_semaphore, #tpu.memory_space<semaphore_mem>>)
      %dma_wait3A_124 = arith.constant 0 : i32
      %dma_wait3A_125 = arith.constant 0 : i32
      %dma_wait3A_126 = tpu.memref_slice %arg6[%run_scoped3A_43, %dma_wait3A_124, %dma_wait3A_125] : memref<2x100x64xf32, #tpu.memory_space<vmem>> -> memref<1x100x64xf32, #tpu.memory_space<vmem>>
      %dma_wait3A_127 = tpu.memref_squeeze %dma_wait3A_126 : memref<1x100x64xf32, #tpu.memory_space<vmem>> -> memref<100x64xf32, #tpu.memory_space<vmem>>
      %dma_wait3A_128 = arith.constant 0 : i32
      %dma_wait3A_129 = tpu.memref_slice %arg5[%add3A_42, %dma_wait3A_128] : memref<10008x64xf32, #tpu.memory_space<vmem_shared>> -> memref<100x64xf32, #tpu.memory_space<vmem_shared>>
      %dma_wait3A_130 = arith.constant 0 : i32
      %dma_wait3A_131 = tpu.memref_slice %arg5[%add3A_42, %dma_wait3A_130] : memref<10008x64xf32, #tpu.memory_space<vmem_shared>> -> memref<100x64xf32, #tpu.memory_space<vmem_shared>>
      %dma_wait3A_132 = arith.constant 0 : i32
      %dma_wait3A_133 = arith.constant 0 : i32
      %dma_wait3A_134 = tpu.memref_slice %arg6[%run_scoped3A_43, %dma_wait3A_132, %dma_wait3A_133] : memref<2x100x64xf32, #tpu.memory_space<vmem>> -> memref<1x100x64xf32, #tpu.memory_space<vmem>>
      %dma_wait3A_135 = tpu.memref_squeeze %dma_wait3A_134 : memref<1x100x64xf32, #tpu.memory_space<vmem>> -> memref<100x64xf32, #tpu.memory_space<vmem>>
      tpu.wait_dma2 semaphore(%run_scoped3A_111 : memref<!tpu.dma_semaphore, #tpu.memory_space<semaphore_mem>>) src(%dma_wait3A_135 : memref<100x64xf32, #tpu.memory_space<vmem>>) dst(%dma_wait3A_131 : memref<100x64xf32, #tpu.memory_space<vmem_shared>>)
      tpu.yield
    }) : () -> ()
    %mul3A_44 = arith.constant 625 : i32
    %mul3A_45 = arith.muli %arg1, %mul3A_44 : i32
    %add3A_46 = arith.constant 600 : i32
    %add3A_47 = arith.addi %mul3A_45, %add3A_46 : i32
    %run_scoped3A_48 = arith.constant 0 : i32
    "tpu.region"() ({
      %run_scoped3A_111 = tpu.sem_alloc : memref<!tpu.dma_semaphore, #tpu.memory_space<semaphore_mem>>
      %dma_start3A_112 = arith.constant 0 : i32
      %dma_start3A_113 = arith.constant 0 : i32
      %dma_start3A_114 = tpu.memref_slice %arg6[%run_scoped3A_48, %dma_start3A_112, %dma_start3A_113] : memref<2x100x64xf32, #tpu.memory_space<vmem>> -> memref<1x25x64xf32, #tpu.memory_space<vmem>>
      %dma_start3A_115 = tpu.memref_squeeze %dma_start3A_114 : memref<1x25x64xf32, #tpu.memory_space<vmem>> -> memref<25x64xf32, #tpu.memory_space<vmem>>
      %dma_start3A_116 = arith.constant 0 : i32
      %dma_start3A_117 = tpu.memref_slice %arg5[%add3A_47, %dma_start3A_116] : memref<10008x64xf32, #tpu.memory_space<vmem_shared>> -> memref<25x64xf32, #tpu.memory_space<vmem_shared>>
      %dma_start3A_118 = arith.constant 0 : i32
      %dma_start3A_119 = tpu.memref_slice %arg5[%add3A_47, %dma_start3A_118] : memref<10008x64xf32, #tpu.memory_space<vmem_shared>> -> memref<25x64xf32, #tpu.memory_space<vmem_shared>>
      %dma_start3A_120 = arith.constant 0 : i32
      %dma_start3A_121 = arith.constant 0 : i32
      %dma_start3A_122 = tpu.memref_slice %arg6[%run_scoped3A_48, %dma_start3A_120, %dma_start3A_121] : memref<2x100x64xf32, #tpu.memory_space<vmem>> -> memref<1x25x64xf32, #tpu.memory_space<vmem>>
      %dma_start3A_123 = tpu.memref_squeeze %dma_start3A_122 : memref<1x25x64xf32, #tpu.memory_space<vmem>> -> memref<25x64xf32, #tpu.memory_space<vmem>>
      tpu.enqueue_dma source(%dma_start3A_123 : memref<25x64xf32, #tpu.memory_space<vmem>>) target(%dma_start3A_119 : memref<25x64xf32, #tpu.memory_space<vmem_shared>>) target_semaphore(%run_scoped3A_111 : memref<!tpu.dma_semaphore, #tpu.memory_space<semaphore_mem>>)
      %dma_wait3A_124 = arith.constant 0 : i32
      %dma_wait3A_125 = arith.constant 0 : i32
      %dma_wait3A_126 = tpu.memref_slice %arg6[%run_scoped3A_48, %dma_wait3A_124, %dma_wait3A_125] : memref<2x100x64xf32, #tpu.memory_space<vmem>> -> memref<1x25x64xf32, #tpu.memory_space<vmem>>
      %dma_wait3A_127 = tpu.memref_squeeze %dma_wait3A_126 : memref<1x25x64xf32, #tpu.memory_space<vmem>> -> memref<25x64xf32, #tpu.memory_space<vmem>>
      %dma_wait3A_128 = arith.constant 0 : i32
      %dma_wait3A_129 = tpu.memref_slice %arg5[%add3A_47, %dma_wait3A_128] : memref<10008x64xf32, #tpu.memory_space<vmem_shared>> -> memref<25x64xf32, #tpu.memory_space<vmem_shared>>
      %dma_wait3A_130 = arith.constant 0 : i32
      %dma_wait3A_131 = tpu.memref_slice %arg5[%add3A_47, %dma_wait3A_130] : memref<10008x64xf32, #tpu.memory_space<vmem_shared>> -> memref<25x64xf32, #tpu.memory_space<vmem_shared>>
      %dma_wait3A_132 = arith.constant 0 : i32
      %dma_wait3A_133 = arith.constant 0 : i32
      %dma_wait3A_134 = tpu.memref_slice %arg6[%run_scoped3A_48, %dma_wait3A_132, %dma_wait3A_133] : memref<2x100x64xf32, #tpu.memory_space<vmem>> -> memref<1x25x64xf32, #tpu.memory_space<vmem>>
      %dma_wait3A_135 = tpu.memref_squeeze %dma_wait3A_134 : memref<1x25x64xf32, #tpu.memory_space<vmem>> -> memref<25x64xf32, #tpu.memory_space<vmem>>
      tpu.wait_dma2 semaphore(%run_scoped3A_111 : memref<!tpu.dma_semaphore, #tpu.memory_space<semaphore_mem>>) src(%dma_wait3A_135 : memref<25x64xf32, #tpu.memory_space<vmem>>) dst(%dma_wait3A_131 : memref<25x64xf32, #tpu.memory_space<vmem_shared>>)
      tpu.yield
    }) : () -> ()
    %barrier3A = arith.constant 0 : index
    tpu.barrier barrier_id(%barrier3A)
    %dma_start3A = arith.constant 0 : i32
    %dma_start3A_49 = arith.constant 0 : i32
    %dma_start3A_50 = arith.constant 0 : i32
    %dma_start3A_51 = arith.constant 0 : i32
    %dma_start3A_52 = tpu.memref_slice %arg6[%dma_start3A_49, %dma_start3A_50, %dma_start3A_51] : memref<2x100x64xf32, #tpu.memory_space<vmem>> -> memref<1x100x64xf32, #tpu.memory_space<vmem>>
    %dma_start3A_53 = tpu.memref_squeeze %dma_start3A_52 : memref<1x100x64xf32, #tpu.memory_space<vmem>> -> memref<100x64xf32, #tpu.memory_space<vmem>>
    %dma_start3A_54 = arith.constant 0 : i32
    %dma_start3A_55 = tpu.memref_slice %arg7[%dma_start3A, %dma_start3A_54] : memref<100x100xi32, #tpu.memory_space<vmem>> -> memref<1x100xi32, #tpu.memory_space<vmem>>
    %dma_start3A_56 = tpu.memref_squeeze %dma_start3A_55 : memref<1x100xi32, #tpu.memory_space<vmem>> -> memref<100xi32, #tpu.memory_space<vmem>>
    %dma_start3A_57 = arith.constant 0 : i32
    %dma_start3A_58 = arith.constant 0 : i32
    %dma_start3A_59 = tpu.memref_slice %arg2[%dma_start3A_57, %dma_start3A_58] : memref<10000x64xf32, #tpu.memory_space<hbm>> -> memref<10000x64xf32, #tpu.memory_space<hbm>>
    tpu.enqueue_indirect_dma source(%dma_start3A_59 : memref<10000x64xf32, #tpu.memory_space<hbm>>) target(%dma_start3A_53 : memref<100x64xf32, #tpu.memory_space<vmem>>) offsets(%dma_start3A_56 : memref<100xi32, #tpu.memory_space<vmem>>) semaphore(%arg9 : memref<!tpu.dma_semaphore, #tpu.memory_space<semaphore_mem>>)
    %dma_start3A_60 = arith.constant 1 : i32
    %dma_start3A_61 = arith.constant 1 : i32
    %dma_start3A_62 = arith.constant 0 : i32
    %dma_start3A_63 = arith.constant 0 : i32
    %dma_start3A_64 = tpu.memref_slice %arg6[%dma_start3A_61, %dma_start3A_62, %dma_start3A_63] : memref<2x100x64xf32, #tpu.memory_space<vmem>> -> memref<1x100x64xf32, #tpu.memory_space<vmem>>
    %dma_start3A_65 = tpu.memref_squeeze %dma_start3A_64 : memref<1x100x64xf32, #tpu.memory_space<vmem>> -> memref<100x64xf32, #tpu.memory_space<vmem>>
    %dma_start3A_66 = arith.constant 0 : i32
    %dma_start3A_67 = tpu.memref_slice %arg7[%dma_start3A_60, %dma_start3A_66] : memref<100x100xi32, #tpu.memory_space<vmem>> -> memref<1x100xi32, #tpu.memory_space<vmem>>
    %dma_start3A_68 = tpu.memref_squeeze %dma_start3A_67 : memref<1x100xi32, #tpu.memory_space<vmem>> -> memref<100xi32, #tpu.memory_space<vmem>>
    %dma_start3A_69 = arith.constant 0 : i32
    %dma_start3A_70 = arith.constant 0 : i32
    %dma_start3A_71 = tpu.memref_slice %arg2[%dma_start3A_69, %dma_start3A_70] : memref<10000x64xf32, #tpu.memory_space<hbm>> -> memref<10000x64xf32, #tpu.memory_space<hbm>>
    tpu.enqueue_indirect_dma source(%dma_start3A_71 : memref<10000x64xf32, #tpu.memory_space<hbm>>) target(%dma_start3A_65 : memref<100x64xf32, #tpu.memory_space<vmem>>) offsets(%dma_start3A_68 : memref<100xi32, #tpu.memory_space<vmem>>) semaphore(%arg10 : memref<!tpu.dma_semaphore, #tpu.memory_space<semaphore_mem>>)
    %scan3A_72 = arith.constant 0 : i32
    %scan3A_73 = arith.constant 0 : i32
    %scan3A_74 = arith.constant 49 : i32
    %scan3A_75 = arith.addi %scan3A_73, %scan3A_74 : i32
    %scan3A_76 = arith.constant 1 : i32
    %scan3A_77 = scf.for %scan3A_111 = %scan3A_73 to %scan3A_75 step %scan3A_76 iter_args(%scan3A_112 = %scan3A_72) -> (i32)  : i32 {
      %mul3A_113 = arith.constant 2 : i32
      %mul3A_114 = arith.muli %mul3A_113, %scan3A_111 : i32
      %dma_wait3A_115 = arith.constant 0 : i32
      %dma_wait3A_116 = arith.constant 0 : i32
      %dma_wait3A_117 = arith.constant 0 : i32
      %dma_wait3A_118 = tpu.memref_slice %arg6[%dma_wait3A_115, %dma_wait3A_116, %dma_wait3A_117] : memref<2x100x64xf32, #tpu.memory_space<vmem>> -> memref<1x100x64xf32, #tpu.memory_space<vmem>>
      %dma_wait3A_119 = tpu.memref_squeeze %dma_wait3A_118 : memref<1x100x64xf32, #tpu.memory_space<vmem>> -> memref<100x64xf32, #tpu.memory_space<vmem>>
      %dma_wait3A_120 = arith.constant 0 : i32
      %dma_wait3A_121 = tpu.memref_slice %arg7[%mul3A_114, %dma_wait3A_120] : memref<100x100xi32, #tpu.memory_space<vmem>> -> memref<1x100xi32, #tpu.memory_space<vmem>>
      %dma_wait3A_122 = tpu.memref_squeeze %dma_wait3A_121 : memref<1x100xi32, #tpu.memory_space<vmem>> -> memref<100xi32, #tpu.memory_space<vmem>>
      %dma_wait3A_123 = arith.constant 0 : i32
      %dma_wait3A_124 = arith.constant 0 : i32
      %dma_wait3A_125 = tpu.memref_slice %arg2[%dma_wait3A_123, %dma_wait3A_124] : memref<10000x64xf32, #tpu.memory_space<hbm>> -> memref<10000x64xf32, #tpu.memory_space<hbm>>
      tpu.wait_indirect_dma semaphore(%arg9 : memref<!tpu.dma_semaphore, #tpu.memory_space<semaphore_mem>>) src(%dma_wait3A_125 : memref<10000x64xf32, #tpu.memory_space<hbm>>) dst(%dma_wait3A_119 : memref<100x64xf32, #tpu.memory_space<vmem>>)
      %run_scoped3A_126 = arith.constant 0 : i32
      "tpu.region"() ({
        %run_scoped3A_168 = tpu.sem_alloc : memref<!tpu.dma_semaphore, #tpu.memory_space<semaphore_mem>>
        %dma_start3A_169 = arith.constant 0 : i32
        %dma_start3A_170 = arith.constant 0 : i32
        %dma_start3A_171 = tpu.memref_slice %arg6[%run_scoped3A_126, %dma_start3A_169, %dma_start3A_170] : memref<2x100x64xf32, #tpu.memory_space<vmem>> -> memref<1x100x64xf32, #tpu.memory_space<vmem>>
        %dma_start3A_172 = tpu.memref_squeeze %dma_start3A_171 : memref<1x100x64xf32, #tpu.memory_space<vmem>> -> memref<100x64xf32, #tpu.memory_space<vmem>>
        %dma_start3A_173 = arith.constant 0 : i32
        %dma_start3A_174 = tpu.memref_slice %arg8[%mul3A_114, %dma_start3A_173] : memref<100x100xi32, #tpu.memory_space<vmem>> -> memref<1x100xi32, #tpu.memory_space<vmem>>
        %dma_start3A_175 = tpu.memref_squeeze %dma_start3A_174 : memref<1x100xi32, #tpu.memory_space<vmem>> -> memref<100xi32, #tpu.memory_space<vmem>>
        %dma_start3A_176 = arith.constant 0 : i32
        %dma_start3A_177 = arith.constant 0 : i32
        %dma_start3A_178 = tpu.memref_slice %arg5[%dma_start3A_176, %dma_start3A_177] : memref<10008x64xf32, #tpu.memory_space<vmem_shared>> -> memref<10008x64xf32, #tpu.memory_space<vmem_shared>>
        tpu.enqueue_indirect_dma source(%dma_start3A_172 : memref<100x64xf32, #tpu.memory_space<vmem>>) target(%dma_start3A_178 : memref<10008x64xf32, #tpu.memory_space<vmem_shared>>) offsets(%dma_start3A_175 : memref<100xi32, #tpu.memory_space<vmem>>) semaphore(%run_scoped3A_168 : memref<!tpu.dma_semaphore, #tpu.memory_space<semaphore_mem>>) {add = true}
        %dma_wait3A_179 = arith.constant 0 : i32
        %dma_wait3A_180 = arith.constant 0 : i32
        %dma_wait3A_181 = tpu.memref_slice %arg6[%run_scoped3A_126, %dma_wait3A_179, %dma_wait3A_180] : memref<2x100x64xf32, #tpu.memory_space<vmem>> -> memref<1x100x64xf32, #tpu.memory_space<vmem>>
        %dma_wait3A_182 = tpu.memref_squeeze %dma_wait3A_181 : memref<1x100x64xf32, #tpu.memory_space<vmem>> -> memref<100x64xf32, #tpu.memory_space<vmem>>
        %dma_wait3A_183 = arith.constant 0 : i32
        %dma_wait3A_184 = tpu.memref_slice %arg8[%mul3A_114, %dma_wait3A_183] : memref<100x100xi32, #tpu.memory_space<vmem>> -> memref<1x100xi32, #tpu.memory_space<vmem>>
        %dma_wait3A_185 = tpu.memref_squeeze %dma_wait3A_184 : memref<1x100xi32, #tpu.memory_space<vmem>> -> memref<100xi32, #tpu.memory_space<vmem>>
        %dma_wait3A_186 = arith.constant 0 : i32
        %dma_wait3A_187 = arith.constant 0 : i32
        %dma_wait3A_188 = tpu.memref_slice %arg5[%dma_wait3A_186, %dma_wait3A_187] : memref<10008x64xf32, #tpu.memory_space<vmem_shared>> -> memref<10008x64xf32, #tpu.memory_space<vmem_shared>>
        tpu.wait_indirect_dma semaphore(%run_scoped3A_168 : memref<!tpu.dma_semaphore, #tpu.memory_space<semaphore_mem>>) src(%dma_wait3A_182 : memref<100x64xf32, #tpu.memory_space<vmem>>) dst(%dma_wait3A_188 : memref<10008x64xf32, #tpu.memory_space<vmem_shared>>)
        tpu.yield
      }) : () -> ()
      %add3A_127 = arith.constant 2 : i32
      %add3A_128 = arith.addi %mul3A_114, %add3A_127 : i32
      %dma_start3A_129 = arith.constant 0 : i32
      %dma_start3A_130 = arith.constant 0 : i32
      %dma_start3A_131 = arith.constant 0 : i32
      %dma_start3A_132 = tpu.memref_slice %arg6[%dma_start3A_129, %dma_start3A_130, %dma_start3A_131] : memref<2x100x64xf32, #tpu.memory_space<vmem>> -> memref<1x100x64xf32, #tpu.memory_space<vmem>>
      %dma_start3A_133 = tpu.memref_squeeze %dma_start3A_132 : memref<1x100x64xf32, #tpu.memory_space<vmem>> -> memref<100x64xf32, #tpu.memory_space<vmem>>
      %dma_start3A_134 = arith.constant 0 : i32
      %dma_start3A_135 = tpu.memref_slice %arg7[%add3A_128, %dma_start3A_134] : memref<100x100xi32, #tpu.memory_space<vmem>> -> memref<1x100xi32, #tpu.memory_space<vmem>>
      %dma_start3A_136 = tpu.memref_squeeze %dma_start3A_135 : memref<1x100xi32, #tpu.memory_space<vmem>> -> memref<100xi32, #tpu.memory_space<vmem>>
      %dma_start3A_137 = arith.constant 0 : i32
      %dma_start3A_138 = arith.constant 0 : i32
      %dma_start3A_139 = tpu.memref_slice %arg2[%dma_start3A_137, %dma_start3A_138] : memref<10000x64xf32, #tpu.memory_space<hbm>> -> memref<10000x64xf32, #tpu.memory_space<hbm>>
      tpu.enqueue_indirect_dma source(%dma_start3A_139 : memref<10000x64xf32, #tpu.memory_space<hbm>>) target(%dma_start3A_133 : memref<100x64xf32, #tpu.memory_space<vmem>>) offsets(%dma_start3A_136 : memref<100xi32, #tpu.memory_space<vmem>>) semaphore(%arg9 : memref<!tpu.dma_semaphore, #tpu.memory_space<semaphore_mem>>)
      %add3A_140 = arith.constant 1 : i32
      %add3A_141 = arith.addi %mul3A_114, %add3A_140 : i32
      %dma_wait3A_142 = arith.constant 1 : i32
      %dma_wait3A_143 = arith.constant 0 : i32
      %dma_wait3A_144 = arith.constant 0 : i32
      %dma_wait3A_145 = tpu.memref_slice %arg6[%dma_wait3A_142, %dma_wait3A_143, %dma_wait3A_144] : memref<2x100x64xf32, #tpu.memory_space<vmem>> -> memref<1x100x64xf32, #tpu.memory_space<vmem>>
      %dma_wait3A_146 = tpu.memref_squeeze %dma_wait3A_145 : memref<1x100x64xf32, #tpu.memory_space<vmem>> -> memref<100x64xf32, #tpu.memory_space<vmem>>
      %dma_wait3A_147 = arith.constant 0 : i32
      %dma_wait3A_148 = tpu.memref_slice %arg7[%add3A_141, %dma_wait3A_147] : memref<100x100xi32, #tpu.memory_space<vmem>> -> memref<1x100xi32, #tpu.memory_space<vmem>>
      %dma_wait3A_149 = tpu.memref_squeeze %dma_wait3A_148 : memref<1x100xi32, #tpu.memory_space<vmem>> -> memref<100xi32, #tpu.memory_space<vmem>>
      %dma_wait3A_150 = arith.constant 0 : i32
      %dma_wait3A_151 = arith.constant 0 : i32
      %dma_wait3A_152 = tpu.memref_slice %arg2[%dma_wait3A_150, %dma_wait3A_151] : memref<10000x64xf32, #tpu.memory_space<hbm>> -> memref<10000x64xf32, #tpu.memory_space<hbm>>
      tpu.wait_indirect_dma semaphore(%arg10 : memref<!tpu.dma_semaphore, #tpu.memory_space<semaphore_mem>>) src(%dma_wait3A_152 : memref<10000x64xf32, #tpu.memory_space<hbm>>) dst(%dma_wait3A_146 : memref<100x64xf32, #tpu.memory_space<vmem>>)
      %run_scoped3A_153 = arith.constant 1 : i32
      "tpu.region"() ({
        %run_scoped3A_168 = tpu.sem_alloc : memref<!tpu.dma_semaphore, #tpu.memory_space<semaphore_mem>>
        %dma_start3A_169 = arith.constant 0 : i32
        %dma_start3A_170 = arith.constant 0 : i32
        %dma_start3A_171 = tpu.memref_slice %arg6[%run_scoped3A_153, %dma_start3A_169, %dma_start3A_170] : memref<2x100x64xf32, #tpu.memory_space<vmem>> -> memref<1x100x64xf32, #tpu.memory_space<vmem>>
        %dma_start3A_172 = tpu.memref_squeeze %dma_start3A_171 : memref<1x100x64xf32, #tpu.memory_space<vmem>> -> memref<100x64xf32, #tpu.memory_space<vmem>>
        %dma_start3A_173 = arith.constant 0 : i32
        %dma_start3A_174 = tpu.memref_slice %arg8[%add3A_141, %dma_start3A_173] : memref<100x100xi32, #tpu.memory_space<vmem>> -> memref<1x100xi32, #tpu.memory_space<vmem>>
        %dma_start3A_175 = tpu.memref_squeeze %dma_start3A_174 : memref<1x100xi32, #tpu.memory_space<vmem>> -> memref<100xi32, #tpu.memory_space<vmem>>
        %dma_start3A_176 = arith.constant 0 : i32
        %dma_start3A_177 = arith.constant 0 : i32
        %dma_start3A_178 = tpu.memref_slice %arg5[%dma_start3A_176, %dma_start3A_177] : memref<10008x64xf32, #tpu.memory_space<vmem_shared>> -> memref<10008x64xf32, #tpu.memory_space<vmem_shared>>
        tpu.enqueue_indirect_dma source(%dma_start3A_172 : memref<100x64xf32, #tpu.memory_space<vmem>>) target(%dma_start3A_178 : memref<10008x64xf32, #tpu.memory_space<vmem_shared>>) offsets(%dma_start3A_175 : memref<100xi32, #tpu.memory_space<vmem>>) semaphore(%run_scoped3A_168 : memref<!tpu.dma_semaphore, #tpu.memory_space<semaphore_mem>>) {add = true}
        %dma_wait3A_179 = arith.constant 0 : i32
        %dma_wait3A_180 = arith.constant 0 : i32
        %dma_wait3A_181 = tpu.memref_slice %arg6[%run_scoped3A_153, %dma_wait3A_179, %dma_wait3A_180] : memref<2x100x64xf32, #tpu.memory_space<vmem>> -> memref<1x100x64xf32, #tpu.memory_space<vmem>>
        %dma_wait3A_182 = tpu.memref_squeeze %dma_wait3A_181 : memref<1x100x64xf32, #tpu.memory_space<vmem>> -> memref<100x64xf32, #tpu.memory_space<vmem>>
        %dma_wait3A_183 = arith.constant 0 : i32
        %dma_wait3A_184 = tpu.memref_slice %arg8[%add3A_141, %dma_wait3A_183] : memref<100x100xi32, #tpu.memory_space<vmem>> -> memref<1x100xi32, #tpu.memory_space<vmem>>
        %dma_wait3A_185 = tpu.memref_squeeze %dma_wait3A_184 : memref<1x100xi32, #tpu.memory_space<vmem>> -> memref<100xi32, #tpu.memory_space<vmem>>
        %dma_wait3A_186 = arith.constant 0 : i32
        %dma_wait3A_187 = arith.constant 0 : i32
        %dma_wait3A_188 = tpu.memref_slice %arg5[%dma_wait3A_186, %dma_wait3A_187] : memref<10008x64xf32, #tpu.memory_space<vmem_shared>> -> memref<10008x64xf32, #tpu.memory_space<vmem_shared>>
        tpu.wait_indirect_dma semaphore(%run_scoped3A_168 : memref<!tpu.dma_semaphore, #tpu.memory_space<semaphore_mem>>) src(%dma_wait3A_182 : memref<100x64xf32, #tpu.memory_space<vmem>>) dst(%dma_wait3A_188 : memref<10008x64xf32, #tpu.memory_space<vmem_shared>>)
        tpu.yield
      }) : () -> ()
      %add3A_154 = arith.constant 3 : i32
      %add3A_155 = arith.addi %mul3A_114, %add3A_154 : i32
      %dma_start3A_156 = arith.constant 1 : i32
      %dma_start3A_157 = arith.constant 0 : i32
      %dma_start3A_158 = arith.constant 0 : i32
      %dma_start3A_159 = tpu.memref_slice %arg6[%dma_start3A_156, %dma_start3A_157, %dma_start3A_158] : memref<2x100x64xf32, #tpu.memory_space<vmem>> -> memref<1x100x64xf32, #tpu.memory_space<vmem>>
      %dma_start3A_160 = tpu.memref_squeeze %dma_start3A_159 : memref<1x100x64xf32, #tpu.memory_space<vmem>> -> memref<100x64xf32, #tpu.memory_space<vmem>>
      %dma_start3A_161 = arith.constant 0 : i32
      %dma_start3A_162 = tpu.memref_slice %arg7[%add3A_155, %dma_start3A_161] : memref<100x100xi32, #tpu.memory_space<vmem>> -> memref<1x100xi32, #tpu.memory_space<vmem>>
      %dma_start3A_163 = tpu.memref_squeeze %dma_start3A_162 : memref<1x100xi32, #tpu.memory_space<vmem>> -> memref<100xi32, #tpu.memory_space<vmem>>
      %dma_start3A_164 = arith.constant 0 : i32
      %dma_start3A_165 = arith.constant 0 : i32
      %dma_start3A_166 = tpu.memref_slice %arg2[%dma_start3A_164, %dma_start3A_165] : memref<10000x64xf32, #tpu.memory_space<hbm>> -> memref<10000x64xf32, #tpu.memory_space<hbm>>
      tpu.enqueue_indirect_dma source(%dma_start3A_166 : memref<10000x64xf32, #tpu.memory_space<hbm>>) target(%dma_start3A_160 : memref<100x64xf32, #tpu.memory_space<vmem>>) offsets(%dma_start3A_163 : memref<100xi32, #tpu.memory_space<vmem>>) semaphore(%arg10 : memref<!tpu.dma_semaphore, #tpu.memory_space<semaphore_mem>>)
      %scan3A_167 = arith.constant 0 : i32
      scf.yield %scan3A_167 : i32
    }
    %scan3A_78 = arith.constant 49 : i32
    %dma_wait3A = arith.constant 98 : i32
    %dma_wait3A_79 = arith.constant 0 : i32
    %dma_wait3A_80 = arith.constant 0 : i32
    %dma_wait3A_81 = arith.constant 0 : i32
    %dma_wait3A_82 = tpu.memref_slice %arg6[%dma_wait3A_79, %dma_wait3A_80, %dma_wait3A_81] : memref<2x100x64xf32, #tpu.memory_space<vmem>> -> memref<1x100x64xf32, #tpu.memory_space<vmem>>
    %dma_wait3A_83 = tpu.memref_squeeze %dma_wait3A_82 : memref<1x100x64xf32, #tpu.memory_space<vmem>> -> memref<100x64xf32, #tpu.memory_space<vmem>>
    %dma_wait3A_84 = arith.constant 0 : i32
    %dma_wait3A_85 = tpu.memref_slice %arg7[%dma_wait3A, %dma_wait3A_84] : memref<100x100xi32, #tpu.memory_space<vmem>> -> memref<1x100xi32, #tpu.memory_space<vmem>>
    %dma_wait3A_86 = tpu.memref_squeeze %dma_wait3A_85 : memref<1x100xi32, #tpu.memory_space<vmem>> -> memref<100xi32, #tpu.memory_space<vmem>>
    %dma_wait3A_87 = arith.constant 0 : i32
    %dma_wait3A_88 = arith.constant 0 : i32
    %dma_wait3A_89 = tpu.memref_slice %arg2[%dma_wait3A_87, %dma_wait3A_88] : memref<10000x64xf32, #tpu.memory_space<hbm>> -> memref<10000x64xf32, #tpu.memory_space<hbm>>
    tpu.wait_indirect_dma semaphore(%arg9 : memref<!tpu.dma_semaphore, #tpu.memory_space<semaphore_mem>>) src(%dma_wait3A_89 : memref<10000x64xf32, #tpu.memory_space<hbm>>) dst(%dma_wait3A_83 : memref<100x64xf32, #tpu.memory_space<vmem>>)
    %run_scoped3A_90 = arith.constant 0 : i32
    %run_scoped3A_91 = arith.constant 98 : i32
    "tpu.region"() ({
      %run_scoped3A_111 = tpu.sem_alloc : memref<!tpu.dma_semaphore, #tpu.memory_space<semaphore_mem>>
      %dma_start3A_112 = arith.constant 0 : i32
      %dma_start3A_113 = arith.constant 0 : i32
      %dma_start3A_114 = tpu.memref_slice %arg6[%run_scoped3A_90, %dma_start3A_112, %dma_start3A_113] : memref<2x100x64xf32, #tpu.memory_space<vmem>> -> memref<1x100x64xf32, #tpu.memory_space<vmem>>
      %dma_start3A_115 = tpu.memref_squeeze %dma_start3A_114 : memref<1x100x64xf32, #tpu.memory_space<vmem>> -> memref<100x64xf32, #tpu.memory_space<vmem>>
      %dma_start3A_116 = arith.constant 0 : i32
      %dma_start3A_117 = tpu.memref_slice %arg8[%run_scoped3A_91, %dma_start3A_116] : memref<100x100xi32, #tpu.memory_space<vmem>> -> memref<1x100xi32, #tpu.memory_space<vmem>>
      %dma_start3A_118 = tpu.memref_squeeze %dma_start3A_117 : memref<1x100xi32, #tpu.memory_space<vmem>> -> memref<100xi32, #tpu.memory_space<vmem>>
      %dma_start3A_119 = arith.constant 0 : i32
      %dma_start3A_120 = arith.constant 0 : i32
      %dma_start3A_121 = tpu.memref_slice %arg5[%dma_start3A_119, %dma_start3A_120] : memref<10008x64xf32, #tpu.memory_space<vmem_shared>> -> memref<10008x64xf32, #tpu.memory_space<vmem_shared>>
      tpu.enqueue_indirect_dma source(%dma_start3A_115 : memref<100x64xf32, #tpu.memory_space<vmem>>) target(%dma_start3A_121 : memref<10008x64xf32, #tpu.memory_space<vmem_shared>>) offsets(%dma_start3A_118 : memref<100xi32, #tpu.memory_space<vmem>>) semaphore(%run_scoped3A_111 : memref<!tpu.dma_semaphore, #tpu.memory_space<semaphore_mem>>) {add = true}
      %dma_wait3A_122 = arith.constant 0 : i32
      %dma_wait3A_123 = arith.constant 0 : i32
      %dma_wait3A_124 = tpu.memref_slice %arg6[%run_scoped3A_90, %dma_wait3A_122, %dma_wait3A_123] : memref<2x100x64xf32, #tpu.memory_space<vmem>> -> memref<1x100x64xf32, #tpu.memory_space<vmem>>
      %dma_wait3A_125 = tpu.memref_squeeze %dma_wait3A_124 : memref<1x100x64xf32, #tpu.memory_space<vmem>> -> memref<100x64xf32, #tpu.memory_space<vmem>>
      %dma_wait3A_126 = arith.constant 0 : i32
      %dma_wait3A_127 = tpu.memref_slice %arg8[%run_scoped3A_91, %dma_wait3A_126] : memref<100x100xi32, #tpu.memory_space<vmem>> -> memref<1x100xi32, #tpu.memory_space<vmem>>
      %dma_wait3A_128 = tpu.memref_squeeze %dma_wait3A_127 : memref<1x100xi32, #tpu.memory_space<vmem>> -> memref<100xi32, #tpu.memory_space<vmem>>
      %dma_wait3A_129 = arith.constant 0 : i32
      %dma_wait3A_130 = arith.constant 0 : i32
      %dma_wait3A_131 = tpu.memref_slice %arg5[%dma_wait3A_129, %dma_wait3A_130] : memref<10008x64xf32, #tpu.memory_space<vmem_shared>> -> memref<10008x64xf32, #tpu.memory_space<vmem_shared>>
      tpu.wait_indirect_dma semaphore(%run_scoped3A_111 : memref<!tpu.dma_semaphore, #tpu.memory_space<semaphore_mem>>) src(%dma_wait3A_125 : memref<100x64xf32, #tpu.memory_space<vmem>>) dst(%dma_wait3A_131 : memref<10008x64xf32, #tpu.memory_space<vmem_shared>>)
      tpu.yield
    }) : () -> ()
    %dma_wait3A_92 = arith.constant 99 : i32
    %dma_wait3A_93 = arith.constant 1 : i32
    %dma_wait3A_94 = arith.constant 0 : i32
    %dma_wait3A_95 = arith.constant 0 : i32
    %dma_wait3A_96 = tpu.memref_slice %arg6[%dma_wait3A_93, %dma_wait3A_94, %dma_wait3A_95] : memref<2x100x64xf32, #tpu.memory_space<vmem>> -> memref<1x100x64xf32, #tpu.memory_space<vmem>>
    %dma_wait3A_97 = tpu.memref_squeeze %dma_wait3A_96 : memref<1x100x64xf32, #tpu.memory_space<vmem>> -> memref<100x64xf32, #tpu.memory_space<vmem>>
    %dma_wait3A_98 = arith.constant 0 : i32
    %dma_wait3A_99 = tpu.memref_slice %arg7[%dma_wait3A_92, %dma_wait3A_98] : memref<100x100xi32, #tpu.memory_space<vmem>> -> memref<1x100xi32, #tpu.memory_space<vmem>>
    %dma_wait3A_100 = tpu.memref_squeeze %dma_wait3A_99 : memref<1x100xi32, #tpu.memory_space<vmem>> -> memref<100xi32, #tpu.memory_space<vmem>>
    %dma_wait3A_101 = arith.constant 0 : i32
    %dma_wait3A_102 = arith.constant 0 : i32
    %dma_wait3A_103 = tpu.memref_slice %arg2[%dma_wait3A_101, %dma_wait3A_102] : memref<10000x64xf32, #tpu.memory_space<hbm>> -> memref<10000x64xf32, #tpu.memory_space<hbm>>
    tpu.wait_indirect_dma semaphore(%arg10 : memref<!tpu.dma_semaphore, #tpu.memory_space<semaphore_mem>>) src(%dma_wait3A_103 : memref<10000x64xf32, #tpu.memory_space<hbm>>) dst(%dma_wait3A_97 : memref<100x64xf32, #tpu.memory_space<vmem>>)
    %run_scoped3A_104 = arith.constant 1 : i32
    %run_scoped3A_105 = arith.constant 99 : i32
    "tpu.region"() ({
      %run_scoped3A_111 = tpu.sem_alloc : memref<!tpu.dma_semaphore, #tpu.memory_space<semaphore_mem>>
      %dma_start3A_112 = arith.constant 0 : i32
      %dma_start3A_113 = arith.constant 0 : i32
      %dma_start3A_114 = tpu.memref_slice %arg6[%run_scoped3A_104, %dma_start3A_112, %dma_start3A_113] : memref<2x100x64xf32, #tpu.memory_space<vmem>> -> memref<1x100x64xf32, #tpu.memory_space<vmem>>
      %dma_start3A_115 = tpu.memref_squeeze %dma_start3A_114 : memref<1x100x64xf32, #tpu.memory_space<vmem>> -> memref<100x64xf32, #tpu.memory_space<vmem>>
      %dma_start3A_116 = arith.constant 0 : i32
      %dma_start3A_117 = tpu.memref_slice %arg8[%run_scoped3A_105, %dma_start3A_116] : memref<100x100xi32, #tpu.memory_space<vmem>> -> memref<1x100xi32, #tpu.memory_space<vmem>>
      %dma_start3A_118 = tpu.memref_squeeze %dma_start3A_117 : memref<1x100xi32, #tpu.memory_space<vmem>> -> memref<100xi32, #tpu.memory_space<vmem>>
      %dma_start3A_119 = arith.constant 0 : i32
      %dma_start3A_120 = arith.constant 0 : i32
      %dma_start3A_121 = tpu.memref_slice %arg5[%dma_start3A_119, %dma_start3A_120] : memref<10008x64xf32, #tpu.memory_space<vmem_shared>> -> memref<10008x64xf32, #tpu.memory_space<vmem_shared>>
      tpu.enqueue_indirect_dma source(%dma_start3A_115 : memref<100x64xf32, #tpu.memory_space<vmem>>) target(%dma_start3A_121 : memref<10008x64xf32, #tpu.memory_space<vmem_shared>>) offsets(%dma_start3A_118 : memref<100xi32, #tpu.memory_space<vmem>>) semaphore(%run_scoped3A_111 : memref<!tpu.dma_semaphore, #tpu.memory_space<semaphore_mem>>) {add = true}
      %dma_wait3A_122 = arith.constant 0 : i32
      %dma_wait3A_123 = arith.constant 0 : i32
      %dma_wait3A_124 = tpu.memref_slice %arg6[%run_scoped3A_104, %dma_wait3A_122, %dma_wait3A_123] : memref<2x100x64xf32, #tpu.memory_space<vmem>> -> memref<1x100x64xf32, #tpu.memory_space<vmem>>
      %dma_wait3A_125 = tpu.memref_squeeze %dma_wait3A_124 : memref<1x100x64xf32, #tpu.memory_space<vmem>> -> memref<100x64xf32, #tpu.memory_space<vmem>>
      %dma_wait3A_126 = arith.constant 0 : i32
      %dma_wait3A_127 = tpu.memref_slice %arg8[%run_scoped3A_105, %dma_wait3A_126] : memref<100x100xi32, #tpu.memory_space<vmem>> -> memref<1x100xi32, #tpu.memory_space<vmem>>
      %dma_wait3A_128 = tpu.memref_squeeze %dma_wait3A_127 : memref<1x100xi32, #tpu.memory_space<vmem>> -> memref<100xi32, #tpu.memory_space<vmem>>
      %dma_wait3A_129 = arith.constant 0 : i32
      %dma_wait3A_130 = arith.constant 0 : i32
      %dma_wait3A_131 = tpu.memref_slice %arg5[%dma_wait3A_129, %dma_wait3A_130] : memref<10008x64xf32, #tpu.memory_space<vmem_shared>> -> memref<10008x64xf32, #tpu.memory_space<vmem_shared>>
      tpu.wait_indirect_dma semaphore(%run_scoped3A_111 : memref<!tpu.dma_semaphore, #tpu.memory_space<semaphore_mem>>) src(%dma_wait3A_125 : memref<100x64xf32, #tpu.memory_space<vmem>>) dst(%dma_wait3A_131 : memref<10008x64xf32, #tpu.memory_space<vmem_shared>>)
      tpu.yield
    }) : () -> ()
    %barrier3A_106 = arith.constant 0 : index
    tpu.barrier barrier_id(%barrier3A_106)
    %mul3A_107 = arith.constant 625 : i32
    %mul3A_108 = arith.muli %arg1, %mul3A_107 : i32
    %mul3A_109 = arith.constant 625 : i32
    %mul3A_110 = arith.muli %arg1, %mul3A_109 : i32
    "tpu.region"() ({
      %run_scoped3A_111 = tpu.sem_alloc : memref<!tpu.dma_semaphore, #tpu.memory_space<semaphore_mem>>
      %dma_start3A_112 = arith.constant 0 : i32
      %dma_start3A_113 = tpu.memref_slice %arg4[%arg0, %mul3A_110, %dma_start3A_112] : memref<2x10000x64xf32, #tpu.memory_space<hbm>> -> memref<1x625x64xf32, #tpu.memory_space<hbm>>
      %dma_start3A_114 = tpu.memref_squeeze %dma_start3A_113 : memref<1x625x64xf32, #tpu.memory_space<hbm>> -> memref<625x64xf32, #tpu.memory_space<hbm>>
      %dma_start3A_115 = arith.constant 0 : i32
      %dma_start3A_116 = tpu.memref_slice %arg5[%mul3A_108, %dma_start3A_115] : memref<10008x64xf32, #tpu.memory_space<vmem_shared>> -> memref<625x64xf32, #tpu.memory_space<vmem_shared>>
      tpu.enqueue_dma source(%dma_start3A_116 : memref<625x64xf32, #tpu.memory_space<vmem_shared>>) target(%dma_start3A_114 : memref<625x64xf32, #tpu.memory_space<hbm>>) target_semaphore(%run_scoped3A_111 : memref<!tpu.dma_semaphore, #tpu.memory_space<semaphore_mem>>)
      %dma_wait3A_117 = arith.constant 0 : i32
      %dma_wait3A_118 = tpu.memref_slice %arg4[%arg0, %mul3A_110, %dma_wait3A_117] : memref<2x10000x64xf32, #tpu.memory_space<hbm>> -> memref<1x625x64xf32, #tpu.memory_space<hbm>>
      %dma_wait3A_119 = tpu.memref_squeeze %dma_wait3A_118 : memref<1x625x64xf32, #tpu.memory_space<hbm>> -> memref<625x64xf32, #tpu.memory_space<hbm>>
      %dma_wait3A_120 = arith.constant 0 : i32
      %dma_wait3A_121 = tpu.memref_slice %arg5[%mul3A_108, %dma_wait3A_120] : memref<10008x64xf32, #tpu.memory_space<vmem_shared>> -> memref<625x64xf32, #tpu.memory_space<vmem_shared>>
      tpu.wait_dma2 semaphore(%run_scoped3A_111 : memref<!tpu.dma_semaphore, #tpu.memory_space<semaphore_mem>>) src(%dma_wait3A_121 : memref<625x64xf32, #tpu.memory_space<vmem_shared>>) dst(%dma_wait3A_119 : memref<625x64xf32, #tpu.memory_space<hbm>>)
      tpu.yield
    }) : () -> ()
    return
  }
}

#map = affine_map<(d0, d1) -> (0, 0)>
#map1 = affine_map<(d0, d1) -> (0, 0, 0)>
module attributes {stable_mosaic.version = 14 : i64} {
  func.func @_agg(%arg0: i32, %arg1: i32, %arg2: memref<10000x128xf32, #tpu.memory_space<hbm>>, %arg3: memref<2x3200x100xi32, #tpu.memory_space<hbm>>, %arg4: memref<2x10000x128xf32, #tpu.memory_space<hbm>>, %arg5: memref<10008x128xf32, #tpu.memory_space<vmem_shared>>, %arg6: memref<2x100x128xf32, #tpu.memory_space<vmem>>, %arg7: memref<100x100xi32, #tpu.memory_space<vmem>>, %arg8: memref<100x100xi32, #tpu.memory_space<vmem>>, %arg9: memref<!tpu.dma_semaphore, #tpu.memory_space<semaphore_mem>>, %arg10: memref<!tpu.dma_semaphore, #tpu.memory_space<semaphore_mem>>) attributes {dimension_semantics = [#tpu.dimension_semantics<core_parallel>, #tpu.dimension_semantics<subcore_parallel>], iteration_bounds = array<i64: 2, 16>, scalar_prefetch = 0 : i64, scratch_operands = 6 : i64, tpu.core_type = #tpu.core_type<sc_vector_subcore>, window_params = [{transform_indices = #map}, {transform_indices = #map1}, {transform_indices = #map1}]} {
    %mul3A = arith.constant 16 : i32
    %mul3A_0 = arith.muli %arg0, %mul3A : i32
    %add3A = arith.addi %mul3A_0, %arg1 : i32
    %mul3A_1 = arith.constant 100 : i32
    %mul3A_2 = arith.muli %add3A, %mul3A_1 : i32
    %run_scoped3A = arith.constant 0 : i32
    "tpu.region"() ({
      %run_scoped3A_111 = tpu.sem_alloc : memref<!tpu.dma_semaphore, #tpu.memory_space<semaphore_mem>>
      %dma_start3A_112 = arith.constant 0 : i32
      %dma_start3A_113 = tpu.memref_slice %arg3[%run_scoped3A, %mul3A_2, %dma_start3A_112] : memref<2x3200x100xi32, #tpu.memory_space<hbm>> -> memref<1x100x100xi32, #tpu.memory_space<hbm>>
      %dma_start3A_114 = tpu.memref_squeeze %dma_start3A_113 : memref<1x100x100xi32, #tpu.memory_space<hbm>> -> memref<100x100xi32, #tpu.memory_space<hbm>>
      %dma_start3A_115 = arith.constant 0 : i32
      %dma_start3A_116 = tpu.memref_slice %arg3[%run_scoped3A, %mul3A_2, %dma_start3A_115] : memref<2x3200x100xi32, #tpu.memory_space<hbm>> -> memref<1x100x100xi32, #tpu.memory_space<hbm>>
      %dma_start3A_117 = tpu.memref_squeeze %dma_start3A_116 : memref<1x100x100xi32, #tpu.memory_space<hbm>> -> memref<100x100xi32, #tpu.memory_space<hbm>>
      tpu.enqueue_dma source(%dma_start3A_117 : memref<100x100xi32, #tpu.memory_space<hbm>>) target(%arg7 : memref<100x100xi32, #tpu.memory_space<vmem>>) target_semaphore(%run_scoped3A_111 : memref<!tpu.dma_semaphore, #tpu.memory_space<semaphore_mem>>)
      %dma_wait3A_118 = arith.constant 0 : i32
      %dma_wait3A_119 = tpu.memref_slice %arg3[%run_scoped3A, %mul3A_2, %dma_wait3A_118] : memref<2x3200x100xi32, #tpu.memory_space<hbm>> -> memref<1x100x100xi32, #tpu.memory_space<hbm>>
      %dma_wait3A_120 = tpu.memref_squeeze %dma_wait3A_119 : memref<1x100x100xi32, #tpu.memory_space<hbm>> -> memref<100x100xi32, #tpu.memory_space<hbm>>
      %dma_wait3A_121 = arith.constant 0 : i32
      %dma_wait3A_122 = tpu.memref_slice %arg3[%run_scoped3A, %mul3A_2, %dma_wait3A_121] : memref<2x3200x100xi32, #tpu.memory_space<hbm>> -> memref<1x100x100xi32, #tpu.memory_space<hbm>>
      %dma_wait3A_123 = tpu.memref_squeeze %dma_wait3A_122 : memref<1x100x100xi32, #tpu.memory_space<hbm>> -> memref<100x100xi32, #tpu.memory_space<hbm>>
      tpu.wait_dma2 semaphore(%run_scoped3A_111 : memref<!tpu.dma_semaphore, #tpu.memory_space<semaphore_mem>>) src(%dma_wait3A_123 : memref<100x100xi32, #tpu.memory_space<hbm>>) dst(%arg7 : memref<100x100xi32, #tpu.memory_space<vmem>>)
      tpu.yield
    }) : () -> ()
    %mul3A_3 = arith.constant 100 : i32
    %mul3A_4 = arith.muli %add3A, %mul3A_3 : i32
    %run_scoped3A_5 = arith.constant 1 : i32
    "tpu.region"() ({
      %run_scoped3A_111 = tpu.sem_alloc : memref<!tpu.dma_semaphore, #tpu.memory_space<semaphore_mem>>
      %dma_start3A_112 = arith.constant 0 : i32
      %dma_start3A_113 = tpu.memref_slice %arg3[%run_scoped3A_5, %mul3A_4, %dma_start3A_112] : memref<2x3200x100xi32, #tpu.memory_space<hbm>> -> memref<1x100x100xi32, #tpu.memory_space<hbm>>
      %dma_start3A_114 = tpu.memref_squeeze %dma_start3A_113 : memref<1x100x100xi32, #tpu.memory_space<hbm>> -> memref<100x100xi32, #tpu.memory_space<hbm>>
      %dma_start3A_115 = arith.constant 0 : i32
      %dma_start3A_116 = tpu.memref_slice %arg3[%run_scoped3A_5, %mul3A_4, %dma_start3A_115] : memref<2x3200x100xi32, #tpu.memory_space<hbm>> -> memref<1x100x100xi32, #tpu.memory_space<hbm>>
      %dma_start3A_117 = tpu.memref_squeeze %dma_start3A_116 : memref<1x100x100xi32, #tpu.memory_space<hbm>> -> memref<100x100xi32, #tpu.memory_space<hbm>>
      tpu.enqueue_dma source(%dma_start3A_117 : memref<100x100xi32, #tpu.memory_space<hbm>>) target(%arg8 : memref<100x100xi32, #tpu.memory_space<vmem>>) target_semaphore(%run_scoped3A_111 : memref<!tpu.dma_semaphore, #tpu.memory_space<semaphore_mem>>)
      %dma_wait3A_118 = arith.constant 0 : i32
      %dma_wait3A_119 = tpu.memref_slice %arg3[%run_scoped3A_5, %mul3A_4, %dma_wait3A_118] : memref<2x3200x100xi32, #tpu.memory_space<hbm>> -> memref<1x100x100xi32, #tpu.memory_space<hbm>>
      %dma_wait3A_120 = tpu.memref_squeeze %dma_wait3A_119 : memref<1x100x100xi32, #tpu.memory_space<hbm>> -> memref<100x100xi32, #tpu.memory_space<hbm>>
      %dma_wait3A_121 = arith.constant 0 : i32
      %dma_wait3A_122 = tpu.memref_slice %arg3[%run_scoped3A_5, %mul3A_4, %dma_wait3A_121] : memref<2x3200x100xi32, #tpu.memory_space<hbm>> -> memref<1x100x100xi32, #tpu.memory_space<hbm>>
      %dma_wait3A_123 = tpu.memref_squeeze %dma_wait3A_122 : memref<1x100x100xi32, #tpu.memory_space<hbm>> -> memref<100x100xi32, #tpu.memory_space<hbm>>
      tpu.wait_dma2 semaphore(%run_scoped3A_111 : memref<!tpu.dma_semaphore, #tpu.memory_space<semaphore_mem>>) src(%dma_wait3A_123 : memref<100x100xi32, #tpu.memory_space<hbm>>) dst(%arg8 : memref<100x100xi32, #tpu.memory_space<vmem>>)
      tpu.yield
    }) : () -> ()
    %broadcast_in_dim3A = arith.constant 0.000000e+00 : f32
    %broadcast_in_dim3A_6 = vector.broadcast %broadcast_in_dim3A : f32 to vector<16xf32>
    %scan3A = arith.constant 0 : i32
    %scan3A_7 = arith.constant 0 : i32
    %scan3A_8 = arith.constant 0 : i32
    %scan3A_9 = arith.constant 100 : i32
    %scan3A_10 = arith.addi %scan3A_8, %scan3A_9 : i32
    %scan3A_11 = arith.constant 1 : i32
    %scan3A_12 = scf.for %scan3A_111 = %scan3A_8 to %scan3A_10 step %scan3A_11 iter_args(%scan3A_112 = %scan3A_7) -> (i32)  : i32 {
      %swap3A = arith.constant 0 : i32
      %swap3A_113 = arith.constant 0 : i32
      %swap3A_114 = tpu.memref_slice %arg6[%scan3A, %swap3A, %swap3A_113] : memref<2x100x128xf32, #tpu.memory_space<vmem>> -> memref<1x100x128xf32, #tpu.memory_space<vmem>>
      %swap3A_115 = tpu.memref_squeeze %swap3A_114 : memref<1x100x128xf32, #tpu.memory_space<vmem>> -> memref<100x128xf32, #tpu.memory_space<vmem>>
      %swap3A_116 = arith.index_cast %scan3A_111 : i32 to index
      %swap3A_117 = arith.constant 0 : index
      %swap3A_118 = tpu.vector_load %swap3A_115[%swap3A_116, %swap3A_117] {strides = array<i32>} : memref<100x128xf32, #tpu.memory_space<vmem>>, vector<16xf32>,
      tpu.vector_store %swap3A_115[%swap3A_116, %swap3A_117], %broadcast_in_dim3A_6 {strides = array<i32>} : memref<100x128xf32, #tpu.memory_space<vmem>>, vector<16xf32>,
      %swap3A_119 = arith.constant 0 : i32
      %swap3A_120 = arith.constant 0 : i32
      %swap3A_121 = tpu.memref_slice %arg6[%scan3A, %swap3A_119, %swap3A_120] : memref<2x100x128xf32, #tpu.memory_space<vmem>> -> memref<1x100x128xf32, #tpu.memory_space<vmem>>
      %swap3A_122 = tpu.memref_squeeze %swap3A_121 : memref<1x100x128xf32, #tpu.memory_space<vmem>> -> memref<100x128xf32, #tpu.memory_space<vmem>>
      %swap3A_123 = arith.index_cast %scan3A_111 : i32 to index
      %swap3A_124 = arith.constant 16 : index
      %swap3A_125 = tpu.vector_load %swap3A_122[%swap3A_123, %swap3A_124] {strides = array<i32>} : memref<100x128xf32, #tpu.memory_space<vmem>>, vector<16xf32>,
      tpu.vector_store %swap3A_122[%swap3A_123, %swap3A_124], %broadcast_in_dim3A_6 {strides = array<i32>} : memref<100x128xf32, #tpu.memory_space<vmem>>, vector<16xf32>,
      %swap3A_126 = arith.constant 0 : i32
      %swap3A_127 = arith.constant 0 : i32
      %swap3A_128 = tpu.memref_slice %arg6[%scan3A, %swap3A_126, %swap3A_127] : memref<2x100x128xf32, #tpu.memory_space<vmem>> -> memref<1x100x128xf32, #tpu.memory_space<vmem>>
      %swap3A_129 = tpu.memref_squeeze %swap3A_128 : memref<1x100x128xf32, #tpu.memory_space<vmem>> -> memref<100x128xf32, #tpu.memory_space<vmem>>
      %swap3A_130 = arith.index_cast %scan3A_111 : i32 to index
      %swap3A_131 = arith.constant 32 : index
      %swap3A_132 = tpu.vector_load %swap3A_129[%swap3A_130, %swap3A_131] {strides = array<i32>} : memref<100x128xf32, #tpu.memory_space<vmem>>, vector<16xf32>,
      tpu.vector_store %swap3A_129[%swap3A_130, %swap3A_131], %broadcast_in_dim3A_6 {strides = array<i32>} : memref<100x128xf32, #tpu.memory_space<vmem>>, vector<16xf32>,
      %swap3A_133 = arith.constant 0 : i32
      %swap3A_134 = arith.constant 0 : i32
      %swap3A_135 = tpu.memref_slice %arg6[%scan3A, %swap3A_133, %swap3A_134] : memref<2x100x128xf32, #tpu.memory_space<vmem>> -> memref<1x100x128xf32, #tpu.memory_space<vmem>>
      %swap3A_136 = tpu.memref_squeeze %swap3A_135 : memref<1x100x128xf32, #tpu.memory_space<vmem>> -> memref<100x128xf32, #tpu.memory_space<vmem>>
      %swap3A_137 = arith.index_cast %scan3A_111 : i32 to index
      %swap3A_138 = arith.constant 48 : index
      %swap3A_139 = tpu.vector_load %swap3A_136[%swap3A_137, %swap3A_138] {strides = array<i32>} : memref<100x128xf32, #tpu.memory_space<vmem>>, vector<16xf32>,
      tpu.vector_store %swap3A_136[%swap3A_137, %swap3A_138], %broadcast_in_dim3A_6 {strides = array<i32>} : memref<100x128xf32, #tpu.memory_space<vmem>>, vector<16xf32>,
      %swap3A_140 = arith.constant 0 : i32
      %swap3A_141 = arith.constant 0 : i32
      %swap3A_142 = tpu.memref_slice %arg6[%scan3A, %swap3A_140, %swap3A_141] : memref<2x100x128xf32, #tpu.memory_space<vmem>> -> memref<1x100x128xf32, #tpu.memory_space<vmem>>
      %swap3A_143 = tpu.memref_squeeze %swap3A_142 : memref<1x100x128xf32, #tpu.memory_space<vmem>> -> memref<100x128xf32, #tpu.memory_space<vmem>>
      %swap3A_144 = arith.index_cast %scan3A_111 : i32 to index
      %swap3A_145 = arith.constant 64 : index
      %swap3A_146 = tpu.vector_load %swap3A_143[%swap3A_144, %swap3A_145] {strides = array<i32>} : memref<100x128xf32, #tpu.memory_space<vmem>>, vector<16xf32>,
      tpu.vector_store %swap3A_143[%swap3A_144, %swap3A_145], %broadcast_in_dim3A_6 {strides = array<i32>} : memref<100x128xf32, #tpu.memory_space<vmem>>, vector<16xf32>,
      %swap3A_147 = arith.constant 0 : i32
      %swap3A_148 = arith.constant 0 : i32
      %swap3A_149 = tpu.memref_slice %arg6[%scan3A, %swap3A_147, %swap3A_148] : memref<2x100x128xf32, #tpu.memory_space<vmem>> -> memref<1x100x128xf32, #tpu.memory_space<vmem>>
      %swap3A_150 = tpu.memref_squeeze %swap3A_149 : memref<1x100x128xf32, #tpu.memory_space<vmem>> -> memref<100x128xf32, #tpu.memory_space<vmem>>
      %swap3A_151 = arith.index_cast %scan3A_111 : i32 to index
      %swap3A_152 = arith.constant 80 : index
      %swap3A_153 = tpu.vector_load %swap3A_150[%swap3A_151, %swap3A_152] {strides = array<i32>} : memref<100x128xf32, #tpu.memory_space<vmem>>, vector<16xf32>,
      tpu.vector_store %swap3A_150[%swap3A_151, %swap3A_152], %broadcast_in_dim3A_6 {strides = array<i32>} : memref<100x128xf32, #tpu.memory_space<vmem>>, vector<16xf32>,
      %swap3A_154 = arith.constant 0 : i32
      %swap3A_155 = arith.constant 0 : i32
      %swap3A_156 = tpu.memref_slice %arg6[%scan3A, %swap3A_154, %swap3A_155] : memref<2x100x128xf32, #tpu.memory_space<vmem>> -> memref<1x100x128xf32, #tpu.memory_space<vmem>>
      %swap3A_157 = tpu.memref_squeeze %swap3A_156 : memref<1x100x128xf32, #tpu.memory_space<vmem>> -> memref<100x128xf32, #tpu.memory_space<vmem>>
      %swap3A_158 = arith.index_cast %scan3A_111 : i32 to index
      %swap3A_159 = arith.constant 96 : index
      %swap3A_160 = tpu.vector_load %swap3A_157[%swap3A_158, %swap3A_159] {strides = array<i32>} : memref<100x128xf32, #tpu.memory_space<vmem>>, vector<16xf32>,
      tpu.vector_store %swap3A_157[%swap3A_158, %swap3A_159], %broadcast_in_dim3A_6 {strides = array<i32>} : memref<100x128xf32, #tpu.memory_space<vmem>>, vector<16xf32>,
      %swap3A_161 = arith.constant 0 : i32
      %swap3A_162 = arith.constant 0 : i32
      %swap3A_163 = tpu.memref_slice %arg6[%scan3A, %swap3A_161, %swap3A_162] : memref<2x100x128xf32, #tpu.memory_space<vmem>> -> memref<1x100x128xf32, #tpu.memory_space<vmem>>
      %swap3A_164 = tpu.memref_squeeze %swap3A_163 : memref<1x100x128xf32, #tpu.memory_space<vmem>> -> memref<100x128xf32, #tpu.memory_space<vmem>>
      %swap3A_165 = arith.index_cast %scan3A_111 : i32 to index
      %swap3A_166 = arith.constant 112 : index
      %swap3A_167 = tpu.vector_load %swap3A_164[%swap3A_165, %swap3A_166] {strides = array<i32>} : memref<100x128xf32, #tpu.memory_space<vmem>>, vector<16xf32>,
      tpu.vector_store %swap3A_164[%swap3A_165, %swap3A_166], %broadcast_in_dim3A_6 {strides = array<i32>} : memref<100x128xf32, #tpu.memory_space<vmem>>, vector<16xf32>,
      %scan3A_168 = arith.constant 0 : i32
      scf.yield %scan3A_168 : i32
    }
    %scan3A_13 = arith.constant 100 : i32
    %mul3A_14 = arith.constant 625 : i32
    %mul3A_15 = arith.muli %arg1, %mul3A_14 : i32
    %add3A_16 = arith.constant 0 : i32
    %add3A_17 = arith.addi %mul3A_15, %add3A_16 : i32
    %run_scoped3A_18 = arith.constant 0 : i32
    "tpu.region"() ({
      %run_scoped3A_111 = tpu.sem_alloc : memref<!tpu.dma_semaphore, #tpu.memory_space<semaphore_mem>>
      %dma_start3A_112 = arith.constant 0 : i32
      %dma_start3A_113 = arith.constant 0 : i32
      %dma_start3A_114 = tpu.memref_slice %arg6[%run_scoped3A_18, %dma_start3A_112, %dma_start3A_113] : memref<2x100x128xf32, #tpu.memory_space<vmem>> -> memref<1x100x128xf32, #tpu.memory_space<vmem>>
      %dma_start3A_115 = tpu.memref_squeeze %dma_start3A_114 : memref<1x100x128xf32, #tpu.memory_space<vmem>> -> memref<100x128xf32, #tpu.memory_space<vmem>>
      %dma_start3A_116 = arith.constant 0 : i32
      %dma_start3A_117 = tpu.memref_slice %arg5[%add3A_17, %dma_start3A_116] : memref<10008x128xf32, #tpu.memory_space<vmem_shared>> -> memref<100x128xf32, #tpu.memory_space<vmem_shared>>
      %dma_start3A_118 = arith.constant 0 : i32
      %dma_start3A_119 = tpu.memref_slice %arg5[%add3A_17, %dma_start3A_118] : memref<10008x128xf32, #tpu.memory_space<vmem_shared>> -> memref<100x128xf32, #tpu.memory_space<vmem_shared>>
      %dma_start3A_120 = arith.constant 0 : i32
      %dma_start3A_121 = arith.constant 0 : i32
      %dma_start3A_122 = tpu.memref_slice %arg6[%run_scoped3A_18, %dma_start3A_120, %dma_start3A_121] : memref<2x100x128xf32, #tpu.memory_space<vmem>> -> memref<1x100x128xf32, #tpu.memory_space<vmem>>
      %dma_start3A_123 = tpu.memref_squeeze %dma_start3A_122 : memref<1x100x128xf32, #tpu.memory_space<vmem>> -> memref<100x128xf32, #tpu.memory_space<vmem>>
      tpu.enqueue_dma source(%dma_start3A_123 : memref<100x128xf32, #tpu.memory_space<vmem>>) target(%dma_start3A_119 : memref<100x128xf32, #tpu.memory_space<vmem_shared>>) target_semaphore(%run_scoped3A_111 : memref<!tpu.dma_semaphore, #tpu.memory_space<semaphore_mem>>)
      %dma_wait3A_124 = arith.constant 0 : i32
      %dma_wait3A_125 = arith.constant 0 : i32
      %dma_wait3A_126 = tpu.memref_slice %arg6[%run_scoped3A_18, %dma_wait3A_124, %dma_wait3A_125] : memref<2x100x128xf32, #tpu.memory_space<vmem>> -> memref<1x100x128xf32, #tpu.memory_space<vmem>>
      %dma_wait3A_127 = tpu.memref_squeeze %dma_wait3A_126 : memref<1x100x128xf32, #tpu.memory_space<vmem>> -> memref<100x128xf32, #tpu.memory_space<vmem>>
      %dma_wait3A_128 = arith.constant 0 : i32
      %dma_wait3A_129 = tpu.memref_slice %arg5[%add3A_17, %dma_wait3A_128] : memref<10008x128xf32, #tpu.memory_space<vmem_shared>> -> memref<100x128xf32, #tpu.memory_space<vmem_shared>>
      %dma_wait3A_130 = arith.constant 0 : i32
      %dma_wait3A_131 = tpu.memref_slice %arg5[%add3A_17, %dma_wait3A_130] : memref<10008x128xf32, #tpu.memory_space<vmem_shared>> -> memref<100x128xf32, #tpu.memory_space<vmem_shared>>
      %dma_wait3A_132 = arith.constant 0 : i32
      %dma_wait3A_133 = arith.constant 0 : i32
      %dma_wait3A_134 = tpu.memref_slice %arg6[%run_scoped3A_18, %dma_wait3A_132, %dma_wait3A_133] : memref<2x100x128xf32, #tpu.memory_space<vmem>> -> memref<1x100x128xf32, #tpu.memory_space<vmem>>
      %dma_wait3A_135 = tpu.memref_squeeze %dma_wait3A_134 : memref<1x100x128xf32, #tpu.memory_space<vmem>> -> memref<100x128xf32, #tpu.memory_space<vmem>>
      tpu.wait_dma2 semaphore(%run_scoped3A_111 : memref<!tpu.dma_semaphore, #tpu.memory_space<semaphore_mem>>) src(%dma_wait3A_135 : memref<100x128xf32, #tpu.memory_space<vmem>>) dst(%dma_wait3A_131 : memref<100x128xf32, #tpu.memory_space<vmem_shared>>)
      tpu.yield
    }) : () -> ()
    %mul3A_19 = arith.constant 625 : i32
    %mul3A_20 = arith.muli %arg1, %mul3A_19 : i32
    %add3A_21 = arith.constant 100 : i32
    %add3A_22 = arith.addi %mul3A_20, %add3A_21 : i32
    %run_scoped3A_23 = arith.constant 0 : i32
    "tpu.region"() ({
      %run_scoped3A_111 = tpu.sem_alloc : memref<!tpu.dma_semaphore, #tpu.memory_space<semaphore_mem>>
      %dma_start3A_112 = arith.constant 0 : i32
      %dma_start3A_113 = arith.constant 0 : i32
      %dma_start3A_114 = tpu.memref_slice %arg6[%run_scoped3A_23, %dma_start3A_112, %dma_start3A_113] : memref<2x100x128xf32, #tpu.memory_space<vmem>> -> memref<1x100x128xf32, #tpu.memory_space<vmem>>
      %dma_start3A_115 = tpu.memref_squeeze %dma_start3A_114 : memref<1x100x128xf32, #tpu.memory_space<vmem>> -> memref<100x128xf32, #tpu.memory_space<vmem>>
      %dma_start3A_116 = arith.constant 0 : i32
      %dma_start3A_117 = tpu.memref_slice %arg5[%add3A_22, %dma_start3A_116] : memref<10008x128xf32, #tpu.memory_space<vmem_shared>> -> memref<100x128xf32, #tpu.memory_space<vmem_shared>>
      %dma_start3A_118 = arith.constant 0 : i32
      %dma_start3A_119 = tpu.memref_slice %arg5[%add3A_22, %dma_start3A_118] : memref<10008x128xf32, #tpu.memory_space<vmem_shared>> -> memref<100x128xf32, #tpu.memory_space<vmem_shared>>
      %dma_start3A_120 = arith.constant 0 : i32
      %dma_start3A_121 = arith.constant 0 : i32
      %dma_start3A_122 = tpu.memref_slice %arg6[%run_scoped3A_23, %dma_start3A_120, %dma_start3A_121] : memref<2x100x128xf32, #tpu.memory_space<vmem>> -> memref<1x100x128xf32, #tpu.memory_space<vmem>>
      %dma_start3A_123 = tpu.memref_squeeze %dma_start3A_122 : memref<1x100x128xf32, #tpu.memory_space<vmem>> -> memref<100x128xf32, #tpu.memory_space<vmem>>
      tpu.enqueue_dma source(%dma_start3A_123 : memref<100x128xf32, #tpu.memory_space<vmem>>) target(%dma_start3A_119 : memref<100x128xf32, #tpu.memory_space<vmem_shared>>) target_semaphore(%run_scoped3A_111 : memref<!tpu.dma_semaphore, #tpu.memory_space<semaphore_mem>>)
      %dma_wait3A_124 = arith.constant 0 : i32
      %dma_wait3A_125 = arith.constant 0 : i32
      %dma_wait3A_126 = tpu.memref_slice %arg6[%run_scoped3A_23, %dma_wait3A_124, %dma_wait3A_125] : memref<2x100x128xf32, #tpu.memory_space<vmem>> -> memref<1x100x128xf32, #tpu.memory_space<vmem>>
      %dma_wait3A_127 = tpu.memref_squeeze %dma_wait3A_126 : memref<1x100x128xf32, #tpu.memory_space<vmem>> -> memref<100x128xf32, #tpu.memory_space<vmem>>
      %dma_wait3A_128 = arith.constant 0 : i32
      %dma_wait3A_129 = tpu.memref_slice %arg5[%add3A_22, %dma_wait3A_128] : memref<10008x128xf32, #tpu.memory_space<vmem_shared>> -> memref<100x128xf32, #tpu.memory_space<vmem_shared>>
      %dma_wait3A_130 = arith.constant 0 : i32
      %dma_wait3A_131 = tpu.memref_slice %arg5[%add3A_22, %dma_wait3A_130] : memref<10008x128xf32, #tpu.memory_space<vmem_shared>> -> memref<100x128xf32, #tpu.memory_space<vmem_shared>>
      %dma_wait3A_132 = arith.constant 0 : i32
      %dma_wait3A_133 = arith.constant 0 : i32
      %dma_wait3A_134 = tpu.memref_slice %arg6[%run_scoped3A_23, %dma_wait3A_132, %dma_wait3A_133] : memref<2x100x128xf32, #tpu.memory_space<vmem>> -> memref<1x100x128xf32, #tpu.memory_space<vmem>>
      %dma_wait3A_135 = tpu.memref_squeeze %dma_wait3A_134 : memref<1x100x128xf32, #tpu.memory_space<vmem>> -> memref<100x128xf32, #tpu.memory_space<vmem>>
      tpu.wait_dma2 semaphore(%run_scoped3A_111 : memref<!tpu.dma_semaphore, #tpu.memory_space<semaphore_mem>>) src(%dma_wait3A_135 : memref<100x128xf32, #tpu.memory_space<vmem>>) dst(%dma_wait3A_131 : memref<100x128xf32, #tpu.memory_space<vmem_shared>>)
      tpu.yield
    }) : () -> ()
    %mul3A_24 = arith.constant 625 : i32
    %mul3A_25 = arith.muli %arg1, %mul3A_24 : i32
    %add3A_26 = arith.constant 200 : i32
    %add3A_27 = arith.addi %mul3A_25, %add3A_26 : i32
    %run_scoped3A_28 = arith.constant 0 : i32
    "tpu.region"() ({
      %run_scoped3A_111 = tpu.sem_alloc : memref<!tpu.dma_semaphore, #tpu.memory_space<semaphore_mem>>
      %dma_start3A_112 = arith.constant 0 : i32
      %dma_start3A_113 = arith.constant 0 : i32
      %dma_start3A_114 = tpu.memref_slice %arg6[%run_scoped3A_28, %dma_start3A_112, %dma_start3A_113] : memref<2x100x128xf32, #tpu.memory_space<vmem>> -> memref<1x100x128xf32, #tpu.memory_space<vmem>>
      %dma_start3A_115 = tpu.memref_squeeze %dma_start3A_114 : memref<1x100x128xf32, #tpu.memory_space<vmem>> -> memref<100x128xf32, #tpu.memory_space<vmem>>
      %dma_start3A_116 = arith.constant 0 : i32
      %dma_start3A_117 = tpu.memref_slice %arg5[%add3A_27, %dma_start3A_116] : memref<10008x128xf32, #tpu.memory_space<vmem_shared>> -> memref<100x128xf32, #tpu.memory_space<vmem_shared>>
      %dma_start3A_118 = arith.constant 0 : i32
      %dma_start3A_119 = tpu.memref_slice %arg5[%add3A_27, %dma_start3A_118] : memref<10008x128xf32, #tpu.memory_space<vmem_shared>> -> memref<100x128xf32, #tpu.memory_space<vmem_shared>>
      %dma_start3A_120 = arith.constant 0 : i32
      %dma_start3A_121 = arith.constant 0 : i32
      %dma_start3A_122 = tpu.memref_slice %arg6[%run_scoped3A_28, %dma_start3A_120, %dma_start3A_121] : memref<2x100x128xf32, #tpu.memory_space<vmem>> -> memref<1x100x128xf32, #tpu.memory_space<vmem>>
      %dma_start3A_123 = tpu.memref_squeeze %dma_start3A_122 : memref<1x100x128xf32, #tpu.memory_space<vmem>> -> memref<100x128xf32, #tpu.memory_space<vmem>>
      tpu.enqueue_dma source(%dma_start3A_123 : memref<100x128xf32, #tpu.memory_space<vmem>>) target(%dma_start3A_119 : memref<100x128xf32, #tpu.memory_space<vmem_shared>>) target_semaphore(%run_scoped3A_111 : memref<!tpu.dma_semaphore, #tpu.memory_space<semaphore_mem>>)
      %dma_wait3A_124 = arith.constant 0 : i32
      %dma_wait3A_125 = arith.constant 0 : i32
      %dma_wait3A_126 = tpu.memref_slice %arg6[%run_scoped3A_28, %dma_wait3A_124, %dma_wait3A_125] : memref<2x100x128xf32, #tpu.memory_space<vmem>> -> memref<1x100x128xf32, #tpu.memory_space<vmem>>
      %dma_wait3A_127 = tpu.memref_squeeze %dma_wait3A_126 : memref<1x100x128xf32, #tpu.memory_space<vmem>> -> memref<100x128xf32, #tpu.memory_space<vmem>>
      %dma_wait3A_128 = arith.constant 0 : i32
      %dma_wait3A_129 = tpu.memref_slice %arg5[%add3A_27, %dma_wait3A_128] : memref<10008x128xf32, #tpu.memory_space<vmem_shared>> -> memref<100x128xf32, #tpu.memory_space<vmem_shared>>
      %dma_wait3A_130 = arith.constant 0 : i32
      %dma_wait3A_131 = tpu.memref_slice %arg5[%add3A_27, %dma_wait3A_130] : memref<10008x128xf32, #tpu.memory_space<vmem_shared>> -> memref<100x128xf32, #tpu.memory_space<vmem_shared>>
      %dma_wait3A_132 = arith.constant 0 : i32
      %dma_wait3A_133 = arith.constant 0 : i32
      %dma_wait3A_134 = tpu.memref_slice %arg6[%run_scoped3A_28, %dma_wait3A_132, %dma_wait3A_133] : memref<2x100x128xf32, #tpu.memory_space<vmem>> -> memref<1x100x128xf32, #tpu.memory_space<vmem>>
      %dma_wait3A_135 = tpu.memref_squeeze %dma_wait3A_134 : memref<1x100x128xf32, #tpu.memory_space<vmem>> -> memref<100x128xf32, #tpu.memory_space<vmem>>
      tpu.wait_dma2 semaphore(%run_scoped3A_111 : memref<!tpu.dma_semaphore, #tpu.memory_space<semaphore_mem>>) src(%dma_wait3A_135 : memref<100x128xf32, #tpu.memory_space<vmem>>) dst(%dma_wait3A_131 : memref<100x128xf32, #tpu.memory_space<vmem_shared>>)
      tpu.yield
    }) : () -> ()
    %mul3A_29 = arith.constant 625 : i32
    %mul3A_30 = arith.muli %arg1, %mul3A_29 : i32
    %add3A_31 = arith.constant 300 : i32
    %add3A_32 = arith.addi %mul3A_30, %add3A_31 : i32
    %run_scoped3A_33 = arith.constant 0 : i32
    "tpu.region"() ({
      %run_scoped3A_111 = tpu.sem_alloc : memref<!tpu.dma_semaphore, #tpu.memory_space<semaphore_mem>>
      %dma_start3A_112 = arith.constant 0 : i32
      %dma_start3A_113 = arith.constant 0 : i32
      %dma_start3A_114 = tpu.memref_slice %arg6[%run_scoped3A_33, %dma_start3A_112, %dma_start3A_113] : memref<2x100x128xf32, #tpu.memory_space<vmem>> -> memref<1x100x128xf32, #tpu.memory_space<vmem>>
      %dma_start3A_115 = tpu.memref_squeeze %dma_start3A_114 : memref<1x100x128xf32, #tpu.memory_space<vmem>> -> memref<100x128xf32, #tpu.memory_space<vmem>>
      %dma_start3A_116 = arith.constant 0 : i32
      %dma_start3A_117 = tpu.memref_slice %arg5[%add3A_32, %dma_start3A_116] : memref<10008x128xf32, #tpu.memory_space<vmem_shared>> -> memref<100x128xf32, #tpu.memory_space<vmem_shared>>
      %dma_start3A_118 = arith.constant 0 : i32
      %dma_start3A_119 = tpu.memref_slice %arg5[%add3A_32, %dma_start3A_118] : memref<10008x128xf32, #tpu.memory_space<vmem_shared>> -> memref<100x128xf32, #tpu.memory_space<vmem_shared>>
      %dma_start3A_120 = arith.constant 0 : i32
      %dma_start3A_121 = arith.constant 0 : i32
      %dma_start3A_122 = tpu.memref_slice %arg6[%run_scoped3A_33, %dma_start3A_120, %dma_start3A_121] : memref<2x100x128xf32, #tpu.memory_space<vmem>> -> memref<1x100x128xf32, #tpu.memory_space<vmem>>
      %dma_start3A_123 = tpu.memref_squeeze %dma_start3A_122 : memref<1x100x128xf32, #tpu.memory_space<vmem>> -> memref<100x128xf32, #tpu.memory_space<vmem>>
      tpu.enqueue_dma source(%dma_start3A_123 : memref<100x128xf32, #tpu.memory_space<vmem>>) target(%dma_start3A_119 : memref<100x128xf32, #tpu.memory_space<vmem_shared>>) target_semaphore(%run_scoped3A_111 : memref<!tpu.dma_semaphore, #tpu.memory_space<semaphore_mem>>)
      %dma_wait3A_124 = arith.constant 0 : i32
      %dma_wait3A_125 = arith.constant 0 : i32
      %dma_wait3A_126 = tpu.memref_slice %arg6[%run_scoped3A_33, %dma_wait3A_124, %dma_wait3A_125] : memref<2x100x128xf32, #tpu.memory_space<vmem>> -> memref<1x100x128xf32, #tpu.memory_space<vmem>>
      %dma_wait3A_127 = tpu.memref_squeeze %dma_wait3A_126 : memref<1x100x128xf32, #tpu.memory_space<vmem>> -> memref<100x128xf32, #tpu.memory_space<vmem>>
      %dma_wait3A_128 = arith.constant 0 : i32
      %dma_wait3A_129 = tpu.memref_slice %arg5[%add3A_32, %dma_wait3A_128] : memref<10008x128xf32, #tpu.memory_space<vmem_shared>> -> memref<100x128xf32, #tpu.memory_space<vmem_shared>>
      %dma_wait3A_130 = arith.constant 0 : i32
      %dma_wait3A_131 = tpu.memref_slice %arg5[%add3A_32, %dma_wait3A_130] : memref<10008x128xf32, #tpu.memory_space<vmem_shared>> -> memref<100x128xf32, #tpu.memory_space<vmem_shared>>
      %dma_wait3A_132 = arith.constant 0 : i32
      %dma_wait3A_133 = arith.constant 0 : i32
      %dma_wait3A_134 = tpu.memref_slice %arg6[%run_scoped3A_33, %dma_wait3A_132, %dma_wait3A_133] : memref<2x100x128xf32, #tpu.memory_space<vmem>> -> memref<1x100x128xf32, #tpu.memory_space<vmem>>
      %dma_wait3A_135 = tpu.memref_squeeze %dma_wait3A_134 : memref<1x100x128xf32, #tpu.memory_space<vmem>> -> memref<100x128xf32, #tpu.memory_space<vmem>>
      tpu.wait_dma2 semaphore(%run_scoped3A_111 : memref<!tpu.dma_semaphore, #tpu.memory_space<semaphore_mem>>) src(%dma_wait3A_135 : memref<100x128xf32, #tpu.memory_space<vmem>>) dst(%dma_wait3A_131 : memref<100x128xf32, #tpu.memory_space<vmem_shared>>)
      tpu.yield
    }) : () -> ()
    %mul3A_34 = arith.constant 625 : i32
    %mul3A_35 = arith.muli %arg1, %mul3A_34 : i32
    %add3A_36 = arith.constant 400 : i32
    %add3A_37 = arith.addi %mul3A_35, %add3A_36 : i32
    %run_scoped3A_38 = arith.constant 0 : i32
    "tpu.region"() ({
      %run_scoped3A_111 = tpu.sem_alloc : memref<!tpu.dma_semaphore, #tpu.memory_space<semaphore_mem>>
      %dma_start3A_112 = arith.constant 0 : i32
      %dma_start3A_113 = arith.constant 0 : i32
      %dma_start3A_114 = tpu.memref_slice %arg6[%run_scoped3A_38, %dma_start3A_112, %dma_start3A_113] : memref<2x100x128xf32, #tpu.memory_space<vmem>> -> memref<1x100x128xf32, #tpu.memory_space<vmem>>
      %dma_start3A_115 = tpu.memref_squeeze %dma_start3A_114 : memref<1x100x128xf32, #tpu.memory_space<vmem>> -> memref<100x128xf32, #tpu.memory_space<vmem>>
      %dma_start3A_116 = arith.constant 0 : i32
      %dma_start3A_117 = tpu.memref_slice %arg5[%add3A_37, %dma_start3A_116] : memref<10008x128xf32, #tpu.memory_space<vmem_shared>> -> memref<100x128xf32, #tpu.memory_space<vmem_shared>>
      %dma_start3A_118 = arith.constant 0 : i32
      %dma_start3A_119 = tpu.memref_slice %arg5[%add3A_37, %dma_start3A_118] : memref<10008x128xf32, #tpu.memory_space<vmem_shared>> -> memref<100x128xf32, #tpu.memory_space<vmem_shared>>
      %dma_start3A_120 = arith.constant 0 : i32
      %dma_start3A_121 = arith.constant 0 : i32
      %dma_start3A_122 = tpu.memref_slice %arg6[%run_scoped3A_38, %dma_start3A_120, %dma_start3A_121] : memref<2x100x128xf32, #tpu.memory_space<vmem>> -> memref<1x100x128xf32, #tpu.memory_space<vmem>>
      %dma_start3A_123 = tpu.memref_squeeze %dma_start3A_122 : memref<1x100x128xf32, #tpu.memory_space<vmem>> -> memref<100x128xf32, #tpu.memory_space<vmem>>
      tpu.enqueue_dma source(%dma_start3A_123 : memref<100x128xf32, #tpu.memory_space<vmem>>) target(%dma_start3A_119 : memref<100x128xf32, #tpu.memory_space<vmem_shared>>) target_semaphore(%run_scoped3A_111 : memref<!tpu.dma_semaphore, #tpu.memory_space<semaphore_mem>>)
      %dma_wait3A_124 = arith.constant 0 : i32
      %dma_wait3A_125 = arith.constant 0 : i32
      %dma_wait3A_126 = tpu.memref_slice %arg6[%run_scoped3A_38, %dma_wait3A_124, %dma_wait3A_125] : memref<2x100x128xf32, #tpu.memory_space<vmem>> -> memref<1x100x128xf32, #tpu.memory_space<vmem>>
      %dma_wait3A_127 = tpu.memref_squeeze %dma_wait3A_126 : memref<1x100x128xf32, #tpu.memory_space<vmem>> -> memref<100x128xf32, #tpu.memory_space<vmem>>
      %dma_wait3A_128 = arith.constant 0 : i32
      %dma_wait3A_129 = tpu.memref_slice %arg5[%add3A_37, %dma_wait3A_128] : memref<10008x128xf32, #tpu.memory_space<vmem_shared>> -> memref<100x128xf32, #tpu.memory_space<vmem_shared>>
      %dma_wait3A_130 = arith.constant 0 : i32
      %dma_wait3A_131 = tpu.memref_slice %arg5[%add3A_37, %dma_wait3A_130] : memref<10008x128xf32, #tpu.memory_space<vmem_shared>> -> memref<100x128xf32, #tpu.memory_space<vmem_shared>>
      %dma_wait3A_132 = arith.constant 0 : i32
      %dma_wait3A_133 = arith.constant 0 : i32
      %dma_wait3A_134 = tpu.memref_slice %arg6[%run_scoped3A_38, %dma_wait3A_132, %dma_wait3A_133] : memref<2x100x128xf32, #tpu.memory_space<vmem>> -> memref<1x100x128xf32, #tpu.memory_space<vmem>>
      %dma_wait3A_135 = tpu.memref_squeeze %dma_wait3A_134 : memref<1x100x128xf32, #tpu.memory_space<vmem>> -> memref<100x128xf32, #tpu.memory_space<vmem>>
      tpu.wait_dma2 semaphore(%run_scoped3A_111 : memref<!tpu.dma_semaphore, #tpu.memory_space<semaphore_mem>>) src(%dma_wait3A_135 : memref<100x128xf32, #tpu.memory_space<vmem>>) dst(%dma_wait3A_131 : memref<100x128xf32, #tpu.memory_space<vmem_shared>>)
      tpu.yield
    }) : () -> ()
    %mul3A_39 = arith.constant 625 : i32
    %mul3A_40 = arith.muli %arg1, %mul3A_39 : i32
    %add3A_41 = arith.constant 500 : i32
    %add3A_42 = arith.addi %mul3A_40, %add3A_41 : i32
    %run_scoped3A_43 = arith.constant 0 : i32
    "tpu.region"() ({
      %run_scoped3A_111 = tpu.sem_alloc : memref<!tpu.dma_semaphore, #tpu.memory_space<semaphore_mem>>
      %dma_start3A_112 = arith.constant 0 : i32
      %dma_start3A_113 = arith.constant 0 : i32
      %dma_start3A_114 = tpu.memref_slice %arg6[%run_scoped3A_43, %dma_start3A_112, %dma_start3A_113] : memref<2x100x128xf32, #tpu.memory_space<vmem>> -> memref<1x100x128xf32, #tpu.memory_space<vmem>>
      %dma_start3A_115 = tpu.memref_squeeze %dma_start3A_114 : memref<1x100x128xf32, #tpu.memory_space<vmem>> -> memref<100x128xf32, #tpu.memory_space<vmem>>
      %dma_start3A_116 = arith.constant 0 : i32
      %dma_start3A_117 = tpu.memref_slice %arg5[%add3A_42, %dma_start3A_116] : memref<10008x128xf32, #tpu.memory_space<vmem_shared>> -> memref<100x128xf32, #tpu.memory_space<vmem_shared>>
      %dma_start3A_118 = arith.constant 0 : i32
      %dma_start3A_119 = tpu.memref_slice %arg5[%add3A_42, %dma_start3A_118] : memref<10008x128xf32, #tpu.memory_space<vmem_shared>> -> memref<100x128xf32, #tpu.memory_space<vmem_shared>>
      %dma_start3A_120 = arith.constant 0 : i32
      %dma_start3A_121 = arith.constant 0 : i32
      %dma_start3A_122 = tpu.memref_slice %arg6[%run_scoped3A_43, %dma_start3A_120, %dma_start3A_121] : memref<2x100x128xf32, #tpu.memory_space<vmem>> -> memref<1x100x128xf32, #tpu.memory_space<vmem>>
      %dma_start3A_123 = tpu.memref_squeeze %dma_start3A_122 : memref<1x100x128xf32, #tpu.memory_space<vmem>> -> memref<100x128xf32, #tpu.memory_space<vmem>>
      tpu.enqueue_dma source(%dma_start3A_123 : memref<100x128xf32, #tpu.memory_space<vmem>>) target(%dma_start3A_119 : memref<100x128xf32, #tpu.memory_space<vmem_shared>>) target_semaphore(%run_scoped3A_111 : memref<!tpu.dma_semaphore, #tpu.memory_space<semaphore_mem>>)
      %dma_wait3A_124 = arith.constant 0 : i32
      %dma_wait3A_125 = arith.constant 0 : i32
      %dma_wait3A_126 = tpu.memref_slice %arg6[%run_scoped3A_43, %dma_wait3A_124, %dma_wait3A_125] : memref<2x100x128xf32, #tpu.memory_space<vmem>> -> memref<1x100x128xf32, #tpu.memory_space<vmem>>
      %dma_wait3A_127 = tpu.memref_squeeze %dma_wait3A_126 : memref<1x100x128xf32, #tpu.memory_space<vmem>> -> memref<100x128xf32, #tpu.memory_space<vmem>>
      %dma_wait3A_128 = arith.constant 0 : i32
      %dma_wait3A_129 = tpu.memref_slice %arg5[%add3A_42, %dma_wait3A_128] : memref<10008x128xf32, #tpu.memory_space<vmem_shared>> -> memref<100x128xf32, #tpu.memory_space<vmem_shared>>
      %dma_wait3A_130 = arith.constant 0 : i32
      %dma_wait3A_131 = tpu.memref_slice %arg5[%add3A_42, %dma_wait3A_130] : memref<10008x128xf32, #tpu.memory_space<vmem_shared>> -> memref<100x128xf32, #tpu.memory_space<vmem_shared>>
      %dma_wait3A_132 = arith.constant 0 : i32
      %dma_wait3A_133 = arith.constant 0 : i32
      %dma_wait3A_134 = tpu.memref_slice %arg6[%run_scoped3A_43, %dma_wait3A_132, %dma_wait3A_133] : memref<2x100x128xf32, #tpu.memory_space<vmem>> -> memref<1x100x128xf32, #tpu.memory_space<vmem>>
      %dma_wait3A_135 = tpu.memref_squeeze %dma_wait3A_134 : memref<1x100x128xf32, #tpu.memory_space<vmem>> -> memref<100x128xf32, #tpu.memory_space<vmem>>
      tpu.wait_dma2 semaphore(%run_scoped3A_111 : memref<!tpu.dma_semaphore, #tpu.memory_space<semaphore_mem>>) src(%dma_wait3A_135 : memref<100x128xf32, #tpu.memory_space<vmem>>) dst(%dma_wait3A_131 : memref<100x128xf32, #tpu.memory_space<vmem_shared>>)
      tpu.yield
    }) : () -> ()
    %mul3A_44 = arith.constant 625 : i32
    %mul3A_45 = arith.muli %arg1, %mul3A_44 : i32
    %add3A_46 = arith.constant 600 : i32
    %add3A_47 = arith.addi %mul3A_45, %add3A_46 : i32
    %run_scoped3A_48 = arith.constant 0 : i32
    "tpu.region"() ({
      %run_scoped3A_111 = tpu.sem_alloc : memref<!tpu.dma_semaphore, #tpu.memory_space<semaphore_mem>>
      %dma_start3A_112 = arith.constant 0 : i32
      %dma_start3A_113 = arith.constant 0 : i32
      %dma_start3A_114 = tpu.memref_slice %arg6[%run_scoped3A_48, %dma_start3A_112, %dma_start3A_113] : memref<2x100x128xf32, #tpu.memory_space<vmem>> -> memref<1x25x128xf32, #tpu.memory_space<vmem>>
      %dma_start3A_115 = tpu.memref_squeeze %dma_start3A_114 : memref<1x25x128xf32, #tpu.memory_space<vmem>> -> memref<25x128xf32, #tpu.memory_space<vmem>>
      %dma_start3A_116 = arith.constant 0 : i32
      %dma_start3A_117 = tpu.memref_slice %arg5[%add3A_47, %dma_start3A_116] : memref<10008x128xf32, #tpu.memory_space<vmem_shared>> -> memref<25x128xf32, #tpu.memory_space<vmem_shared>>
      %dma_start3A_118 = arith.constant 0 : i32
      %dma_start3A_119 = tpu.memref_slice %arg5[%add3A_47, %dma_start3A_118] : memref<10008x128xf32, #tpu.memory_space<vmem_shared>> -> memref<25x128xf32, #tpu.memory_space<vmem_shared>>
      %dma_start3A_120 = arith.constant 0 : i32
      %dma_start3A_121 = arith.constant 0 : i32
      %dma_start3A_122 = tpu.memref_slice %arg6[%run_scoped3A_48, %dma_start3A_120, %dma_start3A_121] : memref<2x100x128xf32, #tpu.memory_space<vmem>> -> memref<1x25x128xf32, #tpu.memory_space<vmem>>
      %dma_start3A_123 = tpu.memref_squeeze %dma_start3A_122 : memref<1x25x128xf32, #tpu.memory_space<vmem>> -> memref<25x128xf32, #tpu.memory_space<vmem>>
      tpu.enqueue_dma source(%dma_start3A_123 : memref<25x128xf32, #tpu.memory_space<vmem>>) target(%dma_start3A_119 : memref<25x128xf32, #tpu.memory_space<vmem_shared>>) target_semaphore(%run_scoped3A_111 : memref<!tpu.dma_semaphore, #tpu.memory_space<semaphore_mem>>)
      %dma_wait3A_124 = arith.constant 0 : i32
      %dma_wait3A_125 = arith.constant 0 : i32
      %dma_wait3A_126 = tpu.memref_slice %arg6[%run_scoped3A_48, %dma_wait3A_124, %dma_wait3A_125] : memref<2x100x128xf32, #tpu.memory_space<vmem>> -> memref<1x25x128xf32, #tpu.memory_space<vmem>>
      %dma_wait3A_127 = tpu.memref_squeeze %dma_wait3A_126 : memref<1x25x128xf32, #tpu.memory_space<vmem>> -> memref<25x128xf32, #tpu.memory_space<vmem>>
      %dma_wait3A_128 = arith.constant 0 : i32
      %dma_wait3A_129 = tpu.memref_slice %arg5[%add3A_47, %dma_wait3A_128] : memref<10008x128xf32, #tpu.memory_space<vmem_shared>> -> memref<25x128xf32, #tpu.memory_space<vmem_shared>>
      %dma_wait3A_130 = arith.constant 0 : i32
      %dma_wait3A_131 = tpu.memref_slice %arg5[%add3A_47, %dma_wait3A_130] : memref<10008x128xf32, #tpu.memory_space<vmem_shared>> -> memref<25x128xf32, #tpu.memory_space<vmem_shared>>
      %dma_wait3A_132 = arith.constant 0 : i32
      %dma_wait3A_133 = arith.constant 0 : i32
      %dma_wait3A_134 = tpu.memref_slice %arg6[%run_scoped3A_48, %dma_wait3A_132, %dma_wait3A_133] : memref<2x100x128xf32, #tpu.memory_space<vmem>> -> memref<1x25x128xf32, #tpu.memory_space<vmem>>
      %dma_wait3A_135 = tpu.memref_squeeze %dma_wait3A_134 : memref<1x25x128xf32, #tpu.memory_space<vmem>> -> memref<25x128xf32, #tpu.memory_space<vmem>>
      tpu.wait_dma2 semaphore(%run_scoped3A_111 : memref<!tpu.dma_semaphore, #tpu.memory_space<semaphore_mem>>) src(%dma_wait3A_135 : memref<25x128xf32, #tpu.memory_space<vmem>>) dst(%dma_wait3A_131 : memref<25x128xf32, #tpu.memory_space<vmem_shared>>)
      tpu.yield
    }) : () -> ()
    %barrier3A = arith.constant 0 : index
    tpu.barrier barrier_id(%barrier3A)
    %dma_start3A = arith.constant 0 : i32
    %dma_start3A_49 = arith.constant 0 : i32
    %dma_start3A_50 = arith.constant 0 : i32
    %dma_start3A_51 = arith.constant 0 : i32
    %dma_start3A_52 = tpu.memref_slice %arg6[%dma_start3A_49, %dma_start3A_50, %dma_start3A_51] : memref<2x100x128xf32, #tpu.memory_space<vmem>> -> memref<1x100x128xf32, #tpu.memory_space<vmem>>
    %dma_start3A_53 = tpu.memref_squeeze %dma_start3A_52 : memref<1x100x128xf32, #tpu.memory_space<vmem>> -> memref<100x128xf32, #tpu.memory_space<vmem>>
    %dma_start3A_54 = arith.constant 0 : i32
    %dma_start3A_55 = tpu.memref_slice %arg7[%dma_start3A, %dma_start3A_54] : memref<100x100xi32, #tpu.memory_space<vmem>> -> memref<1x100xi32, #tpu.memory_space<vmem>>
    %dma_start3A_56 = tpu.memref_squeeze %dma_start3A_55 : memref<1x100xi32, #tpu.memory_space<vmem>> -> memref<100xi32, #tpu.memory_space<vmem>>
    %dma_start3A_57 = arith.constant 0 : i32
    %dma_start3A_58 = arith.constant 0 : i32
    %dma_start3A_59 = tpu.memref_slice %arg2[%dma_start3A_57, %dma_start3A_58] : memref<10000x128xf32, #tpu.memory_space<hbm>> -> memref<10000x128xf32, #tpu.memory_space<hbm>>
    tpu.enqueue_indirect_dma source(%dma_start3A_59 : memref<10000x128xf32, #tpu.memory_space<hbm>>) target(%dma_start3A_53 : memref<100x128xf32, #tpu.memory_space<vmem>>) offsets(%dma_start3A_56 : memref<100xi32, #tpu.memory_space<vmem>>) semaphore(%arg9 : memref<!tpu.dma_semaphore, #tpu.memory_space<semaphore_mem>>)
    %dma_start3A_60 = arith.constant 1 : i32
    %dma_start3A_61 = arith.constant 1 : i32
    %dma_start3A_62 = arith.constant 0 : i32
    %dma_start3A_63 = arith.constant 0 : i32
    %dma_start3A_64 = tpu.memref_slice %arg6[%dma_start3A_61, %dma_start3A_62, %dma_start3A_63] : memref<2x100x128xf32, #tpu.memory_space<vmem>> -> memref<1x100x128xf32, #tpu.memory_space<vmem>>
    %dma_start3A_65 = tpu.memref_squeeze %dma_start3A_64 : memref<1x100x128xf32, #tpu.memory_space<vmem>> -> memref<100x128xf32, #tpu.memory_space<vmem>>
    %dma_start3A_66 = arith.constant 0 : i32
    %dma_start3A_67 = tpu.memref_slice %arg7[%dma_start3A_60, %dma_start3A_66] : memref<100x100xi32, #tpu.memory_space<vmem>> -> memref<1x100xi32, #tpu.memory_space<vmem>>
    %dma_start3A_68 = tpu.memref_squeeze %dma_start3A_67 : memref<1x100xi32, #tpu.memory_space<vmem>> -> memref<100xi32, #tpu.memory_space<vmem>>
    %dma_start3A_69 = arith.constant 0 : i32
    %dma_start3A_70 = arith.constant 0 : i32
    %dma_start3A_71 = tpu.memref_slice %arg2[%dma_start3A_69, %dma_start3A_70] : memref<10000x128xf32, #tpu.memory_space<hbm>> -> memref<10000x128xf32, #tpu.memory_space<hbm>>
    tpu.enqueue_indirect_dma source(%dma_start3A_71 : memref<10000x128xf32, #tpu.memory_space<hbm>>) target(%dma_start3A_65 : memref<100x128xf32, #tpu.memory_space<vmem>>) offsets(%dma_start3A_68 : memref<100xi32, #tpu.memory_space<vmem>>) semaphore(%arg10 : memref<!tpu.dma_semaphore, #tpu.memory_space<semaphore_mem>>)
    %scan3A_72 = arith.constant 0 : i32
    %scan3A_73 = arith.constant 0 : i32
    %scan3A_74 = arith.constant 49 : i32
    %scan3A_75 = arith.addi %scan3A_73, %scan3A_74 : i32
    %scan3A_76 = arith.constant 1 : i32
    %scan3A_77 = scf.for %scan3A_111 = %scan3A_73 to %scan3A_75 step %scan3A_76 iter_args(%scan3A_112 = %scan3A_72) -> (i32)  : i32 {
      %mul3A_113 = arith.constant 2 : i32
      %mul3A_114 = arith.muli %mul3A_113, %scan3A_111 : i32
      %dma_wait3A_115 = arith.constant 0 : i32
      %dma_wait3A_116 = arith.constant 0 : i32
      %dma_wait3A_117 = arith.constant 0 : i32
      %dma_wait3A_118 = tpu.memref_slice %arg6[%dma_wait3A_115, %dma_wait3A_116, %dma_wait3A_117] : memref<2x100x128xf32, #tpu.memory_space<vmem>> -> memref<1x100x128xf32, #tpu.memory_space<vmem>>
      %dma_wait3A_119 = tpu.memref_squeeze %dma_wait3A_118 : memref<1x100x128xf32, #tpu.memory_space<vmem>> -> memref<100x128xf32, #tpu.memory_space<vmem>>
      %dma_wait3A_120 = arith.constant 0 : i32
      %dma_wait3A_121 = tpu.memref_slice %arg7[%mul3A_114, %dma_wait3A_120] : memref<100x100xi32, #tpu.memory_space<vmem>> -> memref<1x100xi32, #tpu.memory_space<vmem>>
      %dma_wait3A_122 = tpu.memref_squeeze %dma_wait3A_121 : memref<1x100xi32, #tpu.memory_space<vmem>> -> memref<100xi32, #tpu.memory_space<vmem>>
      %dma_wait3A_123 = arith.constant 0 : i32
      %dma_wait3A_124 = arith.constant 0 : i32
      %dma_wait3A_125 = tpu.memref_slice %arg2[%dma_wait3A_123, %dma_wait3A_124] : memref<10000x128xf32, #tpu.memory_space<hbm>> -> memref<10000x128xf32, #tpu.memory_space<hbm>>
      tpu.wait_indirect_dma semaphore(%arg9 : memref<!tpu.dma_semaphore, #tpu.memory_space<semaphore_mem>>) src(%dma_wait3A_125 : memref<10000x128xf32, #tpu.memory_space<hbm>>) dst(%dma_wait3A_119 : memref<100x128xf32, #tpu.memory_space<vmem>>)
      %run_scoped3A_126 = arith.constant 0 : i32
      "tpu.region"() ({
        %run_scoped3A_168 = tpu.sem_alloc : memref<!tpu.dma_semaphore, #tpu.memory_space<semaphore_mem>>
        %dma_start3A_169 = arith.constant 0 : i32
        %dma_start3A_170 = arith.constant 0 : i32
        %dma_start3A_171 = tpu.memref_slice %arg6[%run_scoped3A_126, %dma_start3A_169, %dma_start3A_170] : memref<2x100x128xf32, #tpu.memory_space<vmem>> -> memref<1x100x128xf32, #tpu.memory_space<vmem>>
        %dma_start3A_172 = tpu.memref_squeeze %dma_start3A_171 : memref<1x100x128xf32, #tpu.memory_space<vmem>> -> memref<100x128xf32, #tpu.memory_space<vmem>>
        %dma_start3A_173 = arith.constant 0 : i32
        %dma_start3A_174 = tpu.memref_slice %arg8[%mul3A_114, %dma_start3A_173] : memref<100x100xi32, #tpu.memory_space<vmem>> -> memref<1x100xi32, #tpu.memory_space<vmem>>
        %dma_start3A_175 = tpu.memref_squeeze %dma_start3A_174 : memref<1x100xi32, #tpu.memory_space<vmem>> -> memref<100xi32, #tpu.memory_space<vmem>>
        %dma_start3A_176 = arith.constant 0 : i32
        %dma_start3A_177 = arith.constant 0 : i32
        %dma_start3A_178 = tpu.memref_slice %arg5[%dma_start3A_176, %dma_start3A_177] : memref<10008x128xf32, #tpu.memory_space<vmem_shared>> -> memref<10008x128xf32, #tpu.memory_space<vmem_shared>>
        tpu.enqueue_indirect_dma source(%dma_start3A_172 : memref<100x128xf32, #tpu.memory_space<vmem>>) target(%dma_start3A_178 : memref<10008x128xf32, #tpu.memory_space<vmem_shared>>) offsets(%dma_start3A_175 : memref<100xi32, #tpu.memory_space<vmem>>) semaphore(%run_scoped3A_168 : memref<!tpu.dma_semaphore, #tpu.memory_space<semaphore_mem>>) {add = true}
        %dma_wait3A_179 = arith.constant 0 : i32
        %dma_wait3A_180 = arith.constant 0 : i32
        %dma_wait3A_181 = tpu.memref_slice %arg6[%run_scoped3A_126, %dma_wait3A_179, %dma_wait3A_180] : memref<2x100x128xf32, #tpu.memory_space<vmem>> -> memref<1x100x128xf32, #tpu.memory_space<vmem>>
        %dma_wait3A_182 = tpu.memref_squeeze %dma_wait3A_181 : memref<1x100x128xf32, #tpu.memory_space<vmem>> -> memref<100x128xf32, #tpu.memory_space<vmem>>
        %dma_wait3A_183 = arith.constant 0 : i32
        %dma_wait3A_184 = tpu.memref_slice %arg8[%mul3A_114, %dma_wait3A_183] : memref<100x100xi32, #tpu.memory_space<vmem>> -> memref<1x100xi32, #tpu.memory_space<vmem>>
        %dma_wait3A_185 = tpu.memref_squeeze %dma_wait3A_184 : memref<1x100xi32, #tpu.memory_space<vmem>> -> memref<100xi32, #tpu.memory_space<vmem>>
        %dma_wait3A_186 = arith.constant 0 : i32
        %dma_wait3A_187 = arith.constant 0 : i32
        %dma_wait3A_188 = tpu.memref_slice %arg5[%dma_wait3A_186, %dma_wait3A_187] : memref<10008x128xf32, #tpu.memory_space<vmem_shared>> -> memref<10008x128xf32, #tpu.memory_space<vmem_shared>>
        tpu.wait_indirect_dma semaphore(%run_scoped3A_168 : memref<!tpu.dma_semaphore, #tpu.memory_space<semaphore_mem>>) src(%dma_wait3A_182 : memref<100x128xf32, #tpu.memory_space<vmem>>) dst(%dma_wait3A_188 : memref<10008x128xf32, #tpu.memory_space<vmem_shared>>)
        tpu.yield
      }) : () -> ()
      %add3A_127 = arith.constant 2 : i32
      %add3A_128 = arith.addi %mul3A_114, %add3A_127 : i32
      %dma_start3A_129 = arith.constant 0 : i32
      %dma_start3A_130 = arith.constant 0 : i32
      %dma_start3A_131 = arith.constant 0 : i32
      %dma_start3A_132 = tpu.memref_slice %arg6[%dma_start3A_129, %dma_start3A_130, %dma_start3A_131] : memref<2x100x128xf32, #tpu.memory_space<vmem>> -> memref<1x100x128xf32, #tpu.memory_space<vmem>>
      %dma_start3A_133 = tpu.memref_squeeze %dma_start3A_132 : memref<1x100x128xf32, #tpu.memory_space<vmem>> -> memref<100x128xf32, #tpu.memory_space<vmem>>
      %dma_start3A_134 = arith.constant 0 : i32
      %dma_start3A_135 = tpu.memref_slice %arg7[%add3A_128, %dma_start3A_134] : memref<100x100xi32, #tpu.memory_space<vmem>> -> memref<1x100xi32, #tpu.memory_space<vmem>>
      %dma_start3A_136 = tpu.memref_squeeze %dma_start3A_135 : memref<1x100xi32, #tpu.memory_space<vmem>> -> memref<100xi32, #tpu.memory_space<vmem>>
      %dma_start3A_137 = arith.constant 0 : i32
      %dma_start3A_138 = arith.constant 0 : i32
      %dma_start3A_139 = tpu.memref_slice %arg2[%dma_start3A_137, %dma_start3A_138] : memref<10000x128xf32, #tpu.memory_space<hbm>> -> memref<10000x128xf32, #tpu.memory_space<hbm>>
      tpu.enqueue_indirect_dma source(%dma_start3A_139 : memref<10000x128xf32, #tpu.memory_space<hbm>>) target(%dma_start3A_133 : memref<100x128xf32, #tpu.memory_space<vmem>>) offsets(%dma_start3A_136 : memref<100xi32, #tpu.memory_space<vmem>>) semaphore(%arg9 : memref<!tpu.dma_semaphore, #tpu.memory_space<semaphore_mem>>)
      %add3A_140 = arith.constant 1 : i32
      %add3A_141 = arith.addi %mul3A_114, %add3A_140 : i32
      %dma_wait3A_142 = arith.constant 1 : i32
      %dma_wait3A_143 = arith.constant 0 : i32
      %dma_wait3A_144 = arith.constant 0 : i32
      %dma_wait3A_145 = tpu.memref_slice %arg6[%dma_wait3A_142, %dma_wait3A_143, %dma_wait3A_144] : memref<2x100x128xf32, #tpu.memory_space<vmem>> -> memref<1x100x128xf32, #tpu.memory_space<vmem>>
      %dma_wait3A_146 = tpu.memref_squeeze %dma_wait3A_145 : memref<1x100x128xf32, #tpu.memory_space<vmem>> -> memref<100x128xf32, #tpu.memory_space<vmem>>
      %dma_wait3A_147 = arith.constant 0 : i32
      %dma_wait3A_148 = tpu.memref_slice %arg7[%add3A_141, %dma_wait3A_147] : memref<100x100xi32, #tpu.memory_space<vmem>> -> memref<1x100xi32, #tpu.memory_space<vmem>>
      %dma_wait3A_149 = tpu.memref_squeeze %dma_wait3A_148 : memref<1x100xi32, #tpu.memory_space<vmem>> -> memref<100xi32, #tpu.memory_space<vmem>>
      %dma_wait3A_150 = arith.constant 0 : i32
      %dma_wait3A_151 = arith.constant 0 : i32
      %dma_wait3A_152 = tpu.memref_slice %arg2[%dma_wait3A_150, %dma_wait3A_151] : memref<10000x128xf32, #tpu.memory_space<hbm>> -> memref<10000x128xf32, #tpu.memory_space<hbm>>
      tpu.wait_indirect_dma semaphore(%arg10 : memref<!tpu.dma_semaphore, #tpu.memory_space<semaphore_mem>>) src(%dma_wait3A_152 : memref<10000x128xf32, #tpu.memory_space<hbm>>) dst(%dma_wait3A_146 : memref<100x128xf32, #tpu.memory_space<vmem>>)
      %run_scoped3A_153 = arith.constant 1 : i32
      "tpu.region"() ({
        %run_scoped3A_168 = tpu.sem_alloc : memref<!tpu.dma_semaphore, #tpu.memory_space<semaphore_mem>>
        %dma_start3A_169 = arith.constant 0 : i32
        %dma_start3A_170 = arith.constant 0 : i32
        %dma_start3A_171 = tpu.memref_slice %arg6[%run_scoped3A_153, %dma_start3A_169, %dma_start3A_170] : memref<2x100x128xf32, #tpu.memory_space<vmem>> -> memref<1x100x128xf32, #tpu.memory_space<vmem>>
        %dma_start3A_172 = tpu.memref_squeeze %dma_start3A_171 : memref<1x100x128xf32, #tpu.memory_space<vmem>> -> memref<100x128xf32, #tpu.memory_space<vmem>>
        %dma_start3A_173 = arith.constant 0 : i32
        %dma_start3A_174 = tpu.memref_slice %arg8[%add3A_141, %dma_start3A_173] : memref<100x100xi32, #tpu.memory_space<vmem>> -> memref<1x100xi32, #tpu.memory_space<vmem>>
        %dma_start3A_175 = tpu.memref_squeeze %dma_start3A_174 : memref<1x100xi32, #tpu.memory_space<vmem>> -> memref<100xi32, #tpu.memory_space<vmem>>
        %dma_start3A_176 = arith.constant 0 : i32
        %dma_start3A_177 = arith.constant 0 : i32
        %dma_start3A_178 = tpu.memref_slice %arg5[%dma_start3A_176, %dma_start3A_177] : memref<10008x128xf32, #tpu.memory_space<vmem_shared>> -> memref<10008x128xf32, #tpu.memory_space<vmem_shared>>
        tpu.enqueue_indirect_dma source(%dma_start3A_172 : memref<100x128xf32, #tpu.memory_space<vmem>>) target(%dma_start3A_178 : memref<10008x128xf32, #tpu.memory_space<vmem_shared>>) offsets(%dma_start3A_175 : memref<100xi32, #tpu.memory_space<vmem>>) semaphore(%run_scoped3A_168 : memref<!tpu.dma_semaphore, #tpu.memory_space<semaphore_mem>>) {add = true}
        %dma_wait3A_179 = arith.constant 0 : i32
        %dma_wait3A_180 = arith.constant 0 : i32
        %dma_wait3A_181 = tpu.memref_slice %arg6[%run_scoped3A_153, %dma_wait3A_179, %dma_wait3A_180] : memref<2x100x128xf32, #tpu.memory_space<vmem>> -> memref<1x100x128xf32, #tpu.memory_space<vmem>>
        %dma_wait3A_182 = tpu.memref_squeeze %dma_wait3A_181 : memref<1x100x128xf32, #tpu.memory_space<vmem>> -> memref<100x128xf32, #tpu.memory_space<vmem>>
        %dma_wait3A_183 = arith.constant 0 : i32
        %dma_wait3A_184 = tpu.memref_slice %arg8[%add3A_141, %dma_wait3A_183] : memref<100x100xi32, #tpu.memory_space<vmem>> -> memref<1x100xi32, #tpu.memory_space<vmem>>
        %dma_wait3A_185 = tpu.memref_squeeze %dma_wait3A_184 : memref<1x100xi32, #tpu.memory_space<vmem>> -> memref<100xi32, #tpu.memory_space<vmem>>
        %dma_wait3A_186 = arith.constant 0 : i32
        %dma_wait3A_187 = arith.constant 0 : i32
        %dma_wait3A_188 = tpu.memref_slice %arg5[%dma_wait3A_186, %dma_wait3A_187] : memref<10008x128xf32, #tpu.memory_space<vmem_shared>> -> memref<10008x128xf32, #tpu.memory_space<vmem_shared>>
        tpu.wait_indirect_dma semaphore(%run_scoped3A_168 : memref<!tpu.dma_semaphore, #tpu.memory_space<semaphore_mem>>) src(%dma_wait3A_182 : memref<100x128xf32, #tpu.memory_space<vmem>>) dst(%dma_wait3A_188 : memref<10008x128xf32, #tpu.memory_space<vmem_shared>>)
        tpu.yield
      }) : () -> ()
      %add3A_154 = arith.constant 3 : i32
      %add3A_155 = arith.addi %mul3A_114, %add3A_154 : i32
      %dma_start3A_156 = arith.constant 1 : i32
      %dma_start3A_157 = arith.constant 0 : i32
      %dma_start3A_158 = arith.constant 0 : i32
      %dma_start3A_159 = tpu.memref_slice %arg6[%dma_start3A_156, %dma_start3A_157, %dma_start3A_158] : memref<2x100x128xf32, #tpu.memory_space<vmem>> -> memref<1x100x128xf32, #tpu.memory_space<vmem>>
      %dma_start3A_160 = tpu.memref_squeeze %dma_start3A_159 : memref<1x100x128xf32, #tpu.memory_space<vmem>> -> memref<100x128xf32, #tpu.memory_space<vmem>>
      %dma_start3A_161 = arith.constant 0 : i32
      %dma_start3A_162 = tpu.memref_slice %arg7[%add3A_155, %dma_start3A_161] : memref<100x100xi32, #tpu.memory_space<vmem>> -> memref<1x100xi32, #tpu.memory_space<vmem>>
      %dma_start3A_163 = tpu.memref_squeeze %dma_start3A_162 : memref<1x100xi32, #tpu.memory_space<vmem>> -> memref<100xi32, #tpu.memory_space<vmem>>
      %dma_start3A_164 = arith.constant 0 : i32
      %dma_start3A_165 = arith.constant 0 : i32
      %dma_start3A_166 = tpu.memref_slice %arg2[%dma_start3A_164, %dma_start3A_165] : memref<10000x128xf32, #tpu.memory_space<hbm>> -> memref<10000x128xf32, #tpu.memory_space<hbm>>
      tpu.enqueue_indirect_dma source(%dma_start3A_166 : memref<10000x128xf32, #tpu.memory_space<hbm>>) target(%dma_start3A_160 : memref<100x128xf32, #tpu.memory_space<vmem>>) offsets(%dma_start3A_163 : memref<100xi32, #tpu.memory_space<vmem>>) semaphore(%arg10 : memref<!tpu.dma_semaphore, #tpu.memory_space<semaphore_mem>>)
      %scan3A_167 = arith.constant 0 : i32
      scf.yield %scan3A_167 : i32
    }
    %scan3A_78 = arith.constant 49 : i32
    %dma_wait3A = arith.constant 98 : i32
    %dma_wait3A_79 = arith.constant 0 : i32
    %dma_wait3A_80 = arith.constant 0 : i32
    %dma_wait3A_81 = arith.constant 0 : i32
    %dma_wait3A_82 = tpu.memref_slice %arg6[%dma_wait3A_79, %dma_wait3A_80, %dma_wait3A_81] : memref<2x100x128xf32, #tpu.memory_space<vmem>> -> memref<1x100x128xf32, #tpu.memory_space<vmem>>
    %dma_wait3A_83 = tpu.memref_squeeze %dma_wait3A_82 : memref<1x100x128xf32, #tpu.memory_space<vmem>> -> memref<100x128xf32, #tpu.memory_space<vmem>>
    %dma_wait3A_84 = arith.constant 0 : i32
    %dma_wait3A_85 = tpu.memref_slice %arg7[%dma_wait3A, %dma_wait3A_84] : memref<100x100xi32, #tpu.memory_space<vmem>> -> memref<1x100xi32, #tpu.memory_space<vmem>>
    %dma_wait3A_86 = tpu.memref_squeeze %dma_wait3A_85 : memref<1x100xi32, #tpu.memory_space<vmem>> -> memref<100xi32, #tpu.memory_space<vmem>>
    %dma_wait3A_87 = arith.constant 0 : i32
    %dma_wait3A_88 = arith.constant 0 : i32
    %dma_wait3A_89 = tpu.memref_slice %arg2[%dma_wait3A_87, %dma_wait3A_88] : memref<10000x128xf32, #tpu.memory_space<hbm>> -> memref<10000x128xf32, #tpu.memory_space<hbm>>
    tpu.wait_indirect_dma semaphore(%arg9 : memref<!tpu.dma_semaphore, #tpu.memory_space<semaphore_mem>>) src(%dma_wait3A_89 : memref<10000x128xf32, #tpu.memory_space<hbm>>) dst(%dma_wait3A_83 : memref<100x128xf32, #tpu.memory_space<vmem>>)
    %run_scoped3A_90 = arith.constant 0 : i32
    %run_scoped3A_91 = arith.constant 98 : i32
    "tpu.region"() ({
      %run_scoped3A_111 = tpu.sem_alloc : memref<!tpu.dma_semaphore, #tpu.memory_space<semaphore_mem>>
      %dma_start3A_112 = arith.constant 0 : i32
      %dma_start3A_113 = arith.constant 0 : i32
      %dma_start3A_114 = tpu.memref_slice %arg6[%run_scoped3A_90, %dma_start3A_112, %dma_start3A_113] : memref<2x100x128xf32, #tpu.memory_space<vmem>> -> memref<1x100x128xf32, #tpu.memory_space<vmem>>
      %dma_start3A_115 = tpu.memref_squeeze %dma_start3A_114 : memref<1x100x128xf32, #tpu.memory_space<vmem>> -> memref<100x128xf32, #tpu.memory_space<vmem>>
      %dma_start3A_116 = arith.constant 0 : i32
      %dma_start3A_117 = tpu.memref_slice %arg8[%run_scoped3A_91, %dma_start3A_116] : memref<100x100xi32, #tpu.memory_space<vmem>> -> memref<1x100xi32, #tpu.memory_space<vmem>>
      %dma_start3A_118 = tpu.memref_squeeze %dma_start3A_117 : memref<1x100xi32, #tpu.memory_space<vmem>> -> memref<100xi32, #tpu.memory_space<vmem>>
      %dma_start3A_119 = arith.constant 0 : i32
      %dma_start3A_120 = arith.constant 0 : i32
      %dma_start3A_121 = tpu.memref_slice %arg5[%dma_start3A_119, %dma_start3A_120] : memref<10008x128xf32, #tpu.memory_space<vmem_shared>> -> memref<10008x128xf32, #tpu.memory_space<vmem_shared>>
      tpu.enqueue_indirect_dma source(%dma_start3A_115 : memref<100x128xf32, #tpu.memory_space<vmem>>) target(%dma_start3A_121 : memref<10008x128xf32, #tpu.memory_space<vmem_shared>>) offsets(%dma_start3A_118 : memref<100xi32, #tpu.memory_space<vmem>>) semaphore(%run_scoped3A_111 : memref<!tpu.dma_semaphore, #tpu.memory_space<semaphore_mem>>) {add = true}
      %dma_wait3A_122 = arith.constant 0 : i32
      %dma_wait3A_123 = arith.constant 0 : i32
      %dma_wait3A_124 = tpu.memref_slice %arg6[%run_scoped3A_90, %dma_wait3A_122, %dma_wait3A_123] : memref<2x100x128xf32, #tpu.memory_space<vmem>> -> memref<1x100x128xf32, #tpu.memory_space<vmem>>
      %dma_wait3A_125 = tpu.memref_squeeze %dma_wait3A_124 : memref<1x100x128xf32, #tpu.memory_space<vmem>> -> memref<100x128xf32, #tpu.memory_space<vmem>>
      %dma_wait3A_126 = arith.constant 0 : i32
      %dma_wait3A_127 = tpu.memref_slice %arg8[%run_scoped3A_91, %dma_wait3A_126] : memref<100x100xi32, #tpu.memory_space<vmem>> -> memref<1x100xi32, #tpu.memory_space<vmem>>
      %dma_wait3A_128 = tpu.memref_squeeze %dma_wait3A_127 : memref<1x100xi32, #tpu.memory_space<vmem>> -> memref<100xi32, #tpu.memory_space<vmem>>
      %dma_wait3A_129 = arith.constant 0 : i32
      %dma_wait3A_130 = arith.constant 0 : i32
      %dma_wait3A_131 = tpu.memref_slice %arg5[%dma_wait3A_129, %dma_wait3A_130] : memref<10008x128xf32, #tpu.memory_space<vmem_shared>> -> memref<10008x128xf32, #tpu.memory_space<vmem_shared>>
      tpu.wait_indirect_dma semaphore(%run_scoped3A_111 : memref<!tpu.dma_semaphore, #tpu.memory_space<semaphore_mem>>) src(%dma_wait3A_125 : memref<100x128xf32, #tpu.memory_space<vmem>>) dst(%dma_wait3A_131 : memref<10008x128xf32, #tpu.memory_space<vmem_shared>>)
      tpu.yield
    }) : () -> ()
    %dma_wait3A_92 = arith.constant 99 : i32
    %dma_wait3A_93 = arith.constant 1 : i32
    %dma_wait3A_94 = arith.constant 0 : i32
    %dma_wait3A_95 = arith.constant 0 : i32
    %dma_wait3A_96 = tpu.memref_slice %arg6[%dma_wait3A_93, %dma_wait3A_94, %dma_wait3A_95] : memref<2x100x128xf32, #tpu.memory_space<vmem>> -> memref<1x100x128xf32, #tpu.memory_space<vmem>>
    %dma_wait3A_97 = tpu.memref_squeeze %dma_wait3A_96 : memref<1x100x128xf32, #tpu.memory_space<vmem>> -> memref<100x128xf32, #tpu.memory_space<vmem>>
    %dma_wait3A_98 = arith.constant 0 : i32
    %dma_wait3A_99 = tpu.memref_slice %arg7[%dma_wait3A_92, %dma_wait3A_98] : memref<100x100xi32, #tpu.memory_space<vmem>> -> memref<1x100xi32, #tpu.memory_space<vmem>>
    %dma_wait3A_100 = tpu.memref_squeeze %dma_wait3A_99 : memref<1x100xi32, #tpu.memory_space<vmem>> -> memref<100xi32, #tpu.memory_space<vmem>>
    %dma_wait3A_101 = arith.constant 0 : i32
    %dma_wait3A_102 = arith.constant 0 : i32
    %dma_wait3A_103 = tpu.memref_slice %arg2[%dma_wait3A_101, %dma_wait3A_102] : memref<10000x128xf32, #tpu.memory_space<hbm>> -> memref<10000x128xf32, #tpu.memory_space<hbm>>
    tpu.wait_indirect_dma semaphore(%arg10 : memref<!tpu.dma_semaphore, #tpu.memory_space<semaphore_mem>>) src(%dma_wait3A_103 : memref<10000x128xf32, #tpu.memory_space<hbm>>) dst(%dma_wait3A_97 : memref<100x128xf32, #tpu.memory_space<vmem>>)
    %run_scoped3A_104 = arith.constant 1 : i32
    %run_scoped3A_105 = arith.constant 99 : i32
    "tpu.region"() ({
      %run_scoped3A_111 = tpu.sem_alloc : memref<!tpu.dma_semaphore, #tpu.memory_space<semaphore_mem>>
      %dma_start3A_112 = arith.constant 0 : i32
      %dma_start3A_113 = arith.constant 0 : i32
      %dma_start3A_114 = tpu.memref_slice %arg6[%run_scoped3A_104, %dma_start3A_112, %dma_start3A_113] : memref<2x100x128xf32, #tpu.memory_space<vmem>> -> memref<1x100x128xf32, #tpu.memory_space<vmem>>
      %dma_start3A_115 = tpu.memref_squeeze %dma_start3A_114 : memref<1x100x128xf32, #tpu.memory_space<vmem>> -> memref<100x128xf32, #tpu.memory_space<vmem>>
      %dma_start3A_116 = arith.constant 0 : i32
      %dma_start3A_117 = tpu.memref_slice %arg8[%run_scoped3A_105, %dma_start3A_116] : memref<100x100xi32, #tpu.memory_space<vmem>> -> memref<1x100xi32, #tpu.memory_space<vmem>>
      %dma_start3A_118 = tpu.memref_squeeze %dma_start3A_117 : memref<1x100xi32, #tpu.memory_space<vmem>> -> memref<100xi32, #tpu.memory_space<vmem>>
      %dma_start3A_119 = arith.constant 0 : i32
      %dma_start3A_120 = arith.constant 0 : i32
      %dma_start3A_121 = tpu.memref_slice %arg5[%dma_start3A_119, %dma_start3A_120] : memref<10008x128xf32, #tpu.memory_space<vmem_shared>> -> memref<10008x128xf32, #tpu.memory_space<vmem_shared>>
      tpu.enqueue_indirect_dma source(%dma_start3A_115 : memref<100x128xf32, #tpu.memory_space<vmem>>) target(%dma_start3A_121 : memref<10008x128xf32, #tpu.memory_space<vmem_shared>>) offsets(%dma_start3A_118 : memref<100xi32, #tpu.memory_space<vmem>>) semaphore(%run_scoped3A_111 : memref<!tpu.dma_semaphore, #tpu.memory_space<semaphore_mem>>) {add = true}
      %dma_wait3A_122 = arith.constant 0 : i32
      %dma_wait3A_123 = arith.constant 0 : i32
      %dma_wait3A_124 = tpu.memref_slice %arg6[%run_scoped3A_104, %dma_wait3A_122, %dma_wait3A_123] : memref<2x100x128xf32, #tpu.memory_space<vmem>> -> memref<1x100x128xf32, #tpu.memory_space<vmem>>
      %dma_wait3A_125 = tpu.memref_squeeze %dma_wait3A_124 : memref<1x100x128xf32, #tpu.memory_space<vmem>> -> memref<100x128xf32, #tpu.memory_space<vmem>>
      %dma_wait3A_126 = arith.constant 0 : i32
      %dma_wait3A_127 = tpu.memref_slice %arg8[%run_scoped3A_105, %dma_wait3A_126] : memref<100x100xi32, #tpu.memory_space<vmem>> -> memref<1x100xi32, #tpu.memory_space<vmem>>
      %dma_wait3A_128 = tpu.memref_squeeze %dma_wait3A_127 : memref<1x100xi32, #tpu.memory_space<vmem>> -> memref<100xi32, #tpu.memory_space<vmem>>
      %dma_wait3A_129 = arith.constant 0 : i32
      %dma_wait3A_130 = arith.constant 0 : i32
      %dma_wait3A_131 = tpu.memref_slice %arg5[%dma_wait3A_129, %dma_wait3A_130] : memref<10008x128xf32, #tpu.memory_space<vmem_shared>> -> memref<10008x128xf32, #tpu.memory_space<vmem_shared>>
      tpu.wait_indirect_dma semaphore(%run_scoped3A_111 : memref<!tpu.dma_semaphore, #tpu.memory_space<semaphore_mem>>) src(%dma_wait3A_125 : memref<100x128xf32, #tpu.memory_space<vmem>>) dst(%dma_wait3A_131 : memref<10008x128xf32, #tpu.memory_space<vmem_shared>>)
      tpu.yield
    }) : () -> ()
    %barrier3A_106 = arith.constant 0 : index
    tpu.barrier barrier_id(%barrier3A_106)
    %mul3A_107 = arith.constant 625 : i32
    %mul3A_108 = arith.muli %arg1, %mul3A_107 : i32
    %mul3A_109 = arith.constant 625 : i32
    %mul3A_110 = arith.muli %arg1, %mul3A_109 : i32
    "tpu.region"() ({
      %run_scoped3A_111 = tpu.sem_alloc : memref<!tpu.dma_semaphore, #tpu.memory_space<semaphore_mem>>
      %dma_start3A_112 = arith.constant 0 : i32
      %dma_start3A_113 = tpu.memref_slice %arg4[%arg0, %mul3A_110, %dma_start3A_112] : memref<2x10000x128xf32, #tpu.memory_space<hbm>> -> memref<1x625x128xf32, #tpu.memory_space<hbm>>
      %dma_start3A_114 = tpu.memref_squeeze %dma_start3A_113 : memref<1x625x128xf32, #tpu.memory_space<hbm>> -> memref<625x128xf32, #tpu.memory_space<hbm>>
      %dma_start3A_115 = arith.constant 0 : i32
      %dma_start3A_116 = tpu.memref_slice %arg5[%mul3A_108, %dma_start3A_115] : memref<10008x128xf32, #tpu.memory_space<vmem_shared>> -> memref<625x128xf32, #tpu.memory_space<vmem_shared>>
      tpu.enqueue_dma source(%dma_start3A_116 : memref<625x128xf32, #tpu.memory_space<vmem_shared>>) target(%dma_start3A_114 : memref<625x128xf32, #tpu.memory_space<hbm>>) target_semaphore(%run_scoped3A_111 : memref<!tpu.dma_semaphore, #tpu.memory_space<semaphore_mem>>)
      %dma_wait3A_117 = arith.constant 0 : i32
      %dma_wait3A_118 = tpu.memref_slice %arg4[%arg0, %mul3A_110, %dma_wait3A_117] : memref<2x10000x128xf32, #tpu.memory_space<hbm>> -> memref<1x625x128xf32, #tpu.memory_space<hbm>>
      %dma_wait3A_119 = tpu.memref_squeeze %dma_wait3A_118 : memref<1x625x128xf32, #tpu.memory_space<hbm>> -> memref<625x128xf32, #tpu.memory_space<hbm>>
      %dma_wait3A_120 = arith.constant 0 : i32
      %dma_wait3A_121 = tpu.memref_slice %arg5[%mul3A_108, %dma_wait3A_120] : memref<10008x128xf32, #tpu.memory_space<vmem_shared>> -> memref<625x128xf32, #tpu.memory_space<vmem_shared>>
      tpu.wait_dma2 semaphore(%run_scoped3A_111 : memref<!tpu.dma_semaphore, #tpu.memory_space<semaphore_mem>>) src(%dma_wait3A_121 : memref<625x128xf32, #tpu.memory_space<vmem_shared>>) dst(%dma_wait3A_119 : memref<625x128xf32, #tpu.memory_space<hbm>>)
      tpu.yield
    }) : () -> ()
    return
  }
}

module attributes {stable_mosaic.version = 14 : i64} {
  func.func @_scale_body(%arg0: memref<32x10000xf32, #tpu.memory_space<vmem>>, %arg1: memref<10000x128xf32, #tpu.memory_space<vmem>>, %arg2: memref<128x128xf32, #tpu.memory_space<vmem>>, %arg3: memref<10000x1xf32, #tpu.memory_space<vmem>>, %arg4: memref<10000x128xf32, #tpu.memory_space<vmem>>) attributes {dimension_semantics = [], scalar_prefetch = 0 : i64, scratch_operands = 0 : i64, tpu.core_type = #tpu.core_type<tc>} {
    %get3A = arith.constant 0 : index
    %get3A_0 = arith.constant 0 : index
    %get3A_1 = vector.load %arg0[%get3A, %get3A_0] : memref<32x10000xf32, #tpu.memory_space<vmem>>, vector<32x10000xf32>
    %reduce_sum3A = arith.constant dense<0.000000e+00> : vector<10000xf32>
    %reduce_sum3A_2 = vector.multi_reduction <add>, %get3A_1, %reduce_sum3A [0] : vector<32x10000xf32> to vector<10000xf32>
    %broadcast_in_dim3A = vector.shape_cast %reduce_sum3A_2 : vector<10000xf32> to vector<10000x1xf32>
    %add3A = arith.constant 1.000000e+00 : f32
    %add3A_3 = vector.broadcast %add3A : f32 to vector<10000x1xf32>
    %add3A_4 = arith.addf %broadcast_in_dim3A, %add3A_3 : vector<10000x1xf32>
    %max3A = arith.constant 9.99999996E-13 : f32
    %max3A_5 = vector.broadcast %max3A : f32 to vector<10000x1xf32>
    %max3A_6 = arith.maximumf %add3A_4, %max3A_5 : vector<10000x1xf32>
    %rsqrt3A = math.rsqrt %max3A_6 : vector<10000x1xf32>
    %swap3A = arith.constant 0 : index
    %swap3A_7 = arith.constant 0 : index
    %swap3A_8 = vector.load %arg3[%swap3A, %swap3A_7] : memref<10000x1xf32, #tpu.memory_space<vmem>>, vector<10000x1xf32>
    tpu.vector_store %arg3[%swap3A, %swap3A_7], %rsqrt3A {strides = array<i32>} : memref<10000x1xf32, #tpu.memory_space<vmem>>, vector<10000x1xf32>,
    %get3A_9 = arith.constant 0 : index
    %get3A_10 = arith.constant 0 : index
    %get3A_11 = vector.load %arg1[%get3A_9, %get3A_10] : memref<10000x128xf32, #tpu.memory_space<vmem>>, vector<10000x128xf32>
    %get3A_12 = arith.constant 0 : index
    %get3A_13 = arith.constant 0 : index
    %get3A_14 = vector.load %arg2[%get3A_12, %get3A_13] : memref<128x128xf32, #tpu.memory_space<vmem>>, vector<128x128xf32>
    %dot_general3A = arith.constant dense<0.000000e+00> : vector<10000x128xf32>
    %dot_general3A_15 = tpu.matmul %get3A_11, %get3A_14, %dot_general3A {dimension_numbers = #tpu.dot_dimension_numbers<[1], [0], [0], [1], [0, 0, 1, 1], [], []>, transpose_lhs_hint = false} : vector<10000x128xf32>, vector<128x128xf32>, vector<10000x128xf32> -> vector<10000x128xf32>
    %mul3A = vector.broadcast %rsqrt3A : vector<10000x1xf32> to vector<10000x128xf32>
    %mul3A_16 = arith.mulf %dot_general3A_15, %mul3A : vector<10000x128xf32>
    %swap3A_17 = arith.constant 0 : index
    %swap3A_18 = arith.constant 0 : index
    %swap3A_19 = vector.load %arg4[%swap3A_17, %swap3A_18] : memref<10000x128xf32, #tpu.memory_space<vmem>>, vector<10000x128xf32>
    tpu.vector_store %arg4[%swap3A_17, %swap3A_18], %mul3A_16 {strides = array<i32>} : memref<10000x128xf32, #tpu.memory_space<vmem>>, vector<10000x128xf32>,
    return
  }
}

module attributes {stable_mosaic.version = 14 : i64} {
  func.func @_mid_body(%arg0: i32, %arg1: memref<2x1000x128xf32, #tpu.memory_space<vmem>>, %arg2: memref<1000x128xf32, #tpu.memory_space<vmem>>, %arg3: memref<1000x1xf32, #tpu.memory_space<vmem>>, %arg4: memref<128xf32, #tpu.memory_space<vmem>>, %arg5: memref<128x64xf32, #tpu.memory_space<vmem>>, %arg6: memref<1000x64xf32, #tpu.memory_space<vmem>>) attributes {dimension_semantics = [#tpu.dimension_semantics<arbitrary>], iteration_bounds = array<i64: 10>, scalar_prefetch = 0 : i64, scratch_operands = 0 : i64, tpu.core_type = #tpu.core_type<tc>, window_params = [{transform_indices = @transform_0, window_bounds = array<i64: 2, 1000, 128>}, {transform_indices = @transform_1, window_bounds = array<i64: 1000, 128>}, {transform_indices = @transform_2, window_bounds = array<i64: 1000, 1>}, {pipeline_mode = #tpu.pipeline_mode<synchronous>, transform_indices = @transform_3, window_bounds = array<i64: 128>}, {pipeline_mode = #tpu.pipeline_mode<synchronous>, transform_indices = @transform_4, window_bounds = array<i64: 128, 64>}, {transform_indices = @transform_5, window_bounds = array<i64: 1000, 64>}]} {
    %get3A = arith.constant 0 : index
    %get3A_0 = arith.constant 0 : index
    %get3A_1 = vector.load %arg3[%get3A, %get3A_0] : memref<1000x1xf32, #tpu.memory_space<vmem>>, vector<1000x1xf32>
    %get3A_2 = arith.constant 0 : index
    %get3A_3 = arith.constant 0 : index
    %get3A_4 = arith.constant 0 : index
    %get3A_5 = vector.load %arg1[%get3A_2, %get3A_3, %get3A_4] : memref<2x1000x128xf32, #tpu.memory_space<vmem>>, vector<2x1000x128xf32>
    %slice3A = vector.extract_strided_slice %get3A_5 {offsets = [0, 0, 0], sizes = [1, 1000, 128], strides = [1, 1, 1]} : vector<2x1000x128xf32> to vector<1x1000x128xf32>
    %squeeze3A = vector.shape_cast %slice3A : vector<1x1000x128xf32> to vector<1000x128xf32>
    %slice3A_6 = vector.extract_strided_slice %get3A_5 {offsets = [1, 0, 0], sizes = [1, 1000, 128], strides = [1, 1, 1]} : vector<2x1000x128xf32> to vector<1x1000x128xf32>
    %squeeze3A_7 = vector.shape_cast %slice3A_6 : vector<1x1000x128xf32> to vector<1000x128xf32>
    %add3A = arith.addf %squeeze3A, %squeeze3A_7 : vector<1000x128xf32>
    %get3A_8 = arith.constant 0 : index
    %get3A_9 = arith.constant 0 : index
    %get3A_10 = vector.load %arg2[%get3A_8, %get3A_9] : memref<1000x128xf32, #tpu.memory_space<vmem>>, vector<1000x128xf32>
    %add3A_11 = arith.addf %add3A, %get3A_10 : vector<1000x128xf32>
    %mul3A = vector.broadcast %get3A_1 : vector<1000x1xf32> to vector<1000x128xf32>
    %mul3A_12 = arith.mulf %mul3A, %add3A_11 : vector<1000x128xf32>
    %get3A_13 = arith.constant 0 : index
    %get3A_14 = vector.load %arg4[%get3A_13] : memref<128xf32, #tpu.memory_space<vmem>>, vector<128xf32>
    %broadcast_in_dim3A = vector.shape_cast %get3A_14 : vector<128xf32> to vector<1x128xf32>
    %add3A_15 = vector.broadcast %broadcast_in_dim3A : vector<1x128xf32> to vector<1000x128xf32>
    %add3A_16 = arith.addf %mul3A_12, %add3A_15 : vector<1000x128xf32>
    %max3A = arith.constant 0.000000e+00 : f32
    %max3A_17 = vector.broadcast %max3A : f32 to vector<1000x128xf32>
    %max3A_18 = arith.maximumf %add3A_16, %max3A_17 : vector<1000x128xf32>
    %get3A_19 = arith.constant 0 : index
    %get3A_20 = arith.constant 0 : index
    %get3A_21 = vector.load %arg5[%get3A_19, %get3A_20] : memref<128x64xf32, #tpu.memory_space<vmem>>, vector<128x64xf32>
    %dot_general3A = arith.constant dense<0.000000e+00> : vector<1000x64xf32>
    %dot_general3A_22 = tpu.matmul %max3A_18, %get3A_21, %dot_general3A {dimension_numbers = #tpu.dot_dimension_numbers<[1], [0], [0], [1], [0, 0, 1, 1], [], []>, transpose_lhs_hint = false} : vector<1000x128xf32>, vector<128x64xf32>, vector<1000x64xf32> -> vector<1000x64xf32>
    %mul3A_23 = vector.broadcast %get3A_1 : vector<1000x1xf32> to vector<1000x64xf32>
    %mul3A_24 = arith.mulf %dot_general3A_22, %mul3A_23 : vector<1000x64xf32>
    %swap3A = arith.constant 0 : index
    %swap3A_25 = arith.constant 0 : index
    %swap3A_26 = vector.load %arg6[%swap3A, %swap3A_25] : memref<1000x64xf32, #tpu.memory_space<vmem>>, vector<1000x64xf32>
    tpu.vector_store %arg6[%swap3A, %swap3A_25], %mul3A_24 {strides = array<i32>} : memref<1000x64xf32, #tpu.memory_space<vmem>>, vector<1000x64xf32>,
    return
  }
  func.func @transform_0(%arg0: i32) -> (i32, i32, i32) {
    %c0_i32 = arith.constant 0 : i32
    %c0_i32_0 = arith.constant 0 : i32
    %c0_i32_1 = arith.constant 0 : i32
    return %c0_i32, %arg0, %c0_i32_0 : i32, i32, i32
  }
  func.func @transform_1(%arg0: i32) -> (i32, i32) {
    %c0_i32 = arith.constant 0 : i32
    %c0_i32_0 = arith.constant 0 : i32
    return %arg0, %c0_i32 : i32, i32
  }
  func.func @transform_2(%arg0: i32) -> (i32, i32) {
    %c0_i32 = arith.constant 0 : i32
    %c0_i32_0 = arith.constant 0 : i32
    return %arg0, %c0_i32 : i32, i32
  }
  func.func @transform_3(%arg0: i32) -> i32 {
    %c0_i32 = arith.constant 0 : i32
    %c0_i32_0 = arith.constant 0 : i32
    return %c0_i32 : i32
  }
  func.func @transform_4(%arg0: i32) -> (i32, i32) {
    %c0_i32 = arith.constant 0 : i32
    %c0_i32_0 = arith.constant 0 : i32
    %c0_i32_1 = arith.constant 0 : i32
    return %c0_i32, %c0_i32_0 : i32, i32
  }
  func.func @transform_5(%arg0: i32) -> (i32, i32) {
    %c0_i32 = arith.constant 0 : i32
    %c0_i32_0 = arith.constant 0 : i32
    return %arg0, %c0_i32 : i32, i32
  }
}

module attributes {stable_mosaic.version = 14 : i64} {
  func.func @_final_body(%arg0: i32, %arg1: memref<2x1000x64xf32, #tpu.memory_space<vmem>>, %arg2: memref<1000x64xf32, #tpu.memory_space<vmem>>, %arg3: memref<1000x1xf32, #tpu.memory_space<vmem>>, %arg4: memref<64xf32, #tpu.memory_space<vmem>>, %arg5: memref<1000x64xf32, #tpu.memory_space<vmem>>) attributes {dimension_semantics = [#tpu.dimension_semantics<arbitrary>], iteration_bounds = array<i64: 10>, scalar_prefetch = 0 : i64, scratch_operands = 0 : i64, tpu.core_type = #tpu.core_type<tc>, window_params = [{transform_indices = @transform_0, window_bounds = array<i64: 2, 1000, 64>}, {transform_indices = @transform_1, window_bounds = array<i64: 1000, 64>}, {transform_indices = @transform_2, window_bounds = array<i64: 1000, 1>}, {pipeline_mode = #tpu.pipeline_mode<synchronous>, transform_indices = @transform_3, window_bounds = array<i64: 64>}, {transform_indices = @transform_4, window_bounds = array<i64: 1000, 64>}]} {
    %get3A = arith.constant 0 : index
    %get3A_0 = arith.constant 0 : index
    %get3A_1 = vector.load %arg3[%get3A, %get3A_0] : memref<1000x1xf32, #tpu.memory_space<vmem>>, vector<1000x1xf32>
    %get3A_2 = arith.constant 0 : index
    %get3A_3 = arith.constant 0 : index
    %get3A_4 = arith.constant 0 : index
    %get3A_5 = vector.load %arg1[%get3A_2, %get3A_3, %get3A_4] : memref<2x1000x64xf32, #tpu.memory_space<vmem>>, vector<2x1000x64xf32>
    %slice3A = vector.extract_strided_slice %get3A_5 {offsets = [0, 0, 0], sizes = [1, 1000, 64], strides = [1, 1, 1]} : vector<2x1000x64xf32> to vector<1x1000x64xf32>
    %squeeze3A = vector.shape_cast %slice3A : vector<1x1000x64xf32> to vector<1000x64xf32>
    %slice3A_6 = vector.extract_strided_slice %get3A_5 {offsets = [1, 0, 0], sizes = [1, 1000, 64], strides = [1, 1, 1]} : vector<2x1000x64xf32> to vector<1x1000x64xf32>
    %squeeze3A_7 = vector.shape_cast %slice3A_6 : vector<1x1000x64xf32> to vector<1000x64xf32>
    %add3A = arith.addf %squeeze3A, %squeeze3A_7 : vector<1000x64xf32>
    %get3A_8 = arith.constant 0 : index
    %get3A_9 = arith.constant 0 : index
    %get3A_10 = vector.load %arg2[%get3A_8, %get3A_9] : memref<1000x64xf32, #tpu.memory_space<vmem>>, vector<1000x64xf32>
    %add3A_11 = arith.addf %add3A, %get3A_10 : vector<1000x64xf32>
    %mul3A = vector.broadcast %get3A_1 : vector<1000x1xf32> to vector<1000x64xf32>
    %mul3A_12 = arith.mulf %mul3A, %add3A_11 : vector<1000x64xf32>
    %get3A_13 = arith.constant 0 : index
    %get3A_14 = vector.load %arg4[%get3A_13] : memref<64xf32, #tpu.memory_space<vmem>>, vector<64xf32>
    %broadcast_in_dim3A = vector.shape_cast %get3A_14 : vector<64xf32> to vector<1x64xf32>
    %add3A_15 = vector.broadcast %broadcast_in_dim3A : vector<1x64xf32> to vector<1000x64xf32>
    %add3A_16 = arith.addf %mul3A_12, %add3A_15 : vector<1000x64xf32>
    %reduce_max3A = arith.constant dense<0xFF800000> : vector<1000xf32>
    %reduce_max3A_17 = vector.multi_reduction <maximumf>, %add3A_16, %reduce_max3A [1] : vector<1000x64xf32> to vector<1000xf32>
    %broadcast_in_dim3A_18 = vector.shape_cast %reduce_max3A_17 : vector<1000xf32> to vector<1000x1xf32>
    %sub3A = vector.broadcast %broadcast_in_dim3A_18 : vector<1000x1xf32> to vector<1000x64xf32>
    %sub3A_19 = arith.subf %add3A_16, %sub3A : vector<1000x64xf32>
    %exp3A = math.exp %sub3A_19 : vector<1000x64xf32>
    %reduce_sum3A = arith.constant dense<0.000000e+00> : vector<1000xf32>
    %reduce_sum3A_20 = vector.multi_reduction <add>, %exp3A, %reduce_sum3A [1] : vector<1000x64xf32> to vector<1000xf32>
    %broadcast_in_dim3A_21 = vector.shape_cast %reduce_sum3A_20 : vector<1000xf32> to vector<1000x1xf32>
    %div3A = vector.broadcast %broadcast_in_dim3A_21 : vector<1000x1xf32> to vector<1000x64xf32>
    %div3A_22 = arith.divf %exp3A, %div3A : vector<1000x64xf32>
    %swap3A = arith.constant 0 : index
    %swap3A_23 = arith.constant 0 : index
    %swap3A_24 = vector.load %arg5[%swap3A, %swap3A_23] : memref<1000x64xf32, #tpu.memory_space<vmem>>, vector<1000x64xf32>
    tpu.vector_store %arg5[%swap3A, %swap3A_23], %div3A_22 {strides = array<i32>} : memref<1000x64xf32, #tpu.memory_space<vmem>>, vector<1000x64xf32>,
    return
  }
  func.func @transform_0(%arg0: i32) -> (i32, i32, i32) {
    %c0_i32 = arith.constant 0 : i32
    %c0_i32_0 = arith.constant 0 : i32
    %c0_i32_1 = arith.constant 0 : i32
    return %c0_i32, %arg0, %c0_i32_0 : i32, i32, i32
  }
  func.func @transform_1(%arg0: i32) -> (i32, i32) {
    %c0_i32 = arith.constant 0 : i32
    %c0_i32_0 = arith.constant 0 : i32
    return %arg0, %c0_i32 : i32, i32
  }
  func.func @transform_2(%arg0: i32) -> (i32, i32) {
    %c0_i32 = arith.constant 0 : i32
    %c0_i32_0 = arith.constant 0 : i32
    return %arg0, %c0_i32 : i32, i32
  }
  func.func @transform_3(%arg0: i32) -> i32 {
    %c0_i32 = arith.constant 0 : i32
    %c0_i32_0 = arith.constant 0 : i32
    return %c0_i32 : i32
  }
  func.func @transform_4(%arg0: i32) -> (i32, i32) {
    %c0_i32 = arith.constant 0 : i32
    %c0_i32_0 = arith.constant 0 : i32
    return %arg0, %c0_i32 : i32, i32
  }
}

</mosaic_0001>

<sc_bundles>
// kernel: kernel.11.cloned.1.call-start
scs
__scs_entry_jumppad:
0x0: {  	(pc) =	sbr.rel $0x88, $3  }
0x1: {  	(tag) =	ssettag $0x0;
	lr =	simm.s32 $0x1  }
0x2: {  	[smem:$0x3F9B] =	sst lr;
	_ =	strace $0xD0000000  }
0x3: {  	_ = 	snop  }
0x4: {  	_ = 	snop  }
0x5: {  	_ = 	snop  }
0x6: {  	_ = 	snop  }
0x7: {  	_ = 	snop  }
__scs_overlays_trampoline_lowered:
0x8: {  	[smem:$0x3FAA] =	sst s0  }
0x9: {  	[smem:$0x3FAB] =	sst s1  }
0xa: {  	[smem:$0x3FAC] =	sst s2  }
0xb: {  	[smem:$0x3FAD] =	sst s3  }
0xc: {  	[smem:$0x3FAE] =	sst s4  }
0xd: {  	[smem:$0x3FAF] =	sst s5  }
0xe: {  	[smem:$0x3FB0] =	sst s6  }
0xf: {  	[smem:$0x3FB1] =	sst s7  }
0x10: {  	[smem:$0x3FB2] =	sst s8  }
0x11: {  	[smem:$0x3FB3] =	sst s9;
	s0 =	simm.s32 @!p0 $0x0  }
0x12: {  	s1 =	sld [smem:$0x3F99];
	s0 =	simm.s32 @p0 $0x1  }
0x13: {  	[smem:$0x3FB4] =	sst s0;
	s0 =	simm.s32 @!p1 $0x0  }
0x14: {  	s2 =	sld [smem:$0x3F98];
	s0 =	simm.s32 @p1 $0x1  }
0x15: {  	[smem:$0x3FB5] =	sst s0;
	s0 =	simm.s32 @!p2 $0x0  }
0x16: {  	s3 =	sld [smem:$0x3FDB];
	s0 =	simm.s32 @p2 $0x1  }
0x17: {  	s4 =	simm.s32 $0x1BF5;
	[smem:$0x3FB7] =	sst s0  }
0x18: {  	s0 =	sld [smem:$0x3F9A];
	_ =	swait.ge [sflag:s4], $0x0  }
0x19: {  	s7 =	sld [smem:$0x3F9B]  }
0x1a: {  	s8 =	sadd.s32 $0xFFFFE003, lr  }
0x1b: {  	s9 =	sadd.s32 $0xFFFFFEF7, lr;
	s5 =	simm.s32 $0xFFFFFFFF;
	p2 =	slt.u32 s8, $0xFFFFF086  }
0x1c: {  	p1 =	slt.u32 s9, $0xF7A;
	s5 =	simm.s32 @!p2 $0x0  }
0x1d: {  	s5 =	simm.s32 @p1 $0x1;
	p0 =	seq.s32 s7, s2  }
0x1e: {  	s7 =	smul.u32 @!p0 $0xF7A, s2;
	p2 =	seq.s32 @!p0 s5, $0x0  }
0x1f: {  	s9 =	smul.u32 $0xF7A, s1;
	s8 =	simm.s32 @!p0 $0x1BF5;
	p2 =	por !p2, p0  }
0x20: {  	[sflag:s8] =	ssyncset.s32 @!p0 $0xFFFFF086;
	s6 =	sadd.s32 @!p0 s3, s7;
	s7 =	simm.s32 @!p0 $0x108  }
0x21: {  	s3 =	sadd.s32 s3, s9;
	s6 =	sadd.s32 @!p0 $0x88, s6;
	s7 =	simm.s32 @p2 $0x1082  }
0x22: {  	[simem:s7], [sflag:s8] =	dma.local @!p0 [hbm:s6], $0xF7A  }
0x23: {  	s9 =	sor.u32 $0xD0000000, s2;
	s6 =	simm.s32 $0x108;
	_ =	swait.ge @!p0 [sflag:s8], $0x0  }
0x24: {  	s3 =	sadd.s32 $0x88, s3;
	s6 =	simm.s32 @!p1 $0x1082;
	[sflag:s4] =	ssyncset.s32 $0xFFFFF086  }
0x25: {  	[simem:s6], [sflag:s4] =	dma.local [hbm:s3], $0xF7A  }
0x26: {  	[smem:$0x3F9B] =	sst s1;
	(tag) =	ssettag s2;
	_ =	strace s9  }
0x27: {  	s1 =	sld [smem:$0x3FAB]  }
0x28: {  	s2 =	sld [smem:$0x3FAC]  }
0x29: {  	s4 =	sld [smem:$0x3FAE]  }
0x2a: {  	p0 =	seq.s32 s5, $0x0;
	s5 =	sld [smem:$0x3FAF]  }
0x2b: {  	s6 =	sld [smem:$0x3FB0]  }
0x2c: {  	s7 =	sld [smem:$0x3FB1]  }
0x2d: {  	s3 =	simm.s32 $0x108;
	s8 =	sld [smem:$0x3FB2]  }
0x2e: {  	s3 =	simm.s32 @!p0 $0x1082;
	s9 =	sld [smem:$0x3FB3]  }
0x2f: {  	lr =	sadd.s32 s0, s3;
	s0 =	sld [smem:$0x3FAA]  }
0x30: {  	s3 =	sld [smem:$0x3FAD]  }
0x31: {  	[smem:$0x3FB6] =	sst s10  }
0x32: {  	s10 =	sld [smem:$0x3FB4];
	_ =	sdelay $0x3  }
0x33: {  	p0 =	seq.s32 s10, $0x1;
	s10 =	sld [smem:$0x3FB6];
	_ =	sdelay $0x3  }
0x34: {  	[smem:$0x3FB6] =	sst s10  }
0x35: {  	s10 =	sld [smem:$0x3FB5];
	_ =	sdelay $0x3  }
0x36: {  	p1 =	seq.s32 s10, $0x1;
	s10 =	sld [smem:$0x3FB6];
	_ =	sdelay $0x3  }
0x37: {  	[smem:$0x3FB6] =	sst s10  }
0x38: {  	s10 =	sld [smem:$0x3FB7]  }
0x39: {  	_ = 	snop;
	(pc) =	sbr.ind lr, $3  }
0x3a: {  	_ = 	snop  }
0x3b: {  	_ = 	snop  }
0x3c: {  	p2 =	seq.s32 s10, $0x1;
	s10 =	sld [smem:$0x3FB6]  }
0x3d: {  	_ =	shalt  }
0x3e: {  	_ =	shalt  }
0x3f: {  	_ =	shalt  }
0x40: {  	_ =	shalt  }
0x41: {  	_ =	shalt  }
0x42: {  	_ =	shalt  }
0x43: {  	_ =	shalt  }
0x44: {  	_ =	shalt  }
0x45: {  	_ =	shalt  }
0x46: {  	_ =	shalt  }
0x47: {  	_ =	shalt  }
0x48: {  	_ =	shalt  }
0x49: {  	_ =	shalt  }
0x4a: {  	_ =	shalt  }
0x4b: {  	_ =	shalt  }
0x4c: {  	_ =	shalt  }
0x4d: {  	_ =	shalt  }
0x4e: {  	_ =	shalt  }
0x4f: {  	_ =	shalt  }
0x50: {  	_ =	shalt  }
0x51: {  	_ =	shalt  }
0x52: {  	_ =	shalt  }
0x53: {  	_ =	shalt  }
0x54: {  	_ =	shalt  }
0x55: {  	_ =	shalt  }
0x56: {  	_ =	shalt  }
0x57: {  	_ =	shalt  }
0x58: {  	_ =	shalt  }
0x59: {  	_ =	shalt  }
0x5a: {  	_ =	shalt  }
0x5b: {  	_ =	shalt  }
0x5c: {  	_ =	shalt  }
0x5d: {  	_ =	shalt  }
0x5e: {  	_ =	shalt  }
0x5f: {  	_ =	shalt  }
0x60: {  	_ =	shalt  }
0x61: {  	_ =	shalt  }
0x62: {  	_ =	shalt  }
0x63: {  	_ =	shalt  }
0x64: {  	_ =	shalt  }
0x65: {  	_ =	shalt  }
0x66: {  	_ =	shalt  }
0x67: {  	_ =	shalt  }
0x68: {  	_ =	shalt  }
0x69: {  	_ =	shalt  }
0x6a: {  	_ =	shalt  }
0x6b: {  	_ =	shalt  }
0x6c: {  	_ =	shalt  }
0x6d: {  	_ =	shalt  }
0x6e: {  	_ =	shalt  }
0x6f: {  	_ =	shalt  }
0x70: {  	_ =	shalt  }
0x71: {  	_ =	shalt  }
0x72: {  	_ =	shalt  }
0x73: {  	_ =	shalt  }
0x74: {  	_ =	shalt  }
0x75: {  	_ =	shalt  }
0x76: {  	_ =	shalt  }
0x77: {  	_ =	shalt  }
0x78: {  	_ =	shalt  }
0x79: {  	_ =	shalt  }
0x7a: {  	_ =	shalt  }
0x7b: {  	_ =	shalt  }
0x7c: {  	_ =	shalt  }
0x7d: {  	_ =	shalt  }
0x7e: {  	_ =	shalt  }
0x7f: {  	_ =	shalt  }
0x80: {  	_ =	shalt  }
0x81: {  	_ =	shalt  }
0x82: {  	_ =	shalt  }
0x83: {  	_ =	shalt  }
0x84: {  	_ =	shalt  }
0x85: {  	_ =	shalt  }
0x86: {  	_ =	shalt  }
0x87: {  	_ =	shalt  }
.Lfunc_end0:
.L_simem_size_0:
called_computation.1_lowered:
.L_overlay_start_0:
0x88: {  	s2 =	sld [smem:$0x3FD9]  }
0x89: {  	s3 =	sld [smem:$0x3FFE];
	_ =	sdelay $0x1  }
0x8a: {  	s1 =	srdreg.scid  }
0x8b: {  	s0 =	sand.u32 $0x1, s1  }
0x8c: {  	s16 =	sshll.u32 s0, $0xA;
	s2 =	sadd.s32 s3, s2  }
0x8d: {  	s2 =	sadd.s32 s2, s16  }
0x8e: {  	[smem:$0x3FC2] =	sst s2  }
0x8f: {  	_ = 	snop  }
0x90: {  	(tm) =	ssettm $0x1  }
0x91: {  	s17 =	sld [smem:$0x3FFB];
	_ =	sdelay $0x3  }
0x92: {  	_ =	strace s17  }
0x93: {  	s2 =	sld [smem:$0x3FFC];
	_ =	sdelay $0x3  }
0x94: {  	_ =	strace s2  }
0x95: {  	s2 =	sld [smem:$0x3FFD];
	_ =	sdelay $0x3  }
0x96: {  	_ =	strace s2  }
0x97: {  	_ =	strace $0x8FFFFFFF  }
0x98: {  	s18 =	sld [smem:$0x3FDB];
	_ =	sdelay $0x1  }
0x99: {  	s19 =	simm.s32 $_scs_section_size  }
0x9a: {  	s4 =	simm.s32 $_size__tile_overlayer_lowered;
	s5 =	simm.s32 $_tile_overlayer_lowered  }
0x9b: {  	s22 =	simm.s32 $0x1BFF;
	s21 =	sshll.u32 s5, $0x1;
	s2 =	sadd.s32 s19, s18  }
0x9c: {  	s6 =	simm.s32 $0x0;
	s20 =	sshll.u32 s4, $0x1;
	s4 =	sadd.s32 s21, s2  }
0x9d: {  	[timem:s6], [sflag:s22] =	dma.local [hbm:s4], s20  }
0x9e: {  	_ =	swait.ge [sflag:s22], s20  }
0x9f: {  	s3 =	ssub.s32 $0x0, s20;
	[sflag:s22] =	ssyncset.done $0x0  }
0xa0: {  	[sflag:s22] =	ssyncadd.s32 s3;
	_ =	sdelay $0x1  }
0xa1: {  	s23 =	simm.s32 $0x1B8B  }
0xa2: {  	_ =	swait.ge [sflag:s23], $0x1  }
0xa3: {  	[sflag:s23] =	ssyncset.done $0x0  }
0xa4: {  	s25 =	simm.s32 $0x1B8E;
	s24 =	sld [smem:$0x3FFE];
	[sflag:s23] =	ssyncadd.s32 $0xFFFFFFFF  }
0xa5: {  	s26 =	simm.s32 $execute0_lowered;
	[smem:$0x3FD2] =	sst s25  }
0xa6: {  	s4 =	sshll.u32 s26, $0x1;
	_ =	strace $0x80000049;
	[dreg:$0x1] =	wrdreg $0xFFFFFFFF  }
0xa7: {  	s28 =	simm.s32 $_size_execute0_lowered;
	s2 =	sadd.s32 s2, s4;
	[dreg:$0x0] =	wrdreg $0x0  }
0xa8: {  	s4 =	sshll.u32 s28, $0x1;
	[dreg:$0x2] =	wrdreg s2  }
0xa9: {  	[dreg:$0x3] =	wrdreg s4  }
0xaa: {  	[dreg:$0x4] =	wrdreg $0xC0  }
0xab: {  	_ =	task [dreg:s6], $0x5FFFF  }
0xac: {  	[dreg:$0x1] =	wrdreg $0xFFFFFFFF  }
0xad: {  	[dreg:$0x0] =	wrdreg $0x60  }
0xae: {  	[dreg:$0x2] =	wrdreg s24  }
0xaf: {  	[dreg:$0x3] =	wrdreg $0x0  }
0xb0: {  	[dreg:$0x4] =	wrdreg $0x9  }
0xb1: {  	_ =	task.clear_ibuf [dreg:s6], $0x5FFFF;
	_ =	strace $0x90000049  }
0xb2: {  	s29 =	simm.s32 $0x9;
	_ =	strace $0x8000004B  }
0xb3: {  	_ =	swait.ge [sflag:s29], $0x1  }
0xb4: {  	[sflag:s29] =	ssyncadd.s32 $0xFFFFFFFF  }
0xb5: {  	_ =	strace $0x9000004B  }
0xb6: {  	_ =	sfence  }
0xb7: {  	s30 =	sld [smem:$0x0];
	_ =	sdelay $0x2  }
0xb8: {  	s31 =	sshll.u32 s1, $0xD;
	s1 =	sshrl.u32 s1, $0x2  }
0xb9: {  	s3 =	sand.u32 $0x4000, s31;
	s1 =	sadd.s32 s1, s30  }
0xba: {  	s0 =	sor.u32 s3, s0;
	s1 =	sshll.u32 s1, $0x11  }
0xbb: {  	s0 =	sor.u32 s1, s0  }
0xbc: {  	s0 =	sadd.s32 $0x8F2B, s0  }
0xbd: {  	[sflag:s0] =	ssyncadd.remote.s32 $0x1  }
0xbe: {  	_ =	sfence.sel $0xFFFF  }
0xbf: {  	[dreg:$0x0] =	wrdreg $0xFFFFFFFF;
	(pc) =	sbr.abs _section_cstart, $3  }
0xc0: {  	[dreg:$0x1] =	wrdreg $0xFFFFFFFF  }
0xc1: {  	_ =	task.clear_ibuf [dreg:s6], $0x2FFFF;
	_ =	strace $0x9FFFFFFF  }
0xc2: {  	(tm) =	ssettm $0x7FFFFFFF  }
0xc3: {  	_ =	shalt  }
tec
execute0_lowered:
.L_overlay_start_1:
0x0: {  	(tag) =	ssettag $0x1  }
0x1: {  	s6 =	rddreg [dreg:$0x0]  }
0x2: {  	s0 =	srdreg.scid;
	s2 =	rddreg [dreg:$0x1];
	s3 =	simm.s32 $0x0  }
0x3: {  	s16 =	simm.s32 $0x19CC0;
	s17 =	simm.s32 $0x3;
	s18 =	simm.s32 $0x1C560  }
0x4: {  	s19 =	simm.s32 $0x138C0;
	s20 =	simm.s32 $0x64;
	s21 =	simm.s32 $0x19D28  }
0x5: {  	s22 =	simm.s32 $0x16AC0;
	s23 =	simm.s32 $0x1;
	s24 =	simm.s32 $0x2  }
0x6: {  	s25 =	simm.s32 $0x1ED30;
	s5 =	sand.u32 $0x1, s0;
	s0 =	stileid.u32  }
0x7: {  	s26 =	simm.s32 $0x1ED98;
	s28 =	simm.s32 $0x0;
	s8 =	smul.u32 $0x13880, s0  }
0x8: {  	[smem:$0x7FF] =	sst s3;
	s1 =	sshll.u32 s5, $0x4;
	s9 =	smul.u32 $0x138800, s5  }
0x9: {  	s5 =	ssub.s32 $0x2, s5;
	s10 =	smul.u32 $0x4E200, s0;
	s1 =	sor.u32 s0, s1  }
0xa: {  	s4 =	sadd.s32 $0x20C00, s6;
	s11 =	sshrl.u32 s5, $0x1;
	s7 =	smul.u32 $0x28A0, s1  }
0xb: {  	s1 =	rddreg [dreg:$0x2];
	_ =	strace $0x8000004A;
	s9 =	sadd.s32 s8, s9  }
0xc: {  	s15 =	ssub.s32 s5, s11;
	s31 =	sshrl.u32 s10, $0x2;
	s9 =	sshrl.u32 s9, $0x3  }
0xd: {  	s13 =	sadd.s32 s31, s2;
	s15 =	smax.u32 s15, $0x1;
	s7 =	sshrl.u32 s7, $0x3  }
0xe: {  	s14 =	sadd.s32 s9, s6;
	s9 =	sadd.s32 $0x6400, s13;
	s10 =	sadd.s32 $0x9600, s13  }
0xf: {  	s11 =	sadd.s32 $0xC800, s13;
	s12 =	sadd.s32 $0xFA00, s13;
	s7 =	sadd.s32 s7, s6  }
0x10: {  	s14 =	sadd.s32 $0x47E00, s14;
	s5 =	sadd.s32 $0xC600, s7;
	s6 =	sadd.s32 $0x16880, s7  }
0x11: {  	v0 =	vimm.f32 $0.0e+00;
	s7 =	sadd.s32 s8, s2;
	s8 =	sadd.s32 $0x3200, s13;
	s13 =	sadd.s32 $0x12C00, s13  }
.LBB2_1:
0x12: {  	[tilespmem:s16], [sflag:$0x3] =	stream.linear.gather [hbm4b:s5+s3], $0x28A0, $0x38;
	[tilespmem:$0x1EE00] =	vst v63  }
0x13: {  	_ =	swait.ge [sflag:s17], $0x28A0  }
0x14: {  	[sflag:s17] =	ssyncset.done $0x0  }
0x15: {  	[sflag:s17] =	ssyncadd.s32 $0xFFFFD760  }
0x16: {  	[tilespmem:s18], [sflag:$0x3] =	stream.linear.gather [hbm4b:s6+s3], $0x28A0, $0x38;
	[tilespmem:$0x1EE00] =	vst v63  }
0x17: {  	_ =	swait.ge [sflag:s17], $0x28A0  }
0x18: {  	[sflag:s17] =	ssyncset.done $0x0  }
0x19: {  	s29 =	simm.s32 $0x0;
	s30 =	simm.s32 $0x200;
	[sflag:s17] =	ssyncadd.s32 $0xFFFFD760  }
.LBB2_2:
0x1a: {  	p0 =	sne.s32 s30, $0xC600;
	[tilespmem:s29+$0x13930] =	vst v0  }
0x1b: {  	[tilespmem:s29+$0x138C0] =	vst v0  }
0x1c: {  	[tilespmem:s29+$0x138D0] =	vst v0  }
.Ltmp0:
0x1d: {  	[tilespmem:s29+$0x138E0] =	vst v0;
	(pc) =	sbr.rel @p0 .LBB2_2-.Ltmp0, $4  }
0x1e: {  	[tilespmem:s29+$0x138F0] =	vst v0  }
0x1f: {  	[tilespmem:s29+$0x13900] =	vst v0  }
0x20: {  	[tilespmem:s29+$0x13910] =	vst v0  }
0x21: {  	[tilespmem:s29+$0x13920] =	vst v0;
	s29 =	sshra.s32 s30, $0x2;
	s30 =	sadd.s32 $0x200, s30  }
0x22: {  	[tilespmem:s29+$0x13930] =	vst v0  }
0x23: {  	[tilespmem:s29+$0x138C0] =	vst v0  }
0x24: {  	[tilespmem:s29+$0x138D0] =	vst v0  }
0x25: {  	[tilespmem:s29+$0x138E0] =	vst v0  }
0x26: {  	[tilespmem:s29+$0x138F0] =	vst v0  }
0x27: {  	[tilespmem:s29+$0x13900] =	vst v0  }
0x28: {  	[tilespmem:s29+$0x13910] =	vst v0  }
0x29: {  	[tilespmem:s29+$0x13920] =	vst v0  }
0x2a: {  	[spmem:s7] =	stream.linear.scatter [tilespmem:s19], [sflag:$0x3], $0x3200, $0x38;
	[tilespmem:$0x1EE00] =	vst v63  }
0x2b: {  	_ =	swait.ge [sflag:s17], $0x3200  }
0x2c: {  	[sflag:s17] =	ssyncset.done $0x0  }
0x2d: {  	[sflag:s17] =	ssyncadd.s32 $0xFFFFCE00  }
0x2e: {  	[spmem:s8] =	stream.linear.scatter [tilespmem:s19], [sflag:$0x3], $0x3200, $0x38;
	[tilespmem:$0x1EE00] =	vst v63  }
0x2f: {  	_ =	swait.ge [sflag:s17], $0x3200  }
0x30: {  	[sflag:s17] =	ssyncset.done $0x0  }
0x31: {  	[sflag:s17] =	ssyncadd.s32 $0xFFFFCE00  }
0x32: {  	[spmem:s9] =	stream.linear.scatter [tilespmem:s19], [sflag:$0x3], $0x3200, $0x38;
	[tilespmem:$0x1EE00] =	vst v63  }
0x33: {  	_ =	swait.ge [sflag:s17], $0x3200  }
0x34: {  	[sflag:s17] =	ssyncset.done $0x0  }
0x35: {  	[sflag:s17] =	ssyncadd.s32 $0xFFFFCE00  }
0x36: {  	[spmem:s10] =	stream.linear.scatter [tilespmem:s19], [sflag:$0x3], $0x3200, $0x38;
	[tilespmem:$0x1EE00] =	vst v63  }
0x37: {  	_ =	swait.ge [sflag:s17], $0x3200  }
0x38: {  	[sflag:s17] =	ssyncset.done $0x0  }
0x39: {  	[sflag:s17] =	ssyncadd.s32 $0xFFFFCE00  }
0x3a: {  	[spmem:s11] =	stream.linear.scatter [tilespmem:s19], [sflag:$0x3], $0x3200, $0x38;
	[tilespmem:$0x1EE00] =	vst v63  }
0x3b: {  	_ =	swait.ge [sflag:s17], $0x3200  }
0x3c: {  	[sflag:s17] =	ssyncset.done $0x0  }
0x3d: {  	[sflag:s17] =	ssyncadd.s32 $0xFFFFCE00  }
0x3e: {  	[spmem:s12] =	stream.linear.scatter [tilespmem:s19], [sflag:$0x3], $0x3200, $0x38;
	[tilespmem:$0x1EE00] =	vst v63  }
0x3f: {  	_ =	swait.ge [sflag:s17], $0x3200  }
0x40: {  	[sflag:s17] =	ssyncset.done $0x0  }
0x41: {  	[sflag:s17] =	ssyncadd.s32 $0xFFFFCE00  }
0x42: {  	[spmem:s13] =	stream.linear.scatter [tilespmem:s19], [sflag:$0x3], $0xC80, $0x38;
	[tilespmem:$0x1EE00] =	vst v63  }
0x43: {  	_ =	swait.ge [sflag:s17], $0xC80  }
0x44: {  	[sflag:s17] =	ssyncset.done $0x0  }
0x45: {  	[sflag:s17] =	ssyncadd.s32 $0xFFFFF380  }
0x46: {  	[bflag:$0x0] =	sbarrier.arrive $0xFFFF  }
0x47: {  	[tilespmem:s19], [sflag:$0x1] =	stream.indirect.gather [hbm4b:s4+s20], $0x80, s16, s20, $0xb8;
	[tilespmem:$0x1EE00] =	vst v63  }
0x48: {  	_ = 	snop  }
0x49: {  	[tilespmem:s22], [sflag:$0x2] =	stream.indirect.gather [hbm4b:s4+s20], $0x80, s21, s20, $0xb8;
	[tilespmem:$0x1EE00] =	vst v63  }
0x4a: {  	_ =	swait.ge [sflag:s23], $0x3200  }
0x4b: {  	[sflag:s23] =	ssyncset.done $0x0  }
0x4c: {  	s29 =	simm.s32 $0x1C560;
	[sflag:s23] =	ssyncadd.s32 $0xFFFFCE00  }
0x4d: {  	[spmem:s2] =	stream.indirect.scatter.add.f32 [tilespmem:s19], [sflag:$0x3], $0x80, s29, s20, $0xb8;
	[tilespmem:$0x1EE00] =	vst v63  }
0x4e: {  	_ =	swait.ge [sflag:s17], $0x3200  }
0x4f: {  	[sflag:s17] =	ssyncset.done $0x0  }
0x50: {  	s29 =	simm.s32 $0x19D90;
	[sflag:s17] =	ssyncadd.s32 $0xFFFFCE00  }
0x51: {  	[tilespmem:s19], [sflag:$0x1] =	stream.indirect.gather [hbm4b:s4+s20], $0x80, s29, s20, $0xb8;
	[tilespmem:$0x1EE00] =	vst v63  }
0x52: {  	_ =	swait.ge [sflag:s24], $0x3200  }
0x53: {  	[sflag:s24] =	ssyncset.done $0x0  }
0x54: {  	s29 =	simm.s32 $0x1C5C8;
	[sflag:s24] =	ssyncadd.s32 $0xFFFFCE00  }
0x55: {  	[spmem:s2] =	stream.indirect.scatter.add.f32 [tilespmem:s22], [sflag:$0x3], $0x80, s29, s20, $0xb8;
	[tilespmem:$0x1EE00] =	vst v63  }
0x56: {  	_ =	swait.ge [sflag:s17], $0x3200  }
0x57: {  	[sflag:s17] =	ssyncset.done $0x0  }
0x58: {  	s30 =	simm.s32 $0x19DF8;
	s29 =	simm.s32 $0x340;
	[sflag:s17] =	ssyncadd.s32 $0xFFFFCE00  }
.LBB2_4:
0x59: {  	[tilespmem:s22], [sflag:$0x2] =	stream.indirect.gather [hbm4b:s4+s20], $0x80, s30, s20, $0xb8;
	[tilespmem:$0x1EE00] =	vst v63  }
0x5a: {  	s30 =	smov.u32 s29  }
0x5b: {  	p0 =	sne.s32 s29, $0x9C00;
	s29 =	sadd.s32 $0x340, s29;
	_ =	swait.ge [sflag:s23], $0x3200  }
0x5c: {  	s30 =	sshra.s32 s30, $0x2;
	[sflag:s23] =	ssyncset.done $0x0  }
0x5d: {  	s31 =	sadd.s32 $0x1C560, s30;
	[sflag:s23] =	ssyncadd.s32 $0xFFFFCE00  }
0x5e: {  	[spmem:s2] =	stream.indirect.scatter.add.f32 [tilespmem:s19], [sflag:$0x3], $0x80, s31, s20, $0xb8;
	[tilespmem:$0x1EE00] =	vst v63  }
0x5f: {  	_ =	swait.ge [sflag:s17], $0x3200  }
0x60: {  	[sflag:s17] =	ssyncset.done $0x0  }
0x61: {  	s31 =	sadd.s32 $0x19D90, s30;
	[sflag:s17] =	ssyncadd.s32 $0xFFFFCE00  }
0x62: {  	[tilespmem:s19], [sflag:$0x1] =	stream.indirect.gather [hbm4b:s4+s20], $0x80, s31, s20, $0xb8;
	[tilespmem:$0x1EE00] =	vst v63  }
0x63: {  	_ =	swait.ge [sflag:s24], $0x3200  }
0x64: {  	[sflag:s24] =	ssyncset.done $0x0  }
.Ltmp1:
0x65: {  	s31 =	sadd.s32 $0x1C5C8, s30;
	[sflag:s24] =	ssyncadd.s32 $0xFFFFCE00;
	(pc) =	sbr.rel @p0 .LBB2_4-.Ltmp1, $4  }
0x66: {  	[spmem:s2] =	stream.indirect.scatter.add.f32 [tilespmem:s22], [sflag:$0x3], $0x80, s31, s20, $0xb8;
	[tilespmem:$0x1EE00] =	vst v63  }
0x67: {  	_ =	swait.ge [sflag:s17], $0x3200  }
0x68: {  	[sflag:s17] =	ssyncset.done $0x0  }
0x69: {  	s30 =	sadd.s32 $0x19DF8, s30;
	[sflag:s17] =	ssyncadd.s32 $0xFFFFCE00  }
0x6a: {  	[tilespmem:s22], [sflag:$0x2] =	stream.indirect.gather [hbm4b:s4+s20], $0x80, s30, s20, $0xb8;
	[tilespmem:$0x1EE00] =	vst v63  }
0x6b: {  	_ =	swait.ge [sflag:s23], $0x3200  }
0x6c: {  	[sflag:s23] =	ssyncset.done $0x0  }
0x6d: {  	[sflag:s23] =	ssyncadd.s32 $0xFFFFCE00  }
0x6e: {  	[spmem:s2] =	stream.indirect.scatter.add.f32 [tilespmem:s19], [sflag:$0x3], $0x80, s25, s20, $0xb8;
	[tilespmem:$0x1EE00] =	vst v63  }
0x6f: {  	_ =	swait.ge [sflag:s17], $0x3200  }
0x70: {  	[sflag:s17] =	ssyncset.done $0x0  }
0x71: {  	[sflag:s17] =	ssyncadd.s32 $0xFFFFCE00  }
0x72: {  	_ =	swait.ge [sflag:s24], $0x3200  }
0x73: {  	[sflag:s24] =	ssyncset.done $0x0  }
0x74: {  	[sflag:s24] =	ssyncadd.s32 $0xFFFFCE00  }
0x75: {  	[spmem:s2] =	stream.indirect.scatter.add.f32 [tilespmem:s22], [sflag:$0x3], $0x80, s26, s20, $0xb8;
	[tilespmem:$0x1EE00] =	vst v63  }
0x76: {  	_ =	swait.ge [sflag:s17], $0x3200  }
0x77: {  	s29 =	sshll.u32 s0, $0x6;
	s28 =	sadd.s32 $0x1, s28;
	[sflag:s17] =	ssyncset.done $0x0  }
0x78: {  	s31 =	sshrl.u32 s7, $0x3;
	p0 =	sne.s32 s28, s15;
	[sflag:s17] =	ssyncadd.s32 $0xFFFFCE00  }
.Ltmp2:
0x79: {  	s29 =	sor.u32 $0x1C03, s29;
	[bflag:$0x0] =	sbarrier.arrive $0xFFFF;
	(pc) =	sbr.rel @p0 .LBB2_1-.Ltmp2, $4  }
0x7a: {  	[hbm:s14], [sflag:s29] =	dma.local [spmem:s31], $0x2710  }
0x7b: {  	_ =	swait.ge [sflag:s17], $0x2710  }
0x7c: {  	[sflag:s17] =	ssyncset.done $0x0  }
0x7d: {  	[sflag:s17] =	ssyncadd.s32 $0xFFFFD8F0  }
0x7e: {  	_ =	sfence.sel $0x180000  }
0x7f: {  	[bflag:$0x0] =	sbarrier.arrive $0xFFFF  }
0x80: {  	p0 =	sne.s32 s0, $0x0;
	_ =	strace $0x9000004A  }
0x81: {  	s0 =	sadd.s32 @!p0 $0x100000, s1;
	[bflag:$0x2] =	sbarrier.arrive $0xFFFF  }
0x82: {  	[sflag:s0] =	ssyncadd.tile.s32 @!p0 $0x1;
	_ =	shalt  }
.Lfunc_end2:
_tile_overlayer_lowered:
.L_overlay_start_2:
0x83: {  	(tag) =	ssettag $0x2  }
0x84: {  	s0 =	rddreg [dreg:$0x0];
	s2 =	stileid.u32  }
0x85: {  	s1 =	rddreg [dreg:$0x1];
	p0 =	sne.s32 s2, $0x0  }
0x86: {  	s3 =	rddreg [dreg:$0x2];
	[bflag:$0x3] =	sbarrier.arrive $0xFFFF;
	s2 =	simm.s32 @!p0 $0x1C03  }
0x87: {  	[timem:s3], [sflag:s2] =	dma.local @!p0 [hbm:s0], s1  }
0x88: {  	s0 =	simm.s32 @!p0 $0x3  }
0x89: {  	_ =	swait.ge @!p0 [sflag:s0], s1  }
0x8a: {  	s1 =	ssub.s32 @!p0 $0x0, s1;
	[sflag:s0] =	ssyncset.done @!p0 $0x0  }
0x8b: {  	[sflag:s0] =	ssyncadd.s32 @!p0 s1  }
0x8c: {  	[bflag:$0x3] =	sbarrier.arrive $0xFFFF  }
0x8d: {  	_ =	shalt  }

// kernel: kernel.14.cloned.1.call-start
scs
__scs_entry_jumppad:
0x0: {  	(pc) =	sbr.rel $0x88, $3  }
0x1: {  	(tag) =	ssettag $0x0;
	lr =	simm.s32 $0x1  }
0x2: {  	[smem:$0x3F9B] =	sst lr;
	_ =	strace $0xD0000000  }
0x3: {  	_ = 	snop  }
0x4: {  	_ = 	snop  }
0x5: {  	_ = 	snop  }
0x6: {  	_ = 	snop  }
0x7: {  	_ = 	snop  }
__scs_overlays_trampoline_lowered:
0x8: {  	[smem:$0x3FAA] =	sst s0  }
0x9: {  	[smem:$0x3FAB] =	sst s1  }
0xa: {  	[smem:$0x3FAC] =	sst s2  }
0xb: {  	[smem:$0x3FAD] =	sst s3  }
0xc: {  	[smem:$0x3FAE] =	sst s4  }
0xd: {  	[smem:$0x3FAF] =	sst s5  }
0xe: {  	[smem:$0x3FB0] =	sst s6  }
0xf: {  	[smem:$0x3FB1] =	sst s7  }
0x10: {  	[smem:$0x3FB2] =	sst s8  }
0x11: {  	[smem:$0x3FB3] =	sst s9;
	s0 =	simm.s32 @!p0 $0x0  }
0x12: {  	s1 =	sld [smem:$0x3F99];
	s0 =	simm.s32 @p0 $0x1  }
0x13: {  	[smem:$0x3FB4] =	sst s0;
	s0 =	simm.s32 @!p1 $0x0  }
0x14: {  	s2 =	sld [smem:$0x3F98];
	s0 =	simm.s32 @p1 $0x1  }
0x15: {  	[smem:$0x3FB5] =	sst s0;
	s0 =	simm.s32 @!p2 $0x0  }
0x16: {  	s3 =	sld [smem:$0x3FDB];
	s0 =	simm.s32 @p2 $0x1  }
0x17: {  	s4 =	simm.s32 $0x1BF5;
	[smem:$0x3FB7] =	sst s0  }
0x18: {  	s0 =	sld [smem:$0x3F9A];
	_ =	swait.ge [sflag:s4], $0x0  }
0x19: {  	s7 =	sld [smem:$0x3F9B]  }
0x1a: {  	s8 =	sadd.s32 $0xFFFFE003, lr  }
0x1b: {  	s9 =	sadd.s32 $0xFFFFFEF7, lr;
	s5 =	simm.s32 $0xFFFFFFFF;
	p2 =	slt.u32 s8, $0xFFFFF086  }
0x1c: {  	p1 =	slt.u32 s9, $0xF7A;
	s5 =	simm.s32 @!p2 $0x0  }
0x1d: {  	s5 =	simm.s32 @p1 $0x1;
	p0 =	seq.s32 s7, s2  }
0x1e: {  	s7 =	smul.u32 @!p0 $0xF7A, s2;
	p2 =	seq.s32 @!p0 s5, $0x0  }
0x1f: {  	s9 =	smul.u32 $0xF7A, s1;
	s8 =	simm.s32 @!p0 $0x1BF5;
	p2 =	por !p2, p0  }
0x20: {  	[sflag:s8] =	ssyncset.s32 @!p0 $0xFFFFF086;
	s6 =	sadd.s32 @!p0 s3, s7;
	s7 =	simm.s32 @!p0 $0x108  }
0x21: {  	s3 =	sadd.s32 s3, s9;
	s6 =	sadd.s32 @!p0 $0x88, s6;
	s7 =	simm.s32 @p2 $0x1082  }
0x22: {  	[simem:s7], [sflag:s8] =	dma.local @!p0 [hbm:s6], $0xF7A  }
0x23: {  	s9 =	sor.u32 $0xD0000000, s2;
	s6 =	simm.s32 $0x108;
	_ =	swait.ge @!p0 [sflag:s8], $0x0  }
0x24: {  	s3 =	sadd.s32 $0x88, s3;
	s6 =	simm.s32 @!p1 $0x1082;
	[sflag:s4] =	ssyncset.s32 $0xFFFFF086  }
0x25: {  	[simem:s6], [sflag:s4] =	dma.local [hbm:s3], $0xF7A  }
0x26: {  	[smem:$0x3F9B] =	sst s1;
	(tag) =	ssettag s2;
	_ =	strace s9  }
0x27: {  	s1 =	sld [smem:$0x3FAB]  }
0x28: {  	s2 =	sld [smem:$0x3FAC]  }
0x29: {  	s4 =	sld [smem:$0x3FAE]  }
0x2a: {  	p0 =	seq.s32 s5, $0x0;
	s5 =	sld [smem:$0x3FAF]  }
0x2b: {  	s6 =	sld [smem:$0x3FB0]  }
0x2c: {  	s7 =	sld [smem:$0x3FB1]  }
0x2d: {  	s3 =	simm.s32 $0x108;
	s8 =	sld [smem:$0x3FB2]  }
0x2e: {  	s3 =	simm.s32 @!p0 $0x1082;
	s9 =	sld [smem:$0x3FB3]  }
0x2f: {  	lr =	sadd.s32 s0, s3;
	s0 =	sld [smem:$0x3FAA]  }
0x30: {  	s3 =	sld [smem:$0x3FAD]  }
0x31: {  	[smem:$0x3FB6] =	sst s10  }
0x32: {  	s10 =	sld [smem:$0x3FB4];
	_ =	sdelay $0x3  }
0x33: {  	p0 =	seq.s32 s10, $0x1;
	s10 =	sld [smem:$0x3FB6];
	_ =	sdelay $0x3  }
0x34: {  	[smem:$0x3FB6] =	sst s10  }
0x35: {  	s10 =	sld [smem:$0x3FB5];
	_ =	sdelay $0x3  }
0x36: {  	p1 =	seq.s32 s10, $0x1;
	s10 =	sld [smem:$0x3FB6];
	_ =	sdelay $0x3  }
0x37: {  	[smem:$0x3FB6] =	sst s10  }
0x38: {  	s10 =	sld [smem:$0x3FB7]  }
0x39: {  	_ = 	snop;
	(pc) =	sbr.ind lr, $3  }
0x3a: {  	_ = 	snop  }
0x3b: {  	_ = 	snop  }
0x3c: {  	p2 =	seq.s32 s10, $0x1;
	s10 =	sld [smem:$0x3FB6]  }
0x3d: {  	_ =	shalt  }
0x3e: {  	_ =	shalt  }
0x3f: {  	_ =	shalt  }
0x40: {  	_ =	shalt  }
0x41: {  	_ =	shalt  }
0x42: {  	_ =	shalt  }
0x43: {  	_ =	shalt  }
0x44: {  	_ =	shalt  }
0x45: {  	_ =	shalt  }
0x46: {  	_ =	shalt  }
0x47: {  	_ =	shalt  }
0x48: {  	_ =	shalt  }
0x49: {  	_ =	shalt  }
0x4a: {  	_ =	shalt  }
0x4b: {  	_ =	shalt  }
0x4c: {  	_ =	shalt  }
0x4d: {  	_ =	shalt  }
0x4e: {  	_ =	shalt  }
0x4f: {  	_ =	shalt  }
0x50: {  	_ =	shalt  }
0x51: {  	_ =	shalt  }
0x52: {  	_ =	shalt  }
0x53: {  	_ =	shalt  }
0x54: {  	_ =	shalt  }
0x55: {  	_ =	shalt  }
0x56: {  	_ =	shalt  }
0x57: {  	_ =	shalt  }
0x58: {  	_ =	shalt  }
0x59: {  	_ =	shalt  }
0x5a: {  	_ =	shalt  }
0x5b: {  	_ =	shalt  }
0x5c: {  	_ =	shalt  }
0x5d: {  	_ =	shalt  }
0x5e: {  	_ =	shalt  }
0x5f: {  	_ =	shalt  }
0x60: {  	_ =	shalt  }
0x61: {  	_ =	shalt  }
0x62: {  	_ =	shalt  }
0x63: {  	_ =	shalt  }
0x64: {  	_ =	shalt  }
0x65: {  	_ =	shalt  }
0x66: {  	_ =	shalt  }
0x67: {  	_ =	shalt  }
0x68: {  	_ =	shalt  }
0x69: {  	_ =	shalt  }
0x6a: {  	_ =	shalt  }
0x6b: {  	_ =	shalt  }
0x6c: {  	_ =	shalt  }
0x6d: {  	_ =	shalt  }
0x6e: {  	_ =	shalt  }
0x6f: {  	_ =	shalt  }
0x70: {  	_ =	shalt  }
0x71: {  	_ =	shalt  }
0x72: {  	_ =	shalt  }
0x73: {  	_ =	shalt  }
0x74: {  	_ =	shalt  }
0x75: {  	_ =	shalt  }
0x76: {  	_ =	shalt  }
0x77: {  	_ =	shalt  }
0x78: {  	_ =	shalt  }
0x79: {  	_ =	shalt  }
0x7a: {  	_ =	shalt  }
0x7b: {  	_ =	shalt  }
0x7c: {  	_ =	shalt  }
0x7d: {  	_ =	shalt  }
0x7e: {  	_ =	shalt  }
0x7f: {  	_ =	shalt  }
0x80: {  	_ =	shalt  }
0x81: {  	_ =	shalt  }
0x82: {  	_ =	shalt  }
0x83: {  	_ =	shalt  }
0x84: {  	_ =	shalt  }
0x85: {  	_ =	shalt  }
0x86: {  	_ =	shalt  }
0x87: {  	_ =	shalt  }
.Lfunc_end0:
.L_simem_size_0:
called_computation.2_lowered:
.L_overlay_start_0:
0x88: {  	s2 =	sld [smem:$0x3FD9]  }
0x89: {  	s3 =	sld [smem:$0x3FFE];
	_ =	sdelay $0x1  }
0x8a: {  	s1 =	srdreg.scid  }
0x8b: {  	s0 =	sand.u32 $0x1, s1  }
0x8c: {  	s17 =	sshll.u32 s0, $0xA;
	s2 =	sadd.s32 s3, s2  }
0x8d: {  	s2 =	sadd.s32 s2, s17  }
0x8e: {  	[smem:$0x3FC2] =	sst s2  }
0x8f: {  	_ = 	snop  }
0x90: {  	s2 =	sld [smem:$0x3FD0];
	(tm) =	ssettm $0x1  }
0x91: {  	s18 =	sld [smem:$0x3FFB];
	_ =	sdelay $0x3  }
0x92: {  	_ =	strace s18  }
0x93: {  	s3 =	sld [smem:$0x3FFC];
	_ =	sdelay $0x3  }
0x94: {  	_ =	strace s3  }
0x95: {  	s3 =	sld [smem:$0x3FFD];
	_ =	sdelay $0x3  }
0x96: {  	_ =	strace s3  }
0x97: {  	_ =	strace $0x8FFFFFFF  }
0x98: {  	s19 =	sld [smem:$0x3FDB];
	_ =	sdelay $0x1  }
0x99: {  	s4 =	simm.s32 $_scs_section_size  }
0x9a: {  	s5 =	simm.s32 $_size__tile_overlayer_lowered;
	s6 =	simm.s32 $_tile_overlayer_lowered  }
0x9b: {  	s22 =	simm.s32 $0x1BFF;
	s21 =	sshll.u32 s6, $0x1;
	s3 =	sadd.s32 s4, s19  }
0x9c: {  	s7 =	simm.s32 $0x0;
	s20 =	sshll.u32 s5, $0x1;
	s5 =	sadd.s32 s21, s3  }
0x9d: {  	[timem:s7], [sflag:s22] =	dma.local [hbm:s5], s20  }
0x9e: {  	_ =	swait.ge [sflag:s22], s20  }
0x9f: {  	s4 =	ssub.s32 $0x0, s20;
	[sflag:s22] =	ssyncset.done $0x0  }
0xa0: {  	[sflag:s22] =	ssyncadd.s32 s4;
	_ =	sdelay $0x1  }
0xa1: {  	s23 =	simm.s32 $0x1B8B  }
0xa2: {  	_ =	swait.ge [sflag:s23], $0x1  }
0xa3: {  	[sflag:s23] =	ssyncset.done $0x0  }
0xa4: {  	s25 =	simm.s32 $0x1B8E;
	s24 =	sld [smem:$0x3FFE];
	[sflag:s23] =	ssyncadd.s32 $0xFFFFFFFF  }
0xa5: {  	s26 =	simm.s32 $execute0_lowered;
	[smem:$0x3FD2] =	sst s25  }
0xa6: {  	s5 =	sshll.u32 s26, $0x1;
	_ =	strace $0x8000004C;
	[dreg:$0x1] =	wrdreg $0xFFFFFFFF  }
0xa7: {  	s28 =	simm.s32 $_size_execute0_lowered;
	s3 =	sadd.s32 s3, s5;
	[dreg:$0x0] =	wrdreg $0x0  }
0xa8: {  	s5 =	sshll.u32 s28, $0x1;
	[dreg:$0x2] =	wrdreg s3  }
0xa9: {  	[dreg:$0x3] =	wrdreg s5  }
0xaa: {  	[dreg:$0x4] =	wrdreg $0xC0  }
0xab: {  	_ =	task [dreg:s7], $0x5FFFF  }
0xac: {  	[dreg:$0x1] =	wrdreg $0xFFFFFFFF  }
0xad: {  	[dreg:$0x0] =	wrdreg $0x60  }
0xae: {  	[dreg:$0x2] =	wrdreg s2  }
0xaf: {  	[dreg:$0x3] =	wrdreg s24  }
0xb0: {  	[dreg:$0x4] =	wrdreg $0x0  }
0xb1: {  	[dreg:$0x5] =	wrdreg $0x9  }
0xb2: {  	_ =	task.clear_ibuf [dreg:s7], $0x6FFFF;
	_ =	strace $0x9000004C  }
0xb3: {  	s29 =	simm.s32 $0x9;
	_ =	strace $0x8000004E  }
0xb4: {  	_ =	swait.ge [sflag:s29], $0x1  }
0xb5: {  	[sflag:s29] =	ssyncadd.s32 $0xFFFFFFFF  }
0xb6: {  	_ =	strace $0x9000004E  }
0xb7: {  	_ =	sfence  }
0xb8: {  	s30 =	sld [smem:$0x0];
	_ =	sdelay $0x2  }
0xb9: {  	s31 =	sshll.u32 s1, $0xD;
	s1 =	sshrl.u32 s1, $0x2  }
0xba: {  	s3 =	sand.u32 $0x4000, s31;
	s1 =	sadd.s32 s1, s30  }
0xbb: {  	s0 =	sor.u32 s3, s0;
	s1 =	sshll.u32 s1, $0x11  }
0xbc: {  	s0 =	sor.u32 s1, s0  }
0xbd: {  	s0 =	sadd.s32 $0x8F2B, s0  }
0xbe: {  	[sflag:s0] =	ssyncadd.remote.s32 $0x1  }
0xbf: {  	_ =	sfence.sel $0xFFFF  }
0xc0: {  	[dreg:$0x0] =	wrdreg $0xFFFFFFFF;
	(pc) =	sbr.abs _section_cstart, $3  }
0xc1: {  	[dreg:$0x1] =	wrdreg $0xFFFFFFFF  }
0xc2: {  	_ =	task.clear_ibuf [dreg:s7], $0x2FFFF;
	_ =	strace $0x9FFFFFFF  }
0xc3: {  	(tm) =	ssettm $0x7FFFFFFF  }
tec
execute0_lowered:
.L_overlay_start_1:
0x0: {  	(tag) =	ssettag $0x1  }
0x1: {  	s1 =	rddreg [dreg:$0x0]  }
0x2: {  	s6 =	rddreg [dreg:$0x1]  }
0x3: {  	s0 =	srdreg.scid;
	s3 =	rddreg [dreg:$0x2]  }
0x4: {  	s4 =	simm.s32 $0x0;
	s16 =	simm.s32 $0xCE60;
	s17 =	simm.s32 $0x3  }
0x5: {  	s18 =	simm.s32 $0xF700;
	s19 =	simm.s32 $0x9C60;
	s20 =	simm.s32 $0x64  }
0x6: {  	s21 =	simm.s32 $0xCEC8;
	s22 =	simm.s32 $0xB560;
	s23 =	simm.s32 $0x1  }
0x7: {  	s24 =	simm.s32 $0x2;
	s5 =	sand.u32 $0x1, s0;
	s0 =	stileid.u32  }
0x8: {  	s25 =	simm.s32 $0x11ED0;
	s26 =	simm.s32 $0x11F38;
	s8 =	smul.u32 $0x9C40, s0  }
0x9: {  	s28 =	simm.s32 $0x0;
	s2 =	sshll.u32 s5, $0x4;
	s9 =	smul.u32 $0x9C400, s5  }
0xa: {  	s5 =	ssub.s32 $0x2, s5;
	s10 =	smul.u32 $0x27100, s0;
	s2 =	sor.u32 s0, s2  }
0xb: {  	[smem:$0x7FF] =	sst s4;
	s11 =	sshrl.u32 s5, $0x1;
	s7 =	smul.u32 $0x28A0, s2  }
0xc: {  	s2 =	rddreg [dreg:$0x3];
	_ =	strace $0x8000004D;
	s9 =	sadd.s32 s8, s9  }
0xd: {  	s15 =	ssub.s32 s5, s11;
	s31 =	sshrl.u32 s10, $0x2;
	s9 =	sshrl.u32 s9, $0x3  }
0xe: {  	s13 =	sadd.s32 s31, s3;
	s15 =	smax.u32 s15, $0x1;
	s7 =	sshrl.u32 s7, $0x3  }
0xf: {  	s14 =	sadd.s32 s9, s6;
	s9 =	sadd.s32 $0x3200, s13;
	s10 =	sadd.s32 $0x4B00, s13  }
0x10: {  	s11 =	sadd.s32 $0x6400, s13;
	s12 =	sadd.s32 $0x7D00, s13;
	s7 =	sadd.s32 s7, s6  }
0x11: {  	s14 =	sadd.s32 $0x20C00, s14;
	s5 =	sadd.s32 $0xC600, s7;
	s6 =	sadd.s32 $0x16880, s7  }
0x12: {  	v0 =	vimm.f32 $0.0e+00;
	s7 =	sadd.s32 s8, s3;
	s8 =	sadd.s32 $0x1900, s13;
	s13 =	sadd.s32 $0x9600, s13  }
.LBB2_1:
0x13: {  	[tilespmem:s16], [sflag:$0x3] =	stream.linear.gather [hbm4b:s5+s4], $0x28A0, $0x38;
	[tilespmem:$0x11FA0] =	vst v63  }
0x14: {  	_ =	swait.ge [sflag:s17], $0x28A0  }
0x15: {  	[sflag:s17] =	ssyncset.done $0x0  }
0x16: {  	[sflag:s17] =	ssyncadd.s32 $0xFFFFD760  }
0x17: {  	[tilespmem:s18], [sflag:$0x3] =	stream.linear.gather [hbm4b:s6+s4], $0x28A0, $0x38;
	[tilespmem:$0x11FA0] =	vst v63  }
0x18: {  	_ =	swait.ge [sflag:s17], $0x28A0  }
0x19: {  	[sflag:s17] =	ssyncset.done $0x0  }
0x1a: {  	s30 =	simm.s32 $0x100;
	s29 =	simm.s32 $0x0;
	[sflag:s17] =	ssyncadd.s32 $0xFFFFD760  }
.LBB2_2:
0x1b: {  	p0 =	sne.s32 s30, $0x6300;
	[tilespmem:s29+$0x9C90] =	vst v0;
	s31 =	smov.u32 s30;
	s30 =	sadd.s32 $0x100, s30  }
.Ltmp0:
0x1c: {  	[tilespmem:s29+$0x9C80] =	vst v0;
	(pc) =	sbr.rel @p0 .LBB2_2-.Ltmp0, $3  }
0x1d: {  	[tilespmem:s29+$0x9C60] =	vst v0  }
0x1e: {  	[tilespmem:s29+$0x9C70] =	vst v0;
	_ =	sdelay $0x1  }
0x1f: {  	s29 =	sshra.s32 s31, $0x2  }
0x20: {  	[tilespmem:s29+$0x9C90] =	vst v0  }
0x21: {  	[tilespmem:s29+$0x9C80] =	vst v0  }
0x22: {  	[tilespmem:s29+$0x9C60] =	vst v0  }
0x23: {  	[tilespmem:s29+$0x9C70] =	vst v0  }
0x24: {  	[spmem:s7] =	stream.linear.scatter [tilespmem:s19], [sflag:$0x3], $0x1900, $0x38;
	[tilespmem:$0x11FA0] =	vst v63  }
0x25: {  	_ =	swait.ge [sflag:s17], $0x1900  }
0x26: {  	[sflag:s17] =	ssyncset.done $0x0  }
0x27: {  	[sflag:s17] =	ssyncadd.s32 $0xFFFFE700  }
0x28: {  	[spmem:s8] =	stream.linear.scatter [tilespmem:s19], [sflag:$0x3], $0x1900, $0x38;
	[tilespmem:$0x11FA0] =	vst v63  }
0x29: {  	_ =	swait.ge [sflag:s17], $0x1900  }
0x2a: {  	[sflag:s17] =	ssyncset.done $0x0  }
0x2b: {  	[sflag:s17] =	ssyncadd.s32 $0xFFFFE700  }
0x2c: {  	[spmem:s9] =	stream.linear.scatter [tilespmem:s19], [sflag:$0x3], $0x1900, $0x38;
	[tilespmem:$0x11FA0] =	vst v63  }
0x2d: {  	_ =	swait.ge [sflag:s17], $0x1900  }
0x2e: {  	[sflag:s17] =	ssyncset.done $0x0  }
0x2f: {  	[sflag:s17] =	ssyncadd.s32 $0xFFFFE700  }
0x30: {  	[spmem:s10] =	stream.linear.scatter [tilespmem:s19], [sflag:$0x3], $0x1900, $0x38;
	[tilespmem:$0x11FA0] =	vst v63  }
0x31: {  	_ =	swait.ge [sflag:s17], $0x1900  }
0x32: {  	[sflag:s17] =	ssyncset.done $0x0  }
0x33: {  	[sflag:s17] =	ssyncadd.s32 $0xFFFFE700  }
0x34: {  	[spmem:s11] =	stream.linear.scatter [tilespmem:s19], [sflag:$0x3], $0x1900, $0x38;
	[tilespmem:$0x11FA0] =	vst v63  }
0x35: {  	_ =	swait.ge [sflag:s17], $0x1900  }
0x36: {  	[sflag:s17] =	ssyncset.done $0x0  }
0x37: {  	[sflag:s17] =	ssyncadd.s32 $0xFFFFE700  }
0x38: {  	[spmem:s12] =	stream.linear.scatter [tilespmem:s19], [sflag:$0x3], $0x1900, $0x38;
	[tilespmem:$0x11FA0] =	vst v63  }
0x39: {  	_ =	swait.ge [sflag:s17], $0x1900  }
0x3a: {  	[sflag:s17] =	ssyncset.done $0x0  }
0x3b: {  	[sflag:s17] =	ssyncadd.s32 $0xFFFFE700  }
0x3c: {  	[spmem:s13] =	stream.linear.scatter [tilespmem:s19], [sflag:$0x3], $0x640, $0x38;
	[tilespmem:$0x11FA0] =	vst v63  }
0x3d: {  	_ =	swait.ge [sflag:s17], $0x640  }
0x3e: {  	[sflag:s17] =	ssyncset.done $0x0  }
0x3f: {  	[sflag:s17] =	ssyncadd.s32 $0xFFFFF9C0  }
0x40: {  	[bflag:$0x0] =	sbarrier.arrive $0xFFFF  }
0x41: {  	[tilespmem:s19], [sflag:$0x1] =	stream.indirect.gather [hbm4b:s1+s20], $0x40, s16, s20, $0xb8;
	[tilespmem:$0x11FA0] =	vst v63  }
0x42: {  	_ = 	snop  }
0x43: {  	[tilespmem:s22], [sflag:$0x2] =	stream.indirect.gather [hbm4b:s1+s20], $0x40, s21, s20, $0xb8;
	[tilespmem:$0x11FA0] =	vst v63  }
0x44: {  	_ =	swait.ge [sflag:s23], $0x1900  }
0x45: {  	[sflag:s23] =	ssyncset.done $0x0  }
0x46: {  	s29 =	simm.s32 $0xF700;
	[sflag:s23] =	ssyncadd.s32 $0xFFFFE700  }
0x47: {  	[spmem:s3] =	stream.indirect.scatter.add.f32 [tilespmem:s19], [sflag:$0x3], $0x40, s29, s20, $0xb8;
	[tilespmem:$0x11FA0] =	vst v63  }
0x48: {  	_ =	swait.ge [sflag:s17], $0x1900  }
0x49: {  	[sflag:s17] =	ssyncset.done $0x0  }
0x4a: {  	s29 =	simm.s32 $0xCF30;
	[sflag:s17] =	ssyncadd.s32 $0xFFFFE700  }
0x4b: {  	[tilespmem:s19], [sflag:$0x1] =	stream.indirect.gather [hbm4b:s1+s20], $0x40, s29, s20, $0xb8;
	[tilespmem:$0x11FA0] =	vst v63  }
0x4c: {  	_ =	swait.ge [sflag:s24], $0x1900  }
0x4d: {  	[sflag:s24] =	ssyncset.done $0x0  }
0x4e: {  	s29 =	simm.s32 $0xF768;
	[sflag:s24] =	ssyncadd.s32 $0xFFFFE700  }
0x4f: {  	[spmem:s3] =	stream.indirect.scatter.add.f32 [tilespmem:s22], [sflag:$0x3], $0x40, s29, s20, $0xb8;
	[tilespmem:$0x11FA0] =	vst v63  }
0x50: {  	_ =	swait.ge [sflag:s17], $0x1900  }
0x51: {  	[sflag:s17] =	ssyncset.done $0x0  }
0x52: {  	s30 =	simm.s32 $0xCF98;
	s29 =	simm.s32 $0x340;
	[sflag:s17] =	ssyncadd.s32 $0xFFFFE700  }
.LBB2_4:
0x53: {  	[tilespmem:s22], [sflag:$0x2] =	stream.indirect.gather [hbm4b:s1+s20], $0x40, s30, s20, $0xb8;
	[tilespmem:$0x11FA0] =	vst v63  }
0x54: {  	s30 =	smov.u32 s29  }
0x55: {  	p0 =	sne.s32 s29, $0x9C00;
	s29 =	sadd.s32 $0x340, s29;
	_ =	swait.ge [sflag:s23], $0x1900  }
0x56: {  	s30 =	sshra.s32 s30, $0x2;
	[sflag:s23] =	ssyncset.done $0x0  }
0x57: {  	s31 =	sadd.s32 $0xF700, s30;
	[sflag:s23] =	ssyncadd.s32 $0xFFFFE700  }
0x58: {  	[spmem:s3] =	stream.indirect.scatter.add.f32 [tilespmem:s19], [sflag:$0x3], $0x40, s31, s20, $0xb8;
	[tilespmem:$0x11FA0] =	vst v63  }
0x59: {  	_ =	swait.ge [sflag:s17], $0x1900  }
0x5a: {  	[sflag:s17] =	ssyncset.done $0x0  }
0x5b: {  	s31 =	sadd.s32 $0xCF30, s30;
	[sflag:s17] =	ssyncadd.s32 $0xFFFFE700  }
0x5c: {  	[tilespmem:s19], [sflag:$0x1] =	stream.indirect.gather [hbm4b:s1+s20], $0x40, s31, s20, $0xb8;
	[tilespmem:$0x11FA0] =	vst v63  }
0x5d: {  	_ =	swait.ge [sflag:s24], $0x1900  }
0x5e: {  	[sflag:s24] =	ssyncset.done $0x0  }
.Ltmp1:
0x5f: {  	s31 =	sadd.s32 $0xF768, s30;
	[sflag:s24] =	ssyncadd.s32 $0xFFFFE700;
	(pc) =	sbr.rel @p0 .LBB2_4-.Ltmp1, $4  }
0x60: {  	[spmem:s3] =	stream.indirect.scatter.add.f32 [tilespmem:s22], [sflag:$0x3], $0x40, s31, s20, $0xb8;
	[tilespmem:$0x11FA0] =	vst v63  }
0x61: {  	_ =	swait.ge [sflag:s17], $0x1900  }
0x62: {  	[sflag:s17] =	ssyncset.done $0x0  }
0x63: {  	s30 =	sadd.s32 $0xCF98, s30;
	[sflag:s17] =	ssyncadd.s32 $0xFFFFE700  }
0x64: {  	[tilespmem:s22], [sflag:$0x2] =	stream.indirect.gather [hbm4b:s1+s20], $0x40, s30, s20, $0xb8;
	[tilespmem:$0x11FA0] =	vst v63  }
0x65: {  	_ =	swait.ge [sflag:s23], $0x1900  }
0x66: {  	[sflag:s23] =	ssyncset.done $0x0  }
0x67: {  	[sflag:s23] =	ssyncadd.s32 $0xFFFFE700  }
0x68: {  	[spmem:s3] =	stream.indirect.scatter.add.f32 [tilespmem:s19], [sflag:$0x3], $0x40, s25, s20, $0xb8;
	[tilespmem:$0x11FA0] =	vst v63  }
0x69: {  	_ =	swait.ge [sflag:s17], $0x1900  }
0x6a: {  	[sflag:s17] =	ssyncset.done $0x0  }
0x6b: {  	[sflag:s17] =	ssyncadd.s32 $0xFFFFE700  }
0x6c: {  	_ =	swait.ge [sflag:s24], $0x1900  }
0x6d: {  	[sflag:s24] =	ssyncset.done $0x0  }
0x6e: {  	[sflag:s24] =	ssyncadd.s32 $0xFFFFE700  }
0x6f: {  	[spmem:s3] =	stream.indirect.scatter.add.f32 [tilespmem:s22], [sflag:$0x3], $0x40, s26, s20, $0xb8;
	[tilespmem:$0x11FA0] =	vst v63  }
0x70: {  	_ =	swait.ge [sflag:s17], $0x1900  }
0x71: {  	s29 =	sshll.u32 s0, $0x6;
	s28 =	sadd.s32 $0x1, s28;
	[sflag:s17] =	ssyncset.done $0x0  }
0x72: {  	s31 =	sshrl.u32 s7, $0x3;
	p0 =	sne.s32 s28, s15;
	[sflag:s17] =	ssyncadd.s32 $0xFFFFE700  }
.Ltmp2:
0x73: {  	s29 =	sor.u32 $0x1C03, s29;
	[bflag:$0x0] =	sbarrier.arrive $0xFFFF;
	(pc) =	sbr.rel @p0 .LBB2_1-.Ltmp2, $4  }
0x74: {  	[hbm:s14], [sflag:s29] =	dma.local [spmem:s31], $0x1388  }
0x75: {  	_ =	swait.ge [sflag:s17], $0x1388  }
0x76: {  	[sflag:s17] =	ssyncset.done $0x0  }
0x77: {  	[sflag:s17] =	ssyncadd.s32 $0xFFFFEC78  }
0x78: {  	_ =	sfence.sel $0x180000  }
0x79: {  	[bflag:$0x0] =	sbarrier.arrive $0xFFFF  }
0x7a: {  	p0 =	sne.s32 s0, $0x0;
	_ =	strace $0x9000004D  }
0x7b: {  	s0 =	sadd.s32 @!p0 $0x100000, s2;
	[bflag:$0x2] =	sbarrier.arrive $0xFFFF  }
0x7c: {  	[sflag:s0] =	ssyncadd.tile.s32 @!p0 $0x1;
	_ =	shalt  }
.Lfunc_end2:
_tile_overlayer_lowered:
.L_overlay_start_2:
0x7d: {  	(tag) =	ssettag $0x2  }
0x7e: {  	s0 =	rddreg [dreg:$0x0];
	s2 =	stileid.u32  }
0x7f: {  	s1 =	rddreg [dreg:$0x1];
	p0 =	sne.s32 s2, $0x0  }
0x80: {  	s3 =	rddreg [dreg:$0x2];
	[bflag:$0x3] =	sbarrier.arrive $0xFFFF;
	s2 =	simm.s32 @!p0 $0x1C03  }
0x81: {  	[timem:s3], [sflag:s2] =	dma.local @!p0 [hbm:s0], s1  }
0x82: {  	s0 =	simm.s32 @!p0 $0x3  }
0x83: {  	_ =	swait.ge @!p0 [sflag:s0], s1  }
0x84: {  	s1 =	ssub.s32 @!p0 $0x0, s1;
	[sflag:s0] =	ssyncset.done @!p0 $0x0  }
0x85: {  	[sflag:s0] =	ssyncadd.s32 @!p0 s1  }
0x86: {  	[bflag:$0x3] =	sbarrier.arrive $0xFFFF  }
0x87: {  	_ =	shalt  }

// kernel: kernel.8.cloned.1.call-start
scs
__scs_entry_jumppad:
0x0: {  	(pc) =	sbr.rel $0x88, $3  }
0x1: {  	(tag) =	ssettag $0x0;
	lr =	simm.s32 $0x1  }
0x2: {  	[smem:$0x3F9B] =	sst lr;
	_ =	strace $0xD0000000  }
0x3: {  	_ = 	snop  }
0x4: {  	_ = 	snop  }
0x5: {  	_ = 	snop  }
0x6: {  	_ = 	snop  }
0x7: {  	_ = 	snop  }
__scs_overlays_trampoline_lowered:
0x8: {  	[smem:$0x3FAA] =	sst s0  }
0x9: {  	[smem:$0x3FAB] =	sst s1  }
0xa: {  	[smem:$0x3FAC] =	sst s2  }
0xb: {  	[smem:$0x3FAD] =	sst s3  }
0xc: {  	[smem:$0x3FAE] =	sst s4  }
0xd: {  	[smem:$0x3FAF] =	sst s5  }
0xe: {  	[smem:$0x3FB0] =	sst s6  }
0xf: {  	[smem:$0x3FB1] =	sst s7  }
0x10: {  	[smem:$0x3FB2] =	sst s8  }
0x11: {  	[smem:$0x3FB3] =	sst s9;
	s0 =	simm.s32 @!p0 $0x0  }
0x12: {  	s1 =	sld [smem:$0x3F99];
	s0 =	simm.s32 @p0 $0x1  }
0x13: {  	[smem:$0x3FB4] =	sst s0;
	s0 =	simm.s32 @!p1 $0x0  }
0x14: {  	s2 =	sld [smem:$0x3F98];
	s0 =	simm.s32 @p1 $0x1  }
0x15: {  	[smem:$0x3FB5] =	sst s0;
	s0 =	simm.s32 @!p2 $0x0  }
0x16: {  	s3 =	sld [smem:$0x3FDB];
	s0 =	simm.s32 @p2 $0x1  }
0x17: {  	s4 =	simm.s32 $0x1BF5;
	[smem:$0x3FB7] =	sst s0  }
0x18: {  	s0 =	sld [smem:$0x3F9A];
	_ =	swait.ge [sflag:s4], $0x0  }
0x19: {  	s7 =	sld [smem:$0x3F9B]  }
0x1a: {  	s8 =	sadd.s32 $0xFFFFE003, lr  }
0x1b: {  	s9 =	sadd.s32 $0xFFFFFEF7, lr;
	s5 =	simm.s32 $0xFFFFFFFF;
	p2 =	slt.u32 s8, $0xFFFFF086  }
0x1c: {  	p1 =	slt.u32 s9, $0xF7A;
	s5 =	simm.s32 @!p2 $0x0  }
0x1d: {  	s5 =	simm.s32 @p1 $0x1;
	p0 =	seq.s32 s7, s2  }
0x1e: {  	s7 =	smul.u32 @!p0 $0xF7A, s2;
	p2 =	seq.s32 @!p0 s5, $0x0  }
0x1f: {  	s9 =	smul.u32 $0xF7A, s1;
	s8 =	simm.s32 @!p0 $0x1BF5;
	p2 =	por !p2, p0  }
0x20: {  	[sflag:s8] =	ssyncset.s32 @!p0 $0xFFFFF086;
	s6 =	sadd.s32 @!p0 s3, s7;
	s7 =	simm.s32 @!p0 $0x108  }
0x21: {  	s3 =	sadd.s32 s3, s9;
	s6 =	sadd.s32 @!p0 $0x88, s6;
	s7 =	simm.s32 @p2 $0x1082  }
0x22: {  	[simem:s7], [sflag:s8] =	dma.local @!p0 [hbm:s6], $0xF7A  }
0x23: {  	s9 =	sor.u32 $0xD0000000, s2;
	s6 =	simm.s32 $0x108;
	_ =	swait.ge @!p0 [sflag:s8], $0x0  }
0x24: {  	s3 =	sadd.s32 $0x88, s3;
	s6 =	simm.s32 @!p1 $0x1082;
	[sflag:s4] =	ssyncset.s32 $0xFFFFF086  }
0x25: {  	[simem:s6], [sflag:s4] =	dma.local [hbm:s3], $0xF7A  }
0x26: {  	[smem:$0x3F9B] =	sst s1;
	(tag) =	ssettag s2;
	_ =	strace s9  }
0x27: {  	s1 =	sld [smem:$0x3FAB]  }
0x28: {  	s2 =	sld [smem:$0x3FAC]  }
0x29: {  	s4 =	sld [smem:$0x3FAE]  }
0x2a: {  	p0 =	seq.s32 s5, $0x0;
	s5 =	sld [smem:$0x3FAF]  }
0x2b: {  	s6 =	sld [smem:$0x3FB0]  }
0x2c: {  	s7 =	sld [smem:$0x3FB1]  }
0x2d: {  	s3 =	simm.s32 $0x108;
	s8 =	sld [smem:$0x3FB2]  }
0x2e: {  	s3 =	simm.s32 @!p0 $0x1082;
	s9 =	sld [smem:$0x3FB3]  }
0x2f: {  	lr =	sadd.s32 s0, s3;
	s0 =	sld [smem:$0x3FAA]  }
0x30: {  	s3 =	sld [smem:$0x3FAD]  }
0x31: {  	[smem:$0x3FB6] =	sst s10  }
0x32: {  	s10 =	sld [smem:$0x3FB4];
	_ =	sdelay $0x3  }
0x33: {  	p0 =	seq.s32 s10, $0x1;
	s10 =	sld [smem:$0x3FB6];
	_ =	sdelay $0x3  }
0x34: {  	[smem:$0x3FB6] =	sst s10  }
0x35: {  	s10 =	sld [smem:$0x3FB5];
	_ =	sdelay $0x3  }
0x36: {  	p1 =	seq.s32 s10, $0x1;
	s10 =	sld [smem:$0x3FB6];
	_ =	sdelay $0x3  }
0x37: {  	[smem:$0x3FB6] =	sst s10  }
0x38: {  	s10 =	sld [smem:$0x3FB7]  }
0x39: {  	_ = 	snop;
	(pc) =	sbr.ind lr, $3  }
0x3a: {  	_ = 	snop  }
0x3b: {  	_ = 	snop  }
0x3c: {  	p2 =	seq.s32 s10, $0x1;
	s10 =	sld [smem:$0x3FB6]  }
0x3d: {  	_ =	shalt  }
0x3e: {  	_ =	shalt  }
0x3f: {  	_ =	shalt  }
0x40: {  	_ =	shalt  }
0x41: {  	_ =	shalt  }
0x42: {  	_ =	shalt  }
0x43: {  	_ =	shalt  }
0x44: {  	_ =	shalt  }
0x45: {  	_ =	shalt  }
0x46: {  	_ =	shalt  }
0x47: {  	_ =	shalt  }
0x48: {  	_ =	shalt  }
0x49: {  	_ =	shalt  }
0x4a: {  	_ =	shalt  }
0x4b: {  	_ =	shalt  }
0x4c: {  	_ =	shalt  }
0x4d: {  	_ =	shalt  }
0x4e: {  	_ =	shalt  }
0x4f: {  	_ =	shalt  }
0x50: {  	_ =	shalt  }
0x51: {  	_ =	shalt  }
0x52: {  	_ =	shalt  }
0x53: {  	_ =	shalt  }
0x54: {  	_ =	shalt  }
0x55: {  	_ =	shalt  }
0x56: {  	_ =	shalt  }
0x57: {  	_ =	shalt  }
0x58: {  	_ =	shalt  }
0x59: {  	_ =	shalt  }
0x5a: {  	_ =	shalt  }
0x5b: {  	_ =	shalt  }
0x5c: {  	_ =	shalt  }
0x5d: {  	_ =	shalt  }
0x5e: {  	_ =	shalt  }
0x5f: {  	_ =	shalt  }
0x60: {  	_ =	shalt  }
0x61: {  	_ =	shalt  }
0x62: {  	_ =	shalt  }
0x63: {  	_ =	shalt  }
0x64: {  	_ =	shalt  }
0x65: {  	_ =	shalt  }
0x66: {  	_ =	shalt  }
0x67: {  	_ =	shalt  }
0x68: {  	_ =	shalt  }
0x69: {  	_ =	shalt  }
0x6a: {  	_ =	shalt  }
0x6b: {  	_ =	shalt  }
0x6c: {  	_ =	shalt  }
0x6d: {  	_ =	shalt  }
0x6e: {  	_ =	shalt  }
0x6f: {  	_ =	shalt  }
0x70: {  	_ =	shalt  }
0x71: {  	_ =	shalt  }
0x72: {  	_ =	shalt  }
0x73: {  	_ =	shalt  }
0x74: {  	_ =	shalt  }
0x75: {  	_ =	shalt  }
0x76: {  	_ =	shalt  }
0x77: {  	_ =	shalt  }
0x78: {  	_ =	shalt  }
0x79: {  	_ =	shalt  }
0x7a: {  	_ =	shalt  }
0x7b: {  	_ =	shalt  }
0x7c: {  	_ =	shalt  }
0x7d: {  	_ =	shalt  }
0x7e: {  	_ =	shalt  }
0x7f: {  	_ =	shalt  }
0x80: {  	_ =	shalt  }
0x81: {  	_ =	shalt  }
0x82: {  	_ =	shalt  }
0x83: {  	_ =	shalt  }
0x84: {  	_ =	shalt  }
0x85: {  	_ =	shalt  }
0x86: {  	_ =	shalt  }
0x87: {  	_ =	shalt  }
.Lfunc_end0:
.L_simem_size_0:
called_computation_lowered:
.L_overlay_start_0:
0x88: {  	s2 =	sld [smem:$0x3FD9]  }
0x89: {  	s3 =	sld [smem:$0x3FFE];
	_ =	sdelay $0x1  }
0x8a: {  	s1 =	srdreg.scid  }
0x8b: {  	s0 =	sand.u32 $0x1, s1  }
0x8c: {  	s17 =	sshll.u32 s0, $0xA;
	s2 =	sadd.s32 s3, s2  }
0x8d: {  	s2 =	sadd.s32 s2, s17  }
0x8e: {  	[smem:$0x3FC2] =	sst s2  }
0x8f: {  	_ = 	snop  }
0x90: {  	s2 =	sld [smem:$0x3FD0];
	(tm) =	ssettm $0x1  }
0x91: {  	s18 =	sld [smem:$0x3FFB];
	_ =	sdelay $0x3  }
0x92: {  	_ =	strace s18  }
0x93: {  	s3 =	sld [smem:$0x3FFC];
	_ =	sdelay $0x3  }
0x94: {  	_ =	strace s3  }
0x95: {  	s3 =	sld [smem:$0x3FFD];
	_ =	sdelay $0x3  }
0x96: {  	_ =	strace s3  }
0x97: {  	_ =	strace $0x8FFFFFFF  }
0x98: {  	s19 =	sld [smem:$0x3FDB];
	_ =	sdelay $0x1  }
0x99: {  	s4 =	simm.s32 $_scs_section_size  }
0x9a: {  	s5 =	simm.s32 $_size__tile_overlayer_lowered;
	s6 =	simm.s32 $_tile_overlayer_lowered  }
0x9b: {  	s22 =	simm.s32 $0x1BFF;
	s21 =	sshll.u32 s6, $0x1;
	s3 =	sadd.s32 s4, s19  }
0x9c: {  	s7 =	simm.s32 $0x0;
	s20 =	sshll.u32 s5, $0x1;
	s5 =	sadd.s32 s21, s3  }
0x9d: {  	[timem:s7], [sflag:s22] =	dma.local [hbm:s5], s20  }
0x9e: {  	_ =	swait.ge [sflag:s22], s20  }
0x9f: {  	s4 =	ssub.s32 $0x0, s20;
	[sflag:s22] =	ssyncset.done $0x0  }
0xa0: {  	[sflag:s22] =	ssyncadd.s32 s4;
	_ =	sdelay $0x1  }
0xa1: {  	s23 =	simm.s32 $0x1B8B  }
0xa2: {  	_ =	swait.ge [sflag:s23], $0x1  }
0xa3: {  	[sflag:s23] =	ssyncset.done $0x0  }
0xa4: {  	s25 =	simm.s32 $0x1B8E;
	s24 =	sld [smem:$0x3FFE];
	[sflag:s23] =	ssyncadd.s32 $0xFFFFFFFF  }
0xa5: {  	s26 =	simm.s32 $execute0_lowered;
	[smem:$0x3FD2] =	sst s25  }
0xa6: {  	s5 =	sshll.u32 s26, $0x1;
	_ =	strace $0x80000046;
	[dreg:$0x1] =	wrdreg $0xFFFFFFFF  }
0xa7: {  	s28 =	simm.s32 $_size_execute0_lowered;
	s3 =	sadd.s32 s3, s5;
	[dreg:$0x0] =	wrdreg $0x0  }
0xa8: {  	s5 =	sshll.u32 s28, $0x1;
	[dreg:$0x2] =	wrdreg s3  }
0xa9: {  	[dreg:$0x3] =	wrdreg s5  }
0xaa: {  	[dreg:$0x4] =	wrdreg $0xC0  }
0xab: {  	_ =	task [dreg:s7], $0x5FFFF  }
0xac: {  	[dreg:$0x1] =	wrdreg $0xFFFFFFFF  }
0xad: {  	[dreg:$0x0] =	wrdreg $0x60  }
0xae: {  	[dreg:$0x2] =	wrdreg s2  }
0xaf: {  	[dreg:$0x3] =	wrdreg s24  }
0xb0: {  	[dreg:$0x4] =	wrdreg $0x9  }
0xb1: {  	_ =	task.clear_ibuf [dreg:s7], $0x5FFFF;
	_ =	strace $0x90000046  }
0xb2: {  	s29 =	simm.s32 $0x9;
	_ =	strace $0x80000048  }
0xb3: {  	_ =	swait.ge [sflag:s29], $0x1  }
0xb4: {  	[sflag:s29] =	ssyncadd.s32 $0xFFFFFFFF  }
0xb5: {  	_ =	strace $0x90000048  }
0xb6: {  	_ =	sfence  }
0xb7: {  	s30 =	sld [smem:$0x0];
	_ =	sdelay $0x2  }
0xb8: {  	s31 =	sshll.u32 s1, $0xD;
	s1 =	sshrl.u32 s1, $0x2  }
0xb9: {  	s3 =	sand.u32 $0x4000, s31;
	s1 =	sadd.s32 s1, s30  }
0xba: {  	s0 =	sor.u32 s3, s0;
	s1 =	sshll.u32 s1, $0x11  }
0xbb: {  	s0 =	sor.u32 s1, s0  }
0xbc: {  	s0 =	sadd.s32 $0x8F2B, s0  }
0xbd: {  	[sflag:s0] =	ssyncadd.remote.s32 $0x1  }
0xbe: {  	_ =	sfence.sel $0xFFFF  }
0xbf: {  	[dreg:$0x0] =	wrdreg $0xFFFFFFFF;
	(pc) =	sbr.abs _section_cstart, $3  }
0xc0: {  	[dreg:$0x1] =	wrdreg $0xFFFFFFFF  }
0xc1: {  	_ =	task.clear_ibuf [dreg:s7], $0x2FFFF;
	_ =	strace $0x9FFFFFFF  }
0xc2: {  	(tm) =	ssettm $0x7FFFFFFF  }
0xc3: {  	_ =	shalt  }
tec
execute0_lowered:
.L_overlay_start_1:
0x0: {  	(tag) =	ssettag $0x1  }
0x1: {  	s0 =	srdreg.scid;
	s3 =	rddreg [dreg:$0x0]  }
0x2: {  	s5 =	rddreg [dreg:$0x1];
	s4 =	sand.u32 $0x1, s0  }
0x3: {  	s1 =	stileid.u32;
	s8 =	simm.s32 $0x0;
	s2 =	sshll.u32 s4, $0x4  }
0x4: {  	s4 =	ssub.s32 $0x2, s4;
	s6 =	sor.u32 s1, s2;
	s2 =	simm.s32 $0x0  }
0x5: {  	s7 =	sshrl.u32 s4, $0x1;
	s6 =	smul.u32 $0x4E2, s6;
	[smem:$0x7FF] =	sst s2  }
0x6: {  	s0 =	rddreg [dreg:$0x2];
	s7 =	ssub.s32 s4, s7;
	_ =	strace $0x80000047  }
0x7: {  	s5 =	sadd.s32 s6, s5;
	s3 =	sadd.s32 s3, s6;
	s6 =	simm.s32 $0x2710  }
0x8: {  	v0 =	vimm.f32 $0.0e+00;
	v1 =	vimm.f32 $1.000000000e+00;
	s4 =	sadd.s32 $0x2800, s5;
	s5 =	smax.u32 s7, $0x1;
	s7 =	simm.s32 $0x1  }
.LBB2_1:
0x9: {  	[tilespmem:s6], [sflag:$0x1] =	stream.linear.gather [hbm4b:s3+s2], $0x2710, $0x38;
	[tilespmem:$0x4E20] =	vst v63  }
0xa: {  	_ =	swait.ge [sflag:s7], $0x2710  }
0xb: {  	[sflag:s7] =	ssyncset.done $0x0  }
0xc: {  	s9 =	simm.s32 $0x0;
	[sflag:s7] =	ssyncadd.s32 $0xFFFFD8F0  }
.LBB2_2:
0xd: {  	p0 =	sne.s32 s9, $0x9C00  }
.Ltmp0:
0xe: {  	_ = 	snop;
	(pc) =	sbr.rel @p0 .LBB2_2-.Ltmp0, $3  }
0xf: {  	_ =	sdelay $0x1  }
0x10: {  	s10 =	sshra.s32 s9, $0x2  }
0x11: {  	s9 =	sadd.s32 $0x40, s9;
	[tilespmem:s10+$0x0] =	vst v0  }
0x12: {  	s10 =	simm.s32 $0x0;
	s9 =	simm.s32 $0x40  }
.LBB2_4:
0x13: {  	p0 =	sne.s32 s9, $0x9C00;
	v2 =	vld [tilespmem:s10+$0x2710];
	_ =	sdelay $0x3  }
.Ltmp1:
0x14: {  	(pc) =	sbr.rel @p0 .LBB2_4-.Ltmp1, $2  }
0x15: {  	_ =	sdelay $0x2  }
0x16: {  	s10 =	sshra.s32 s9, $0x2;
	s9 =	sadd.s32 $0x40, s9;
	[tilespmem:v2+s2+$0x0] =	vst.idx.add.f32.msk $0xffff, v1  }
0x17: {  	v2 =	vld [tilespmem:s10+$0x2710];
	_ =	sdelay $0x5  }
0x18: {  	s8 =	sadd.s32 $0x1, s8  }
0x19: {  	p0 =	sne.s32 s8, s5  }
.Ltmp2:
0x1a: {  	[tilespmem:v2+s2+$0x0] =	vst.idx.add.f32.msk $0xffff, v1;
	(pc) =	sbr.rel @p0 .LBB2_1-.Ltmp2, $4  }
0x1b: {  	[hbm4b:s4+s2] =	stream.linear.scatter [tilespmem:s2], [sflag:$0x1], $0x2710, $0x38;
	[tilespmem:$0x4E20] =	vst v63  }
0x1c: {  	_ =	swait.ge [sflag:s7], $0x2710  }
0x1d: {  	[sflag:s7] =	ssyncset.done $0x0  }
0x1e: {  	[sflag:s7] =	ssyncadd.s32 $0xFFFFD8F0  }
0x1f: {  	_ =	sfence.sel $0x180000  }
0x20: {  	[bflag:$0x0] =	sbarrier.arrive $0xFFFF  }
0x21: {  	p0 =	sne.s32 s1, $0x0;
	_ =	strace $0x90000047  }
0x22: {  	s0 =	sadd.s32 @!p0 $0x100000, s0;
	[bflag:$0x2] =	sbarrier.arrive $0xFFFF  }
0x23: {  	[sflag:s0] =	ssyncadd.tile.s32 @!p0 $0x1;
	_ =	shalt  }
.Lfunc_end2:
_tile_overlayer_lowered:
.L_overlay_start_2:
0x24: {  	(tag) =	ssettag $0x2  }
0x25: {  	s0 =	rddreg [dreg:$0x0];
	s2 =	stileid.u32  }
0x26: {  	s1 =	rddreg [dreg:$0x1];
	p0 =	sne.s32 s2, $0x0  }
0x27: {  	s3 =	rddreg [dreg:$0x2];
	[bflag:$0x3] =	sbarrier.arrive $0xFFFF;
	s2 =	simm.s32 @!p0 $0x1C01  }
0x28: {  	[timem:s3], [sflag:s2] =	dma.local @!p0 [hbm:s0], s1  }
0x29: {  	s0 =	simm.s32 @!p0 $0x1  }
0x2a: {  	_ =	swait.ge @!p0 [sflag:s0], s1  }
0x2b: {  	s1 =	ssub.s32 @!p0 $0x0, s1;
	[sflag:s0] =	ssyncset.done @!p0 $0x0  }
0x2c: {  	[sflag:s0] =	ssyncadd.s32 @!p0 s1  }
0x2d: {  	[bflag:$0x3] =	sbarrier.arrive $0xFFFF  }
0x2e: {  	_ =	shalt  }

</sc_bundles>
